<compile_context>
chip_gen: v7x
topology: tpu7x:2x2x1
jax: 0.10.2.dev20260603
libtpu: 0.0.44.dev20260713+nightly
codegen_flags: <defaults>
</compile_context>

<pallas_src>
import functools
from math import log

import jax
import jax.numpy as jnp
from jax import lax
from jax.experimental import pallas as pl
from jax.experimental.pallas import tpu as pltpu
from jax.experimental.pallas import tpu_sc as plsc

NNODES = 1000000
DIM = 32
NEGK = 5
NPOS = 131072
LRATE = 0.025

L = 16
NW = 32
CH = 128
BR = 2000
NBLK = NNODES // BR
TABN = 1202
TABP = 1232
META = 528

_mesh = plsc.VectorSubcoreMesh(core_axis_name="c", subcore_axis_name="s")


def _wid():
    return lax.axis_index("s") * 2 + lax.axis_index("c")


def _sget(ref, i):
    return ref[pl.ds(i, L)][0]


def _make_grads_kernel(n_pairs, nbias, target):
    per = n_pairs // NW
    nch = per // CH

    @functools.partial(
        pl.kernel,
        mesh=_mesh,
        compiler_params=pltpu.CompilerParams(needs_layout_passes=False, use_tc_tiling_on_sc=False),
        out_type=jax.ShapeDtypeStruct((2 * n_pairs, DIM), jnp.float32),
        scratch_types=[
            pltpu.VMEM((CH,), jnp.int32),
            pltpu.VMEM((CH,), jnp.int32),
            pltpu.VMEM((CH, DIM), jnp.float32),
            pltpu.VMEM((CH, DIM), jnp.float32),
            pltpu.VMEM((CH, DIM), jnp.float32),
            pltpu.VMEM((CH, DIM), jnp.float32),
            pltpu.VMEM((TABP,), jnp.float32),
            pltpu.SemaphoreType.DMA,
        ],
    )
    def grads_k(w_hbm, iu_hbm, iv_hbm, tab_hbm, out_hbm,
                iu_v, iv_v, eu_v, ev_v, gu_v, gv_v, tab_v, sem):
        w = _wid()
        base = w * per
        pltpu.sync_copy(tab_hbm, tab_v)

        def chunk(c, carry):
            off = pl.multiple_of(base + c * CH, CH)
            pltpu.sync_copy(iu_hbm.at[pl.ds(off, CH)], iu_v)
            pltpu.sync_copy(iv_hbm.at[pl.ds(off, CH)], iv_v)
            pltpu.async_copy(w_hbm.at[iu_v], eu_v, sem).wait()
            pltpu.async_copy(w_hbm.at[iv_v], ev_v, sem).wait()

            def pair(p, carry2):
                u0 = eu_v[p, pl.ds(0, L)]
                u1 = eu_v[p, pl.ds(L, L)]
                v0 = ev_v[p, pl.ds(0, L)]
                v1 = ev_v[p, pl.ds(L, L)]
                s = jnp.sum(u0 * v0 + u1 * v1)
                score = jnp.clip(s - nbias, -6.0, 6.0)
                t = ((score + 6.01) * 100.0).astype(jnp.int32)
                t = jnp.clip(t, 0, TABN - 1)
                c_s = (target - _sget(tab_v, t)) * LRATE
                gu_v[p, pl.ds(0, L)] = c_s * v0
                gu_v[p, pl.ds(L, L)] = c_s * v1
                gv_v[p, pl.ds(0, L)] = c_s * u0
                gv_v[p, pl.ds(L, L)] = c_s * u1
                return carry2

            lax.fori_loop(0, CH, pair, 0)
            pltpu.sync_copy(gu_v, out_hbm.at[pl.ds(off, CH)])
            pltpu.sync_copy(gv_v, out_hbm.at[pl.ds(n_pairs + off, CH)])
            return carry

        lax.fori_loop(0, nch, chunk, 0)

    return grads_k


def _make_apply_kernel():
    @functools.partial(
        pl.kernel,
        mesh=_mesh,
        compiler_params=pltpu.CompilerParams(needs_layout_passes=False, use_tc_tiling_on_sc=False),
        out_type=jax.ShapeDtypeStruct((NNODES, DIM), jnp.float32),
        scratch_types=[
            pltpu.VMEM((BR, DIM), jnp.float32),
            pltpu.VMEM((CH + L,), jnp.int32),
            pltpu.VMEM((CH,), jnp.int32),
            pltpu.VMEM((CH, DIM), jnp.float32),
            pltpu.VMEM((META,), jnp.int32),
            pltpu.VMEM((META,), jnp.int32),
            pltpu.VMEM((META,), jnp.int32),
            pltpu.SemaphoreType.DMA,
        ],
    )
    def apply_k(w_hbm, grads_hbm, sidx_hbm, perm_hbm, st_hbm, as_hbm, nc_hbm,
                out_hbm, blk_v, sidx_v, perm_v, grad_v, st_v, as_v, nc_v, sem):
        w = _wid()
        pltpu.sync_copy(st_hbm, st_v.at[pl.ds(0, 512)])
        pltpu.sync_copy(as_hbm, as_v.at[pl.ds(0, 512)])
        pltpu.sync_copy(nc_hbm, nc_v.at[pl.ds(0, 512)])
        nblk_own = (NBLK - 1 - w) // NW + 1

        def blk(tb, carry):
            b = w + tb * NW
            rbase = pl.multiple_of(b * BR, 16)
            pltpu.sync_copy(w_hbm.at[pl.ds(rbase, BR)], blk_v)
            s_b = _sget(st_v, b)
            e_b = _sget(st_v, b + 1)
            a_b = _sget(as_v, b)
            n_b = _sget(nc_v, b)

            def chunk(c, carry2):
                coff = pl.multiple_of(a_b + c * CH, CH)
                pltpu.sync_copy(sidx_hbm.at[pl.ds(coff, CH)], sidx_v.at[pl.ds(0, CH)])
                pltpu.sync_copy(perm_hbm.at[pl.ds(coff, CH)], perm_v)
                pltpu.async_copy(grads_hbm.at[perm_v], grad_v, sem).wait()

                def upd(j, carry3):
                    p = coff + j
                    ok = (p >= s_b) & (p < e_b)
                    r = _sget(sidx_v, j) - rbase
                    r = jnp.clip(r, 0, BR - 1)
                    zero = jnp.zeros((L,), jnp.float32)
                    okv = jnp.full((L,), ok)
                    g0 = jnp.where(okv, grad_v[j, pl.ds(0, L)], zero)
                    g1 = jnp.where(okv, grad_v[j, pl.ds(L, L)], zero)
                    blk_v[r, pl.ds(0, L)] = blk_v[r, pl.ds(0, L)] + g0
                    blk_v[r, pl.ds(L, L)] = blk_v[r, pl.ds(L, L)] + g1
                    return carry3

                lax.fori_loop(0, CH, upd, 0)
                return carry2

            lax.fori_loop(0, n_b, chunk, 0)
            pltpu.sync_copy(blk_v, out_hbm.at[pl.ds(rbase, BR)])
            return carry

        lax.fori_loop(0, nblk_own, blk, 0)

    return apply_k


_grads_pos = _make_grads_kernel(NPOS, log(NNODES), 1.0)
_grads_neg = _make_grads_kernel(NPOS * NEGK, log(NNODES / NEGK), 0.0)
_apply_k = _make_apply_kernel()


def _sig_table():
    t = jax.nn.sigmoid(jnp.arange(-6.01, 6.01, 0.01, dtype=jnp.float32))
    t = t.at[0].set(0.0).at[-1].set(1.0)
    return jnp.concatenate([t, jnp.zeros((TABP - TABN,), jnp.float32)])


def _run_pass(grads_fn, w, iu, iv, tab):
    grads = grads_fn(w, iu, iv, tab)
    m = 2 * iu.shape[0]
    cidx = jnp.concatenate([iu, iv])
    sidx, perm = lax.sort_key_val(cidx, jnp.arange(m, dtype=jnp.int32))
    bnds = jnp.arange(NBLK + 1, dtype=jnp.int32) * BR
    starts = jnp.searchsorted(sidx, bnds, side="left").astype(jnp.int32)
    astart = starts[:-1] - starts[:-1] % CH
    aend = starts[1:] + (-starts[1:]) % CH
    nch = (aend - astart) // CH
    pad = lambda a: jnp.concatenate([a, jnp.zeros((512 - a.shape[0],), jnp.int32)])
    return _apply_k(w, grads, sidx, perm, pad(starts), pad(astart), pad(nch))


def kernel(W, idx_pos_u, idx_pos_v, idx_neg_u, idx_neg_v):
    tab = _sig_table()
    w1 = _run_pass(_grads_pos, W, idx_pos_u, idx_pos_v, tab)
    w2 = _run_pass(_grads_neg, w1, idx_neg_u, idx_neg_v, tab)
    return w2

# --- scband reference (transcript-rebuilt; emitter-appended) ---
"""Pipeline reference for scband-verse-25941602468492 (READ-ONLY COPY).

The authoritative reference and input builder live on the scoring server;
editing this copy changes nothing except your own understanding.
"""

import jax, jax.numpy as jnp
import numpy as np
from math import log

NUM_NODES = 1000000
EMB_DIM = 32
NEG = 5
POS = 131072
LR = 0.025


def setup_inputs(seed: int = 0) -> dict:
    key = jax.random.key(seed)
    k1, k2, k3, k4, k5 = jax.random.split(key, 5)
    W = jax.random.uniform(k1, (NUM_NODES, EMB_DIM), jnp.float32, -0.5, 0.5)
    idx_pos_u = jax.random.randint(k2, (POS,), 0, NUM_NODES, dtype=jnp.int32)
    idx_pos_v = jax.random.randint(k3, (POS,), 0, NUM_NODES, dtype=jnp.int32)
    idx_neg_u = jax.random.randint(k4, (POS * NEG,), 0, NUM_NODES, dtype=jnp.int32)
    idx_neg_v = jax.random.randint(k5, (POS * NEG,), 0, NUM_NODES, dtype=jnp.int32)
    return {"W": W, "idx_pos_u": idx_pos_u, "idx_pos_v": idx_pos_v, "idx_neg_u": idx_neg_u, "idx_neg_v": idx_neg_v}


def _make_lookup():
    t = jax.nn.sigmoid(jnp.arange(-6.01, 6.01, 0.01, dtype=jnp.float32))
    t = t.at[0].set(0.0).at[-1].set(1.0)
    return t


def reference(W, idx_pos_u, idx_pos_v, idx_neg_u, idx_neg_v):
    lookup = _make_lookup()
    n_table = lookup.shape[0]

    def fast_sigmoid(score):
        idx = jnp.floor((score + 6.01) / 0.01).astype(jnp.int32)
        idx = jnp.clip(idx, 0, n_table - 1)
        return jnp.take(lookup, idx)

    nce_bias = log(NUM_NODES)
    nce_neg_bias = log(NUM_NODES / NEG)

    # positive pass: gather, score, scatter-add gradient updates
    emb_pos_u = jnp.take(W, idx_pos_u, axis=0)
    emb_pos_v = jnp.take(W, idx_pos_v, axis=0)
    pos_score = jnp.sum(emb_pos_u * emb_pos_v, axis=1) - nce_bias
    pos_score = jnp.clip(pos_score, -6.0, 6.0)
    score = ((1.0 - fast_sigmoid(pos_score)) * LR)[:, None]
    grad_u_pos = score * emb_pos_v
    grad_v_pos = score * emb_pos_u
    W = W.at[idx_pos_u].add(grad_u_pos)
    W = W.at[idx_pos_v].add(grad_v_pos)

    # negative pass: gathers see the positively-updated table (as in torch code)
    emb_neg_u = jnp.take(W, idx_neg_u, axis=0)
    emb_neg_v = jnp.take(W, idx_neg_v, axis=0)
    neg_score = jnp.sum(emb_neg_u * emb_neg_v, axis=1) - nce_neg_bias
    neg_score = jnp.clip(neg_score, -6.0, 6.0)
    score = (0.0 - fast_sigmoid(neg_score) * LR)[:, None]
    grad_u_neg = score * emb_neg_v
    grad_v_neg = score * emb_neg_u
    W = W.at[idx_neg_u].add(grad_u_neg)
    W = W.at[idx_neg_v].add(grad_v_neg)
    return W

if __name__ == "__main__":
    import jax
    _d = setup_inputs()
    print(jax.jit(kernel)(*tuple(_d.values())))

</pallas_src>

<mosaic_0001>
#map = affine_map<(d0, d1) -> (0, 0)>
#map1 = affine_map<(d0, d1) -> (0)>
module attributes {stable_mosaic.version = 14 : i64} {
  func.func @grads_k(%arg0: i32, %arg1: i32, %arg2: memref<1000000x32xf32, #tpu.memory_space<hbm>>, %arg3: memref<655360xi32, #tpu.memory_space<hbm>>, %arg4: memref<655360xi32, #tpu.memory_space<hbm>>, %arg5: memref<1232xf32, #tpu.memory_space<hbm>>, %arg6: memref<1310720x32xf32, #tpu.memory_space<hbm>>, %arg7: memref<128xi32, #tpu.memory_space<vmem>>, %arg8: memref<128xi32, #tpu.memory_space<vmem>>, %arg9: memref<128x32xf32, #tpu.memory_space<vmem>>, %arg10: memref<128x32xf32, #tpu.memory_space<vmem>>, %arg11: memref<128x32xf32, #tpu.memory_space<vmem>>, %arg12: memref<128x32xf32, #tpu.memory_space<vmem>>, %arg13: memref<1232xf32, #tpu.memory_space<vmem>>, %arg14: memref<!tpu.dma_semaphore, #tpu.memory_space<semaphore_mem>>) attributes {dimension_semantics = [#tpu.dimension_semantics<core_parallel>, #tpu.dimension_semantics<subcore_parallel>], iteration_bounds = array<i64: 2, 16>, scalar_prefetch = 0 : i64, scratch_operands = 8 : i64, tpu.core_type = #tpu.core_type<sc_vector_subcore>, window_params = [{transform_indices = #map}, {transform_indices = #map1}, {transform_indices = #map1}, {transform_indices = #map1}, {transform_indices = #map}]} {
    %mul3A = arith.constant 2 : i32
    %mul3A_0 = arith.muli %arg1, %mul3A : i32
    %add3A = arith.addi %mul3A_0, %arg0 : i32
    %mul3A_1 = arith.constant 20480 : i32
    %mul3A_2 = arith.muli %add3A, %mul3A_1 : i32
    "tpu.region"() ({
      %run_scoped3A = tpu.sem_alloc : memref<!tpu.dma_semaphore, #tpu.memory_space<semaphore_mem>>
      tpu.enqueue_dma source(%arg5 : memref<1232xf32, #tpu.memory_space<hbm>>) target(%arg13 : memref<1232xf32, #tpu.memory_space<vmem>>) target_semaphore(%run_scoped3A : memref<!tpu.dma_semaphore, #tpu.memory_space<semaphore_mem>>)
      tpu.wait_dma2 semaphore(%run_scoped3A : memref<!tpu.dma_semaphore, #tpu.memory_space<semaphore_mem>>) src(%arg5 : memref<1232xf32, #tpu.memory_space<hbm>>) dst(%arg13 : memref<1232xf32, #tpu.memory_space<vmem>>)
      tpu.yield
    }) : () -> ()
    %scan3A = arith.constant 0 : i32
    %scan3A_3 = arith.constant 0 : i32
    %scan3A_4 = arith.constant 160 : i32
    %scan3A_5 = arith.addi %scan3A_3, %scan3A_4 : i32
    %scan3A_6 = arith.constant 1 : i32
    scf.for %scan3A_8 = %scan3A_3 to %scan3A_5 step %scan3A_6  : i32 {
      %mul3A_9 = arith.constant 128 : i32
      %mul3A_10 = arith.muli %scan3A_8, %mul3A_9 : i32
      %add3A_11 = arith.addi %mul3A_2, %mul3A_10 : i32
      %multiple_of3A = tpu.assume_multiple %add3A_11, 128 : i32
      "tpu.region"() ({
        %run_scoped3A = tpu.sem_alloc : memref<!tpu.dma_semaphore, #tpu.memory_space<semaphore_mem>>
        %dma_start3A_30 = tpu.memref_slice %arg3[%multiple_of3A] : memref<655360xi32, #tpu.memory_space<hbm>> -> memref<128xi32, #tpu.memory_space<hbm>>
        %dma_start3A_31 = tpu.memref_slice %arg3[%multiple_of3A] : memref<655360xi32, #tpu.memory_space<hbm>> -> memref<128xi32, #tpu.memory_space<hbm>>
        tpu.enqueue_dma source(%dma_start3A_31 : memref<128xi32, #tpu.memory_space<hbm>>) target(%arg7 : memref<128xi32, #tpu.memory_space<vmem>>) target_semaphore(%run_scoped3A : memref<!tpu.dma_semaphore, #tpu.memory_space<semaphore_mem>>)
        %dma_wait3A_32 = tpu.memref_slice %arg3[%multiple_of3A] : memref<655360xi32, #tpu.memory_space<hbm>> -> memref<128xi32, #tpu.memory_space<hbm>>
        %dma_wait3A_33 = tpu.memref_slice %arg3[%multiple_of3A] : memref<655360xi32, #tpu.memory_space<hbm>> -> memref<128xi32, #tpu.memory_space<hbm>>
        tpu.wait_dma2 semaphore(%run_scoped3A : memref<!tpu.dma_semaphore, #tpu.memory_space<semaphore_mem>>) src(%dma_wait3A_33 : memref<128xi32, #tpu.memory_space<hbm>>) dst(%arg7 : memref<128xi32, #tpu.memory_space<vmem>>)
        tpu.yield
      }) : () -> ()
      "tpu.region"() ({
        %run_scoped3A = tpu.sem_alloc : memref<!tpu.dma_semaphore, #tpu.memory_space<semaphore_mem>>
        %dma_start3A_30 = tpu.memref_slice %arg4[%multiple_of3A] : memref<655360xi32, #tpu.memory_space<hbm>> -> memref<128xi32, #tpu.memory_space<hbm>>
        %dma_start3A_31 = tpu.memref_slice %arg4[%multiple_of3A] : memref<655360xi32, #tpu.memory_space<hbm>> -> memref<128xi32, #tpu.memory_space<hbm>>
        tpu.enqueue_dma source(%dma_start3A_31 : memref<128xi32, #tpu.memory_space<hbm>>) target(%arg8 : memref<128xi32, #tpu.memory_space<vmem>>) target_semaphore(%run_scoped3A : memref<!tpu.dma_semaphore, #tpu.memory_space<semaphore_mem>>)
        %dma_wait3A_32 = tpu.memref_slice %arg4[%multiple_of3A] : memref<655360xi32, #tpu.memory_space<hbm>> -> memref<128xi32, #tpu.memory_space<hbm>>
        %dma_wait3A_33 = tpu.memref_slice %arg4[%multiple_of3A] : memref<655360xi32, #tpu.memory_space<hbm>> -> memref<128xi32, #tpu.memory_space<hbm>>
        tpu.wait_dma2 semaphore(%run_scoped3A : memref<!tpu.dma_semaphore, #tpu.memory_space<semaphore_mem>>) src(%dma_wait3A_33 : memref<128xi32, #tpu.memory_space<hbm>>) dst(%arg8 : memref<128xi32, #tpu.memory_space<vmem>>)
        tpu.yield
      }) : () -> ()
      %dma_start3A = arith.constant 0 : i32
      %dma_start3A_12 = arith.constant 0 : i32
      %dma_start3A_13 = tpu.memref_slice %arg2[%dma_start3A, %dma_start3A_12] : memref<1000000x32xf32, #tpu.memory_space<hbm>> -> memref<1000000x32xf32, #tpu.memory_space<hbm>>
      tpu.enqueue_indirect_dma source(%dma_start3A_13 : memref<1000000x32xf32, #tpu.memory_space<hbm>>) target(%arg9 : memref<128x32xf32, #tpu.memory_space<vmem>>) offsets(%arg7 : memref<128xi32, #tpu.memory_space<vmem>>) semaphore(%arg14 : memref<!tpu.dma_semaphore, #tpu.memory_space<semaphore_mem>>)
      %dma_wait3A = arith.constant 0 : i32
      %dma_wait3A_14 = arith.constant 0 : i32
      %dma_wait3A_15 = tpu.memref_slice %arg2[%dma_wait3A, %dma_wait3A_14] : memref<1000000x32xf32, #tpu.memory_space<hbm>> -> memref<1000000x32xf32, #tpu.memory_space<hbm>>
      tpu.wait_indirect_dma semaphore(%arg14 : memref<!tpu.dma_semaphore, #tpu.memory_space<semaphore_mem>>) src(%dma_wait3A_15 : memref<1000000x32xf32, #tpu.memory_space<hbm>>) dst(%arg9 : memref<128x32xf32, #tpu.memory_space<vmem>>)
      %dma_start3A_16 = arith.constant 0 : i32
      %dma_start3A_17 = arith.constant 0 : i32
      %dma_start3A_18 = tpu.memref_slice %arg2[%dma_start3A_16, %dma_start3A_17] : memref<1000000x32xf32, #tpu.memory_space<hbm>> -> memref<1000000x32xf32, #tpu.memory_space<hbm>>
      tpu.enqueue_indirect_dma source(%dma_start3A_18 : memref<1000000x32xf32, #tpu.memory_space<hbm>>) target(%arg10 : memref<128x32xf32, #tpu.memory_space<vmem>>) offsets(%arg8 : memref<128xi32, #tpu.memory_space<vmem>>) semaphore(%arg14 : memref<!tpu.dma_semaphore, #tpu.memory_space<semaphore_mem>>)
      %dma_wait3A_19 = arith.constant 0 : i32
      %dma_wait3A_20 = arith.constant 0 : i32
      %dma_wait3A_21 = tpu.memref_slice %arg2[%dma_wait3A_19, %dma_wait3A_20] : memref<1000000x32xf32, #tpu.memory_space<hbm>> -> memref<1000000x32xf32, #tpu.memory_space<hbm>>
      tpu.wait_indirect_dma semaphore(%arg14 : memref<!tpu.dma_semaphore, #tpu.memory_space<semaphore_mem>>) src(%dma_wait3A_21 : memref<1000000x32xf32, #tpu.memory_space<hbm>>) dst(%arg10 : memref<128x32xf32, #tpu.memory_space<vmem>>)
      %scan3A_22 = arith.constant 0 : i32
      %scan3A_23 = arith.constant 0 : i32
      %scan3A_24 = arith.constant 128 : i32
      %scan3A_25 = arith.addi %scan3A_23, %scan3A_24 : i32
      %scan3A_26 = arith.constant 1 : i32
      scf.for %scan3A_30 = %scan3A_23 to %scan3A_25 step %scan3A_26  : i32 {
        %get3A = arith.index_cast %scan3A_30 : i32 to index
        %get3A_31 = arith.constant 0 : index
        %get3A_32 = tpu.vector_load %arg9[%get3A, %get3A_31] {strides = array<i32>} : memref<128x32xf32, #tpu.memory_space<vmem>>, vector<16xf32>,
        %get3A_33 = arith.index_cast %scan3A_30 : i32 to index
        %get3A_34 = arith.constant 16 : index
        %get3A_35 = tpu.vector_load %arg9[%get3A_33, %get3A_34] {strides = array<i32>} : memref<128x32xf32, #tpu.memory_space<vmem>>, vector<16xf32>,
        %get3A_36 = arith.index_cast %scan3A_30 : i32 to index
        %get3A_37 = arith.constant 0 : index
        %get3A_38 = tpu.vector_load %arg10[%get3A_36, %get3A_37] {strides = array<i32>} : memref<128x32xf32, #tpu.memory_space<vmem>>, vector<16xf32>,
        %get3A_39 = arith.index_cast %scan3A_30 : i32 to index
        %get3A_40 = arith.constant 16 : index
        %get3A_41 = tpu.vector_load %arg10[%get3A_39, %get3A_40] {strides = array<i32>} : memref<128x32xf32, #tpu.memory_space<vmem>>, vector<16xf32>,
        %mul3A_42 = arith.mulf %get3A_32, %get3A_38 : vector<16xf32>
        %mul3A_43 = arith.mulf %get3A_35, %get3A_41 : vector<16xf32>
        %add3A_44 = arith.addf %mul3A_42, %mul3A_43 : vector<16xf32>
        %reduce_sum3A = arith.constant true
        %reduce_sum3A_45 = vector.broadcast %reduce_sum3A : i1 to vector<16xi1>
        %reduce_sum3A_46 = tpu.scan <sum>, %add3A_44 masked %reduce_sum3A_45 : vector<16xf32>, vector<16xi1> -> vector<16xf32>
        %reduce_sum3A_47 = vector.extract %reduce_sum3A_46[15] : f32 from vector<16xf32>
        %sub3A = arith.constant 12.2060728 : f32
        %sub3A_48 = arith.subf %reduce_sum3A_47, %sub3A : f32
        %jit3A = arith.constant -6.000000e+00 : f32
        %jit3A_49 = arith.constant 6.000000e+00 : f32
        %max3A = arith.maximumf %jit3A, %sub3A_48 : f32
        %min3A = arith.minimumf %jit3A_49, %max3A : f32
        %add3A_50 = arith.constant 6.010000e+00 : f32
        %add3A_51 = arith.addf %min3A, %add3A_50 : f32
        %mul3A_52 = arith.constant 1.000000e+02 : f32
        %mul3A_53 = arith.mulf %add3A_51, %mul3A_52 : f32
        %convert_element_type3A = arith.fptosi %mul3A_53 : f32 to i32
        %jit3A_54 = arith.constant 0 : i32
        %jit3A_55 = arith.constant 1201 : i32
        %max3A_56 = arith.maxsi %jit3A_54, %convert_element_type3A : i32
        %min3A_57 = arith.minsi %jit3A_55, %max3A_56 : i32
        %get3A_58 = arith.index_cast %min3A_57 : i32 to index
        %get3A_59 = tpu.vector_load %arg13[%get3A_58] {strides = array<i32>} : memref<1232xf32, #tpu.memory_space<vmem>>, vector<16xf32>,
        %slice3A = vector.extract_strided_slice %get3A_59 {offsets = [0], sizes = [1], strides = [1]} : vector<16xf32> to vector<1xf32>
        %squeeze3A = vector.extract %slice3A[0] : f32 from vector<1xf32>
        %sub3A_60 = arith.constant 0.000000e+00 : f32
        %sub3A_61 = arith.subf %sub3A_60, %squeeze3A : f32
        %mul3A_62 = arith.constant 2.500000e-02 : f32
        %mul3A_63 = arith.mulf %sub3A_61, %mul3A_62 : f32
        %mul3A_64 = vector.broadcast %mul3A_63 : f32 to vector<16xf32>
        %mul3A_65 = arith.mulf %mul3A_64, %get3A_38 : vector<16xf32>
        %swap3A = arith.index_cast %scan3A_30 : i32 to index
        %swap3A_66 = arith.constant 0 : index
        %swap3A_67 = tpu.vector_load %arg11[%swap3A, %swap3A_66] {strides = array<i32>} : memref<128x32xf32, #tpu.memory_space<vmem>>, vector<16xf32>,
        tpu.vector_store %arg11[%swap3A, %swap3A_66], %mul3A_65 {strides = array<i32>} : memref<128x32xf32, #tpu.memory_space<vmem>>, vector<16xf32>,
        %mul3A_68 = vector.broadcast %mul3A_63 : f32 to vector<16xf32>
        %mul3A_69 = arith.mulf %mul3A_68, %get3A_41 : vector<16xf32>
        %swap3A_70 = arith.index_cast %scan3A_30 : i32 to index
        %swap3A_71 = arith.constant 16 : index
        %swap3A_72 = tpu.vector_load %arg11[%swap3A_70, %swap3A_71] {strides = array<i32>} : memref<128x32xf32, #tpu.memory_space<vmem>>, vector<16xf32>,
        tpu.vector_store %arg11[%swap3A_70, %swap3A_71], %mul3A_69 {strides = array<i32>} : memref<128x32xf32, #tpu.memory_space<vmem>>, vector<16xf32>,
        %mul3A_73 = vector.broadcast %mul3A_63 : f32 to vector<16xf32>
        %mul3A_74 = arith.mulf %mul3A_73, %get3A_32 : vector<16xf32>
        %swap3A_75 = arith.index_cast %scan3A_30 : i32 to index
        %swap3A_76 = arith.constant 0 : index
        %swap3A_77 = tpu.vector_load %arg12[%swap3A_75, %swap3A_76] {strides = array<i32>} : memref<128x32xf32, #tpu.memory_space<vmem>>, vector<16xf32>,
        tpu.vector_store %arg12[%swap3A_75, %swap3A_76], %mul3A_74 {strides = array<i32>} : memref<128x32xf32, #tpu.memory_space<vmem>>, vector<16xf32>,
        %mul3A_78 = vector.broadcast %mul3A_63 : f32 to vector<16xf32>
        %mul3A_79 = arith.mulf %mul3A_78, %get3A_35 : vector<16xf32>
        %swap3A_80 = arith.index_cast %scan3A_30 : i32 to index
        %swap3A_81 = arith.constant 16 : index
        %swap3A_82 = tpu.vector_load %arg12[%swap3A_80, %swap3A_81] {strides = array<i32>} : memref<128x32xf32, #tpu.memory_space<vmem>>, vector<16xf32>,
        tpu.vector_store %arg12[%swap3A_80, %swap3A_81], %mul3A_79 {strides = array<i32>} : memref<128x32xf32, #tpu.memory_space<vmem>>, vector<16xf32>,
      }
      %scan3A_27 = arith.constant 128 : i32
      "tpu.region"() ({
        %run_scoped3A = tpu.sem_alloc : memref<!tpu.dma_semaphore, #tpu.memory_space<semaphore_mem>>
        %dma_start3A_30 = arith.constant 0 : i32
        %dma_start3A_31 = tpu.memref_slice %arg6[%multiple_of3A, %dma_start3A_30] : memref<1310720x32xf32, #tpu.memory_space<hbm>> -> memref<128x32xf32, #tpu.memory_space<hbm>>
        %dma_start3A_32 = arith.constant 0 : i32
        %dma_start3A_33 = tpu.memref_slice %arg6[%multiple_of3A, %dma_start3A_32] : memref<1310720x32xf32, #tpu.memory_space<hbm>> -> memref<128x32xf32, #tpu.memory_space<hbm>>
        tpu.enqueue_dma source(%arg11 : memref<128x32xf32, #tpu.memory_space<vmem>>) target(%dma_start3A_33 : memref<128x32xf32, #tpu.memory_space<hbm>>) target_semaphore(%run_scoped3A : memref<!tpu.dma_semaphore, #tpu.memory_space<semaphore_mem>>)
        %dma_wait3A_34 = arith.constant 0 : i32
        %dma_wait3A_35 = tpu.memref_slice %arg6[%multiple_of3A, %dma_wait3A_34] : memref<1310720x32xf32, #tpu.memory_space<hbm>> -> memref<128x32xf32, #tpu.memory_space<hbm>>
        %dma_wait3A_36 = arith.constant 0 : i32
        %dma_wait3A_37 = tpu.memref_slice %arg6[%multiple_of3A, %dma_wait3A_36] : memref<1310720x32xf32, #tpu.memory_space<hbm>> -> memref<128x32xf32, #tpu.memory_space<hbm>>
        tpu.wait_dma2 semaphore(%run_scoped3A : memref<!tpu.dma_semaphore, #tpu.memory_space<semaphore_mem>>) src(%arg11 : memref<128x32xf32, #tpu.memory_space<vmem>>) dst(%dma_wait3A_37 : memref<128x32xf32, #tpu.memory_space<hbm>>)
        tpu.yield
      }) : () -> ()
      %add3A_28 = arith.constant 655360 : i32
      %add3A_29 = arith.addi %add3A_28, %multiple_of3A : i32
      "tpu.region"() ({
        %run_scoped3A = tpu.sem_alloc : memref<!tpu.dma_semaphore, #tpu.memory_space<semaphore_mem>>
        %dma_start3A_30 = arith.constant 0 : i32
        %dma_start3A_31 = tpu.memref_slice %arg6[%add3A_29, %dma_start3A_30] : memref<1310720x32xf32, #tpu.memory_space<hbm>> -> memref<128x32xf32, #tpu.memory_space<hbm>>
        %dma_start3A_32 = arith.constant 0 : i32
        %dma_start3A_33 = tpu.memref_slice %arg6[%add3A_29, %dma_start3A_32] : memref<1310720x32xf32, #tpu.memory_space<hbm>> -> memref<128x32xf32, #tpu.memory_space<hbm>>
        tpu.enqueue_dma source(%arg12 : memref<128x32xf32, #tpu.memory_space<vmem>>) target(%dma_start3A_33 : memref<128x32xf32, #tpu.memory_space<hbm>>) target_semaphore(%run_scoped3A : memref<!tpu.dma_semaphore, #tpu.memory_space<semaphore_mem>>)
        %dma_wait3A_34 = arith.constant 0 : i32
        %dma_wait3A_35 = tpu.memref_slice %arg6[%add3A_29, %dma_wait3A_34] : memref<1310720x32xf32, #tpu.memory_space<hbm>> -> memref<128x32xf32, #tpu.memory_space<hbm>>
        %dma_wait3A_36 = arith.constant 0 : i32
        %dma_wait3A_37 = tpu.memref_slice %arg6[%add3A_29, %dma_wait3A_36] : memref<1310720x32xf32, #tpu.memory_space<hbm>> -> memref<128x32xf32, #tpu.memory_space<hbm>>
        tpu.wait_dma2 semaphore(%run_scoped3A : memref<!tpu.dma_semaphore, #tpu.memory_space<semaphore_mem>>) src(%arg12 : memref<128x32xf32, #tpu.memory_space<vmem>>) dst(%dma_wait3A_37 : memref<128x32xf32, #tpu.memory_space<hbm>>)
        tpu.yield
      }) : () -> ()
    }
    %scan3A_7 = arith.constant 160 : i32
    return
  }
}

#map = affine_map<(d0, d1) -> (0, 0)>
#map1 = affine_map<(d0, d1) -> (0)>
module attributes {stable_mosaic.version = 14 : i64} {
  func.func @apply_k(%arg0: i32, %arg1: i32, %arg2: memref<1000000x32xf32, #tpu.memory_space<hbm>>, %arg3: memref<1310720x32xf32, #tpu.memory_space<hbm>>, %arg4: memref<1310720xi32, #tpu.memory_space<hbm>>, %arg5: memref<1310720xi32, #tpu.memory_space<hbm>>, %arg6: memref<512xi32, #tpu.memory_space<hbm>>, %arg7: memref<512xi32, #tpu.memory_space<hbm>>, %arg8: memref<512xi32, #tpu.memory_space<hbm>>, %arg9: memref<1000000x32xf32, #tpu.memory_space<hbm>>, %arg10: memref<2000x32xf32, #tpu.memory_space<vmem>>, %arg11: memref<144xi32, #tpu.memory_space<vmem>>, %arg12: memref<128xi32, #tpu.memory_space<vmem>>, %arg13: memref<128x32xf32, #tpu.memory_space<vmem>>, %arg14: memref<528xi32, #tpu.memory_space<vmem>>, %arg15: memref<528xi32, #tpu.memory_space<vmem>>, %arg16: memref<528xi32, #tpu.memory_space<vmem>>, %arg17: memref<!tpu.dma_semaphore, #tpu.memory_space<semaphore_mem>>) attributes {dimension_semantics = [#tpu.dimension_semantics<core_parallel>, #tpu.dimension_semantics<subcore_parallel>], iteration_bounds = array<i64: 2, 16>, scalar_prefetch = 0 : i64, scratch_operands = 8 : i64, tpu.core_type = #tpu.core_type<sc_vector_subcore>, window_params = [{transform_indices = #map}, {transform_indices = #map}, {transform_indices = #map1}, {transform_indices = #map1}, {transform_indices = #map1}, {transform_indices = #map1}, {transform_indices = #map1}, {transform_indices = #map}]} {
    %mul3A = arith.constant 2 : i32
    %mul3A_0 = arith.muli %arg1, %mul3A : i32
    %add3A = arith.addi %mul3A_0, %arg0 : i32
    "tpu.region"() ({
      %run_scoped3A = tpu.sem_alloc : memref<!tpu.dma_semaphore, #tpu.memory_space<semaphore_mem>>
      %dma_start3A = arith.constant 0 : i32
      %dma_start3A_30 = tpu.memref_slice %arg14[%dma_start3A] : memref<528xi32, #tpu.memory_space<vmem>> -> memref<512xi32, #tpu.memory_space<vmem>>
      %dma_start3A_31 = arith.constant 0 : i32
      %dma_start3A_32 = tpu.memref_slice %arg14[%dma_start3A_31] : memref<528xi32, #tpu.memory_space<vmem>> -> memref<512xi32, #tpu.memory_space<vmem>>
      tpu.enqueue_dma source(%arg6 : memref<512xi32, #tpu.memory_space<hbm>>) target(%dma_start3A_32 : memref<512xi32, #tpu.memory_space<vmem>>) target_semaphore(%run_scoped3A : memref<!tpu.dma_semaphore, #tpu.memory_space<semaphore_mem>>)
      %dma_wait3A = arith.constant 0 : i32
      %dma_wait3A_33 = tpu.memref_slice %arg14[%dma_wait3A] : memref<528xi32, #tpu.memory_space<vmem>> -> memref<512xi32, #tpu.memory_space<vmem>>
      %dma_wait3A_34 = arith.constant 0 : i32
      %dma_wait3A_35 = tpu.memref_slice %arg14[%dma_wait3A_34] : memref<528xi32, #tpu.memory_space<vmem>> -> memref<512xi32, #tpu.memory_space<vmem>>
      tpu.wait_dma2 semaphore(%run_scoped3A : memref<!tpu.dma_semaphore, #tpu.memory_space<semaphore_mem>>) src(%arg6 : memref<512xi32, #tpu.memory_space<hbm>>) dst(%dma_wait3A_35 : memref<512xi32, #tpu.memory_space<vmem>>)
      tpu.yield
    }) : () -> ()
    "tpu.region"() ({
      %run_scoped3A = tpu.sem_alloc : memref<!tpu.dma_semaphore, #tpu.memory_space<semaphore_mem>>
      %dma_start3A = arith.constant 0 : i32
      %dma_start3A_30 = tpu.memref_slice %arg15[%dma_start3A] : memref<528xi32, #tpu.memory_space<vmem>> -> memref<512xi32, #tpu.memory_space<vmem>>
      %dma_start3A_31 = arith.constant 0 : i32
      %dma_start3A_32 = tpu.memref_slice %arg15[%dma_start3A_31] : memref<528xi32, #tpu.memory_space<vmem>> -> memref<512xi32, #tpu.memory_space<vmem>>
      tpu.enqueue_dma source(%arg7 : memref<512xi32, #tpu.memory_space<hbm>>) target(%dma_start3A_32 : memref<512xi32, #tpu.memory_space<vmem>>) target_semaphore(%run_scoped3A : memref<!tpu.dma_semaphore, #tpu.memory_space<semaphore_mem>>)
      %dma_wait3A = arith.constant 0 : i32
      %dma_wait3A_33 = tpu.memref_slice %arg15[%dma_wait3A] : memref<528xi32, #tpu.memory_space<vmem>> -> memref<512xi32, #tpu.memory_space<vmem>>
      %dma_wait3A_34 = arith.constant 0 : i32
      %dma_wait3A_35 = tpu.memref_slice %arg15[%dma_wait3A_34] : memref<528xi32, #tpu.memory_space<vmem>> -> memref<512xi32, #tpu.memory_space<vmem>>
      tpu.wait_dma2 semaphore(%run_scoped3A : memref<!tpu.dma_semaphore, #tpu.memory_space<semaphore_mem>>) src(%arg7 : memref<512xi32, #tpu.memory_space<hbm>>) dst(%dma_wait3A_35 : memref<512xi32, #tpu.memory_space<vmem>>)
      tpu.yield
    }) : () -> ()
    "tpu.region"() ({
      %run_scoped3A = tpu.sem_alloc : memref<!tpu.dma_semaphore, #tpu.memory_space<semaphore_mem>>
      %dma_start3A = arith.constant 0 : i32
      %dma_start3A_30 = tpu.memref_slice %arg16[%dma_start3A] : memref<528xi32, #tpu.memory_space<vmem>> -> memref<512xi32, #tpu.memory_space<vmem>>
      %dma_start3A_31 = arith.constant 0 : i32
      %dma_start3A_32 = tpu.memref_slice %arg16[%dma_start3A_31] : memref<528xi32, #tpu.memory_space<vmem>> -> memref<512xi32, #tpu.memory_space<vmem>>
      tpu.enqueue_dma source(%arg8 : memref<512xi32, #tpu.memory_space<hbm>>) target(%dma_start3A_32 : memref<512xi32, #tpu.memory_space<vmem>>) target_semaphore(%run_scoped3A : memref<!tpu.dma_semaphore, #tpu.memory_space<semaphore_mem>>)
      %dma_wait3A = arith.constant 0 : i32
      %dma_wait3A_33 = tpu.memref_slice %arg16[%dma_wait3A] : memref<528xi32, #tpu.memory_space<vmem>> -> memref<512xi32, #tpu.memory_space<vmem>>
      %dma_wait3A_34 = arith.constant 0 : i32
      %dma_wait3A_35 = tpu.memref_slice %arg16[%dma_wait3A_34] : memref<528xi32, #tpu.memory_space<vmem>> -> memref<512xi32, #tpu.memory_space<vmem>>
      tpu.wait_dma2 semaphore(%run_scoped3A : memref<!tpu.dma_semaphore, #tpu.memory_space<semaphore_mem>>) src(%arg8 : memref<512xi32, #tpu.memory_space<hbm>>) dst(%dma_wait3A_35 : memref<512xi32, #tpu.memory_space<vmem>>)
      tpu.yield
    }) : () -> ()
    %sub3A = arith.constant 499 : i32
    %sub3A_1 = arith.subi %sub3A, %add3A : i32
    %jit3A = arith.constant 32 : i32
    %div3A = arith.divsi %sub3A_1, %jit3A : i32
    %sign3A = arith.constant 0 : i32
    %sign3A_2 = arith.cmpi sgt, %sub3A_1, %sign3A : i32
    %sign3A_3 = arith.extui %sign3A_2 : i1 to i32
    %sign3A_4 = arith.constant 0 : i32
    %sign3A_5 = arith.cmpi slt, %sub3A_1, %sign3A_4 : i32
    %sign3A_6 = arith.extui %sign3A_5 : i1 to i32
    %sign3A_7 = arith.subi %sign3A_3, %sign3A_6 : i32
    %sign3A_8 = arith.constant 0 : i32
    %sign3A_9 = arith.cmpi sgt, %jit3A, %sign3A_8 : i32
    %sign3A_10 = arith.extui %sign3A_9 : i1 to i32
    %sign3A_11 = arith.constant 0 : i32
    %sign3A_12 = arith.cmpi slt, %jit3A, %sign3A_11 : i32
    %sign3A_13 = arith.extui %sign3A_12 : i1 to i32
    %sign3A_14 = arith.subi %sign3A_10, %sign3A_13 : i32
    %ne3A = arith.cmpi ne, %sign3A_7, %sign3A_14 : i32
    %rem3A = arith.remsi %sub3A_1, %jit3A : i32
    %ne3A_15 = arith.constant 0 : i32
    %ne3A_16 = arith.cmpi ne, %rem3A, %ne3A_15 : i32
    %and3A = arith.andi %ne3A, %ne3A_16 : i1
    %sub3A_17 = arith.constant 1 : i32
    %sub3A_18 = arith.subi %div3A, %sub3A_17 : i32
    %select_n3A = arith.select %and3A, %sub3A_18, %div3A : i32
    %add3A_19 = arith.constant 1 : i32
    %add3A_20 = arith.addi %select_n3A, %add3A_19 : i32
    %while3A = arith.constant 0 : i32
    %while3A_21 = arith.constant 0 : i32
    %while3A_22 = arith.subi %add3A_20, %while3A_21 : i32
    %while3A_23 = arith.addi %while3A_21, %while3A_22 : i32
    %while3A_24 = arith.constant 1 : i32
    %while3A_25 = arith.divsi %while3A_22, %while3A_24 : i32
    %while3A_26 = arith.muli %while3A_25, %while3A_24 : i32
    %while3A_27 = arith.addi %while3A_21, %while3A_26 : i32
    %while3A_28 = arith.constant 1 : i32
    scf.for %while3A_30 = %while3A_21 to %while3A_27 step %while3A_28  : i32 {
      %mul3A_31 = arith.constant 32 : i32
      %mul3A_32 = arith.muli %while3A_30, %mul3A_31 : i32
      %add3A_33 = arith.addi %add3A, %mul3A_32 : i32
      %mul3A_34 = arith.constant 2000 : i32
      %mul3A_35 = arith.muli %add3A_33, %mul3A_34 : i32
      %multiple_of3A = tpu.assume_multiple %mul3A_35, 16 : i32
      "tpu.region"() ({
        %run_scoped3A = tpu.sem_alloc : memref<!tpu.dma_semaphore, #tpu.memory_space<semaphore_mem>>
        %dma_start3A = arith.constant 0 : i32
        %dma_start3A_61 = tpu.memref_slice %arg2[%multiple_of3A, %dma_start3A] : memref<1000000x32xf32, #tpu.memory_space<hbm>> -> memref<2000x32xf32, #tpu.memory_space<hbm>>
        %dma_start3A_62 = arith.constant 0 : i32
        %dma_start3A_63 = tpu.memref_slice %arg2[%multiple_of3A, %dma_start3A_62] : memref<1000000x32xf32, #tpu.memory_space<hbm>> -> memref<2000x32xf32, #tpu.memory_space<hbm>>
        tpu.enqueue_dma source(%dma_start3A_63 : memref<2000x32xf32, #tpu.memory_space<hbm>>) target(%arg10 : memref<2000x32xf32, #tpu.memory_space<vmem>>) target_semaphore(%run_scoped3A : memref<!tpu.dma_semaphore, #tpu.memory_space<semaphore_mem>>)
        %dma_wait3A = arith.constant 0 : i32
        %dma_wait3A_64 = tpu.memref_slice %arg2[%multiple_of3A, %dma_wait3A] : memref<1000000x32xf32, #tpu.memory_space<hbm>> -> memref<2000x32xf32, #tpu.memory_space<hbm>>
        %dma_wait3A_65 = arith.constant 0 : i32
        %dma_wait3A_66 = tpu.memref_slice %arg2[%multiple_of3A, %dma_wait3A_65] : memref<1000000x32xf32, #tpu.memory_space<hbm>> -> memref<2000x32xf32, #tpu.memory_space<hbm>>
        tpu.wait_dma2 semaphore(%run_scoped3A : memref<!tpu.dma_semaphore, #tpu.memory_space<semaphore_mem>>) src(%dma_wait3A_66 : memref<2000x32xf32, #tpu.memory_space<hbm>>) dst(%arg10 : memref<2000x32xf32, #tpu.memory_space<vmem>>)
        tpu.yield
      }) : () -> ()
      %get3A = arith.index_cast %add3A_33 : i32 to index
      %get3A_36 = tpu.vector_load %arg14[%get3A] {strides = array<i32>} : memref<528xi32, #tpu.memory_space<vmem>>, vector<16xi32>,
      %slice3A = vector.extract_strided_slice %get3A_36 {offsets = [0], sizes = [1], strides = [1]} : vector<16xi32> to vector<1xi32>
      %squeeze3A = vector.extract %slice3A[0] : i32 from vector<1xi32>
      %add3A_37 = arith.constant 1 : i32
      %add3A_38 = arith.addi %add3A_33, %add3A_37 : i32
      %get3A_39 = arith.index_cast %add3A_38 : i32 to index
      %get3A_40 = tpu.vector_load %arg14[%get3A_39] {strides = array<i32>} : memref<528xi32, #tpu.memory_space<vmem>>, vector<16xi32>,
      %slice3A_41 = vector.extract_strided_slice %get3A_40 {offsets = [0], sizes = [1], strides = [1]} : vector<16xi32> to vector<1xi32>
      %squeeze3A_42 = vector.extract %slice3A_41[0] : i32 from vector<1xi32>
      %get3A_43 = arith.index_cast %add3A_33 : i32 to index
      %get3A_44 = tpu.vector_load %arg15[%get3A_43] {strides = array<i32>} : memref<528xi32, #tpu.memory_space<vmem>>, vector<16xi32>,
      %slice3A_45 = vector.extract_strided_slice %get3A_44 {offsets = [0], sizes = [1], strides = [1]} : vector<16xi32> to vector<1xi32>
      %squeeze3A_46 = vector.extract %slice3A_45[0] : i32 from vector<1xi32>
      %get3A_47 = arith.index_cast %add3A_33 : i32 to index
      %get3A_48 = tpu.vector_load %arg16[%get3A_47] {strides = array<i32>} : memref<528xi32, #tpu.memory_space<vmem>>, vector<16xi32>,
      %slice3A_49 = vector.extract_strided_slice %get3A_48 {offsets = [0], sizes = [1], strides = [1]} : vector<16xi32> to vector<1xi32>
      %squeeze3A_50 = vector.extract %slice3A_49[0] : i32 from vector<1xi32>
      %while3A_51 = arith.constant 0 : i32
      %while3A_52 = arith.constant 0 : i32
      %while3A_53 = arith.subi %squeeze3A_50, %while3A_52 : i32
      %while3A_54 = arith.addi %while3A_52, %while3A_53 : i32
      %while3A_55 = arith.constant 1 : i32
      %while3A_56 = arith.divsi %while3A_53, %while3A_55 : i32
      %while3A_57 = arith.muli %while3A_56, %while3A_55 : i32
      %while3A_58 = arith.addi %while3A_52, %while3A_57 : i32
      %while3A_59 = arith.constant 1 : i32
      scf.for %while3A_61 = %while3A_52 to %while3A_58 step %while3A_59  : i32 {
        %mul3A_62 = arith.constant 128 : i32
        %mul3A_63 = arith.muli %while3A_61, %mul3A_62 : i32
        %add3A_64 = arith.addi %squeeze3A_46, %mul3A_63 : i32
        %multiple_of3A_65 = tpu.assume_multiple %add3A_64, 128 : i32
        "tpu.region"() ({
          %run_scoped3A = tpu.sem_alloc : memref<!tpu.dma_semaphore, #tpu.memory_space<semaphore_mem>>
          %dma_start3A_75 = arith.constant 0 : i32
          %dma_start3A_76 = tpu.memref_slice %arg11[%dma_start3A_75] : memref<144xi32, #tpu.memory_space<vmem>> -> memref<128xi32, #tpu.memory_space<vmem>>
          %dma_start3A_77 = tpu.memref_slice %arg4[%multiple_of3A_65] : memref<1310720xi32, #tpu.memory_space<hbm>> -> memref<128xi32, #tpu.memory_space<hbm>>
          %dma_start3A_78 = arith.constant 0 : i32
          %dma_start3A_79 = tpu.memref_slice %arg11[%dma_start3A_78] : memref<144xi32, #tpu.memory_space<vmem>> -> memref<128xi32, #tpu.memory_space<vmem>>
          %dma_start3A_80 = tpu.memref_slice %arg4[%multiple_of3A_65] : memref<1310720xi32, #tpu.memory_space<hbm>> -> memref<128xi32, #tpu.memory_space<hbm>>
          tpu.enqueue_dma source(%dma_start3A_80 : memref<128xi32, #tpu.memory_space<hbm>>) target(%dma_start3A_79 : memref<128xi32, #tpu.memory_space<vmem>>) target_semaphore(%run_scoped3A : memref<!tpu.dma_semaphore, #tpu.memory_space<semaphore_mem>>)
          %dma_wait3A_81 = arith.constant 0 : i32
          %dma_wait3A_82 = tpu.memref_slice %arg11[%dma_wait3A_81] : memref<144xi32, #tpu.memory_space<vmem>> -> memref<128xi32, #tpu.memory_space<vmem>>
          %dma_wait3A_83 = tpu.memref_slice %arg4[%multiple_of3A_65] : memref<1310720xi32, #tpu.memory_space<hbm>> -> memref<128xi32, #tpu.memory_space<hbm>>
          %dma_wait3A_84 = arith.constant 0 : i32
          %dma_wait3A_85 = tpu.memref_slice %arg11[%dma_wait3A_84] : memref<144xi32, #tpu.memory_space<vmem>> -> memref<128xi32, #tpu.memory_space<vmem>>
          %dma_wait3A_86 = tpu.memref_slice %arg4[%multiple_of3A_65] : memref<1310720xi32, #tpu.memory_space<hbm>> -> memref<128xi32, #tpu.memory_space<hbm>>
          tpu.wait_dma2 semaphore(%run_scoped3A : memref<!tpu.dma_semaphore, #tpu.memory_space<semaphore_mem>>) src(%dma_wait3A_86 : memref<128xi32, #tpu.memory_space<hbm>>) dst(%dma_wait3A_85 : memref<128xi32, #tpu.memory_space<vmem>>)
          tpu.yield
        }) : () -> ()
        "tpu.region"() ({
          %run_scoped3A = tpu.sem_alloc : memref<!tpu.dma_semaphore, #tpu.memory_space<semaphore_mem>>
          %dma_start3A_75 = tpu.memref_slice %arg5[%multiple_of3A_65] : memref<1310720xi32, #tpu.memory_space<hbm>> -> memref<128xi32, #tpu.memory_space<hbm>>
          %dma_start3A_76 = tpu.memref_slice %arg5[%multiple_of3A_65] : memref<1310720xi32, #tpu.memory_space<hbm>> -> memref<128xi32, #tpu.memory_space<hbm>>
          tpu.enqueue_dma source(%dma_start3A_76 : memref<128xi32, #tpu.memory_space<hbm>>) target(%arg12 : memref<128xi32, #tpu.memory_space<vmem>>) target_semaphore(%run_scoped3A : memref<!tpu.dma_semaphore, #tpu.memory_space<semaphore_mem>>)
          %dma_wait3A_77 = tpu.memref_slice %arg5[%multiple_of3A_65] : memref<1310720xi32, #tpu.memory_space<hbm>> -> memref<128xi32, #tpu.memory_space<hbm>>
          %dma_wait3A_78 = tpu.memref_slice %arg5[%multiple_of3A_65] : memref<1310720xi32, #tpu.memory_space<hbm>> -> memref<128xi32, #tpu.memory_space<hbm>>
          tpu.wait_dma2 semaphore(%run_scoped3A : memref<!tpu.dma_semaphore, #tpu.memory_space<semaphore_mem>>) src(%dma_wait3A_78 : memref<128xi32, #tpu.memory_space<hbm>>) dst(%arg12 : memref<128xi32, #tpu.memory_space<vmem>>)
          tpu.yield
        }) : () -> ()
        %dma_start3A = arith.constant 0 : i32
        %dma_start3A_66 = arith.constant 0 : i32
        %dma_start3A_67 = tpu.memref_slice %arg3[%dma_start3A, %dma_start3A_66] : memref<1310720x32xf32, #tpu.memory_space<hbm>> -> memref<1310720x32xf32, #tpu.memory_space<hbm>>
        tpu.enqueue_indirect_dma source(%dma_start3A_67 : memref<1310720x32xf32, #tpu.memory_space<hbm>>) target(%arg13 : memref<128x32xf32, #tpu.memory_space<vmem>>) offsets(%arg12 : memref<128xi32, #tpu.memory_space<vmem>>) semaphore(%arg17 : memref<!tpu.dma_semaphore, #tpu.memory_space<semaphore_mem>>)
        %dma_wait3A = arith.constant 0 : i32
        %dma_wait3A_68 = arith.constant 0 : i32
        %dma_wait3A_69 = tpu.memref_slice %arg3[%dma_wait3A, %dma_wait3A_68] : memref<1310720x32xf32, #tpu.memory_space<hbm>> -> memref<1310720x32xf32, #tpu.memory_space<hbm>>
        tpu.wait_indirect_dma semaphore(%arg17 : memref<!tpu.dma_semaphore, #tpu.memory_space<semaphore_mem>>) src(%dma_wait3A_69 : memref<1310720x32xf32, #tpu.memory_space<hbm>>) dst(%arg13 : memref<128x32xf32, #tpu.memory_space<vmem>>)
        %scan3A = arith.constant 0 : i32
        %scan3A_70 = arith.constant 0 : i32
        %scan3A_71 = arith.constant 128 : i32
        %scan3A_72 = arith.addi %scan3A_70, %scan3A_71 : i32
        %scan3A_73 = arith.constant 1 : i32
        scf.for %scan3A_75 = %scan3A_70 to %scan3A_72 step %scan3A_73  : i32 {
          %add3A_76 = arith.addi %multiple_of3A_65, %scan3A_75 : i32
          %ge3A = arith.cmpi sge, %add3A_76, %squeeze3A : i32
          %lt3A = arith.cmpi slt, %add3A_76, %squeeze3A_42 : i32
          %and3A_77 = arith.andi %ge3A, %lt3A : i1
          %get3A_78 = arith.index_cast %scan3A_75 : i32 to index
          %get3A_79 = tpu.vector_load %arg11[%get3A_78] {strides = array<i32>} : memref<144xi32, #tpu.memory_space<vmem>>, vector<16xi32>,
          %slice3A_80 = vector.extract_strided_slice %get3A_79 {offsets = [0], sizes = [1], strides = [1]} : vector<16xi32> to vector<1xi32>
          %squeeze3A_81 = vector.extract %slice3A_80[0] : i32 from vector<1xi32>
          %sub3A_82 = arith.subi %squeeze3A_81, %multiple_of3A : i32
          %jit3A_83 = arith.constant 0 : i32
          %jit3A_84 = arith.constant 1999 : i32
          %max3A = arith.maxsi %jit3A_83, %sub3A_82 : i32
          %min3A = arith.minsi %jit3A_84, %max3A : i32
          %broadcast_in_dim3A = arith.constant 0.000000e+00 : f32
          %broadcast_in_dim3A_85 = vector.broadcast %broadcast_in_dim3A : f32 to vector<16xf32>
          %broadcast_in_dim3A_86 = vector.broadcast %and3A_77 : i1 to vector<16xi1>
          %get3A_87 = arith.index_cast %scan3A_75 : i32 to index
          %get3A_88 = arith.constant 0 : index
          %get3A_89 = tpu.vector_load %arg13[%get3A_87, %get3A_88] {strides = array<i32>} : memref<128x32xf32, #tpu.memory_space<vmem>>, vector<16xf32>,
          %select_n3A_90 = arith.select %broadcast_in_dim3A_86, %get3A_89, %broadcast_in_dim3A_85 : vector<16xi1>, vector<16xf32>
          %get3A_91 = arith.index_cast %scan3A_75 : i32 to index
          %get3A_92 = arith.constant 16 : index
          %get3A_93 = tpu.vector_load %arg13[%get3A_91, %get3A_92] {strides = array<i32>} : memref<128x32xf32, #tpu.memory_space<vmem>>, vector<16xf32>,
          %select_n3A_94 = arith.select %broadcast_in_dim3A_86, %get3A_93, %broadcast_in_dim3A_85 : vector<16xi1>, vector<16xf32>
          %get3A_95 = arith.index_cast %min3A : i32 to index
          %get3A_96 = arith.constant 0 : index
          %get3A_97 = tpu.vector_load %arg10[%get3A_95, %get3A_96] {strides = array<i32>} : memref<2000x32xf32, #tpu.memory_space<vmem>>, vector<16xf32>,
          %add3A_98 = arith.addf %get3A_97, %select_n3A_90 : vector<16xf32>
          %swap3A = arith.index_cast %min3A : i32 to index
          %swap3A_99 = arith.constant 0 : index
          %swap3A_100 = tpu.vector_load %arg10[%swap3A, %swap3A_99] {strides = array<i32>} : memref<2000x32xf32, #tpu.memory_space<vmem>>, vector<16xf32>,
          tpu.vector_store %arg10[%swap3A, %swap3A_99], %add3A_98 {strides = array<i32>} : memref<2000x32xf32, #tpu.memory_space<vmem>>, vector<16xf32>,
          %get3A_101 = arith.index_cast %min3A : i32 to index
          %get3A_102 = arith.constant 16 : index
          %get3A_103 = tpu.vector_load %arg10[%get3A_101, %get3A_102] {strides = array<i32>} : memref<2000x32xf32, #tpu.memory_space<vmem>>, vector<16xf32>,
          %add3A_104 = arith.addf %get3A_103, %select_n3A_94 : vector<16xf32>
          %swap3A_105 = arith.index_cast %min3A : i32 to index
          %swap3A_106 = arith.constant 16 : index
          %swap3A_107 = tpu.vector_load %arg10[%swap3A_105, %swap3A_106] {strides = array<i32>} : memref<2000x32xf32, #tpu.memory_space<vmem>>, vector<16xf32>,
          tpu.vector_store %arg10[%swap3A_105, %swap3A_106], %add3A_104 {strides = array<i32>} : memref<2000x32xf32, #tpu.memory_space<vmem>>, vector<16xf32>,
        }
        %scan3A_74 = arith.constant 128 : i32
      }
      %while3A_60 = arith.constant 1 : i32
      scf.for %while3A_61 = %while3A_58 to %while3A_54 step %while3A_60  : i32 {
        %mul3A_62 = arith.constant 128 : i32
        %mul3A_63 = arith.muli %while3A_61, %mul3A_62 : i32
        %add3A_64 = arith.addi %squeeze3A_46, %mul3A_63 : i32
        %multiple_of3A_65 = tpu.assume_multiple %add3A_64, 128 : i32
        "tpu.region"() ({
          %run_scoped3A = tpu.sem_alloc : memref<!tpu.dma_semaphore, #tpu.memory_space<semaphore_mem>>
          %dma_start3A_75 = arith.constant 0 : i32
          %dma_start3A_76 = tpu.memref_slice %arg11[%dma_start3A_75] : memref<144xi32, #tpu.memory_space<vmem>> -> memref<128xi32, #tpu.memory_space<vmem>>
          %dma_start3A_77 = tpu.memref_slice %arg4[%multiple_of3A_65] : memref<1310720xi32, #tpu.memory_space<hbm>> -> memref<128xi32, #tpu.memory_space<hbm>>
          %dma_start3A_78 = arith.constant 0 : i32
          %dma_start3A_79 = tpu.memref_slice %arg11[%dma_start3A_78] : memref<144xi32, #tpu.memory_space<vmem>> -> memref<128xi32, #tpu.memory_space<vmem>>
          %dma_start3A_80 = tpu.memref_slice %arg4[%multiple_of3A_65] : memref<1310720xi32, #tpu.memory_space<hbm>> -> memref<128xi32, #tpu.memory_space<hbm>>
          tpu.enqueue_dma source(%dma_start3A_80 : memref<128xi32, #tpu.memory_space<hbm>>) target(%dma_start3A_79 : memref<128xi32, #tpu.memory_space<vmem>>) target_semaphore(%run_scoped3A : memref<!tpu.dma_semaphore, #tpu.memory_space<semaphore_mem>>)
          %dma_wait3A_81 = arith.constant 0 : i32
          %dma_wait3A_82 = tpu.memref_slice %arg11[%dma_wait3A_81] : memref<144xi32, #tpu.memory_space<vmem>> -> memref<128xi32, #tpu.memory_space<vmem>>
          %dma_wait3A_83 = tpu.memref_slice %arg4[%multiple_of3A_65] : memref<1310720xi32, #tpu.memory_space<hbm>> -> memref<128xi32, #tpu.memory_space<hbm>>
          %dma_wait3A_84 = arith.constant 0 : i32
          %dma_wait3A_85 = tpu.memref_slice %arg11[%dma_wait3A_84] : memref<144xi32, #tpu.memory_space<vmem>> -> memref<128xi32, #tpu.memory_space<vmem>>
          %dma_wait3A_86 = tpu.memref_slice %arg4[%multiple_of3A_65] : memref<1310720xi32, #tpu.memory_space<hbm>> -> memref<128xi32, #tpu.memory_space<hbm>>
          tpu.wait_dma2 semaphore(%run_scoped3A : memref<!tpu.dma_semaphore, #tpu.memory_space<semaphore_mem>>) src(%dma_wait3A_86 : memref<128xi32, #tpu.memory_space<hbm>>) dst(%dma_wait3A_85 : memref<128xi32, #tpu.memory_space<vmem>>)
          tpu.yield
        }) : () -> ()
        "tpu.region"() ({
          %run_scoped3A = tpu.sem_alloc : memref<!tpu.dma_semaphore, #tpu.memory_space<semaphore_mem>>
          %dma_start3A_75 = tpu.memref_slice %arg5[%multiple_of3A_65] : memref<1310720xi32, #tpu.memory_space<hbm>> -> memref<128xi32, #tpu.memory_space<hbm>>
          %dma_start3A_76 = tpu.memref_slice %arg5[%multiple_of3A_65] : memref<1310720xi32, #tpu.memory_space<hbm>> -> memref<128xi32, #tpu.memory_space<hbm>>
          tpu.enqueue_dma source(%dma_start3A_76 : memref<128xi32, #tpu.memory_space<hbm>>) target(%arg12 : memref<128xi32, #tpu.memory_space<vmem>>) target_semaphore(%run_scoped3A : memref<!tpu.dma_semaphore, #tpu.memory_space<semaphore_mem>>)
          %dma_wait3A_77 = tpu.memref_slice %arg5[%multiple_of3A_65] : memref<1310720xi32, #tpu.memory_space<hbm>> -> memref<128xi32, #tpu.memory_space<hbm>>
          %dma_wait3A_78 = tpu.memref_slice %arg5[%multiple_of3A_65] : memref<1310720xi32, #tpu.memory_space<hbm>> -> memref<128xi32, #tpu.memory_space<hbm>>
          tpu.wait_dma2 semaphore(%run_scoped3A : memref<!tpu.dma_semaphore, #tpu.memory_space<semaphore_mem>>) src(%dma_wait3A_78 : memref<128xi32, #tpu.memory_space<hbm>>) dst(%arg12 : memref<128xi32, #tpu.memory_space<vmem>>)
          tpu.yield
        }) : () -> ()
        %dma_start3A = arith.constant 0 : i32
        %dma_start3A_66 = arith.constant 0 : i32
        %dma_start3A_67 = tpu.memref_slice %arg3[%dma_start3A, %dma_start3A_66] : memref<1310720x32xf32, #tpu.memory_space<hbm>> -> memref<1310720x32xf32, #tpu.memory_space<hbm>>
        tpu.enqueue_indirect_dma source(%dma_start3A_67 : memref<1310720x32xf32, #tpu.memory_space<hbm>>) target(%arg13 : memref<128x32xf32, #tpu.memory_space<vmem>>) offsets(%arg12 : memref<128xi32, #tpu.memory_space<vmem>>) semaphore(%arg17 : memref<!tpu.dma_semaphore, #tpu.memory_space<semaphore_mem>>)
        %dma_wait3A = arith.constant 0 : i32
        %dma_wait3A_68 = arith.constant 0 : i32
        %dma_wait3A_69 = tpu.memref_slice %arg3[%dma_wait3A, %dma_wait3A_68] : memref<1310720x32xf32, #tpu.memory_space<hbm>> -> memref<1310720x32xf32, #tpu.memory_space<hbm>>
        tpu.wait_indirect_dma semaphore(%arg17 : memref<!tpu.dma_semaphore, #tpu.memory_space<semaphore_mem>>) src(%dma_wait3A_69 : memref<1310720x32xf32, #tpu.memory_space<hbm>>) dst(%arg13 : memref<128x32xf32, #tpu.memory_space<vmem>>)
        %scan3A = arith.constant 0 : i32
        %scan3A_70 = arith.constant 0 : i32
        %scan3A_71 = arith.constant 128 : i32
        %scan3A_72 = arith.addi %scan3A_70, %scan3A_71 : i32
        %scan3A_73 = arith.constant 1 : i32
        scf.for %scan3A_75 = %scan3A_70 to %scan3A_72 step %scan3A_73  : i32 {
          %add3A_76 = arith.addi %multiple_of3A_65, %scan3A_75 : i32
          %ge3A = arith.cmpi sge, %add3A_76, %squeeze3A : i32
          %lt3A = arith.cmpi slt, %add3A_76, %squeeze3A_42 : i32
          %and3A_77 = arith.andi %ge3A, %lt3A : i1
          %get3A_78 = arith.index_cast %scan3A_75 : i32 to index
          %get3A_79 = tpu.vector_load %arg11[%get3A_78] {strides = array<i32>} : memref<144xi32, #tpu.memory_space<vmem>>, vector<16xi32>,
          %slice3A_80 = vector.extract_strided_slice %get3A_79 {offsets = [0], sizes = [1], strides = [1]} : vector<16xi32> to vector<1xi32>
          %squeeze3A_81 = vector.extract %slice3A_80[0] : i32 from vector<1xi32>
          %sub3A_82 = arith.subi %squeeze3A_81, %multiple_of3A : i32
          %jit3A_83 = arith.constant 0 : i32
          %jit3A_84 = arith.constant 1999 : i32
          %max3A = arith.maxsi %jit3A_83, %sub3A_82 : i32
          %min3A = arith.minsi %jit3A_84, %max3A : i32
          %broadcast_in_dim3A = arith.constant 0.000000e+00 : f32
          %broadcast_in_dim3A_85 = vector.broadcast %broadcast_in_dim3A : f32 to vector<16xf32>
          %broadcast_in_dim3A_86 = vector.broadcast %and3A_77 : i1 to vector<16xi1>
          %get3A_87 = arith.index_cast %scan3A_75 : i32 to index
          %get3A_88 = arith.constant 0 : index
          %get3A_89 = tpu.vector_load %arg13[%get3A_87, %get3A_88] {strides = array<i32>} : memref<128x32xf32, #tpu.memory_space<vmem>>, vector<16xf32>,
          %select_n3A_90 = arith.select %broadcast_in_dim3A_86, %get3A_89, %broadcast_in_dim3A_85 : vector<16xi1>, vector<16xf32>
          %get3A_91 = arith.index_cast %scan3A_75 : i32 to index
          %get3A_92 = arith.constant 16 : index
          %get3A_93 = tpu.vector_load %arg13[%get3A_91, %get3A_92] {strides = array<i32>} : memref<128x32xf32, #tpu.memory_space<vmem>>, vector<16xf32>,
          %select_n3A_94 = arith.select %broadcast_in_dim3A_86, %get3A_93, %broadcast_in_dim3A_85 : vector<16xi1>, vector<16xf32>
          %get3A_95 = arith.index_cast %min3A : i32 to index
          %get3A_96 = arith.constant 0 : index
          %get3A_97 = tpu.vector_load %arg10[%get3A_95, %get3A_96] {strides = array<i32>} : memref<2000x32xf32, #tpu.memory_space<vmem>>, vector<16xf32>,
          %add3A_98 = arith.addf %get3A_97, %select_n3A_90 : vector<16xf32>
          %swap3A = arith.index_cast %min3A : i32 to index
          %swap3A_99 = arith.constant 0 : index
          %swap3A_100 = tpu.vector_load %arg10[%swap3A, %swap3A_99] {strides = array<i32>} : memref<2000x32xf32, #tpu.memory_space<vmem>>, vector<16xf32>,
          tpu.vector_store %arg10[%swap3A, %swap3A_99], %add3A_98 {strides = array<i32>} : memref<2000x32xf32, #tpu.memory_space<vmem>>, vector<16xf32>,
          %get3A_101 = arith.index_cast %min3A : i32 to index
          %get3A_102 = arith.constant 16 : index
          %get3A_103 = tpu.vector_load %arg10[%get3A_101, %get3A_102] {strides = array<i32>} : memref<2000x32xf32, #tpu.memory_space<vmem>>, vector<16xf32>,
          %add3A_104 = arith.addf %get3A_103, %select_n3A_94 : vector<16xf32>
          %swap3A_105 = arith.index_cast %min3A : i32 to index
          %swap3A_106 = arith.constant 16 : index
          %swap3A_107 = tpu.vector_load %arg10[%swap3A_105, %swap3A_106] {strides = array<i32>} : memref<2000x32xf32, #tpu.memory_space<vmem>>, vector<16xf32>,
          tpu.vector_store %arg10[%swap3A_105, %swap3A_106], %add3A_104 {strides = array<i32>} : memref<2000x32xf32, #tpu.memory_space<vmem>>, vector<16xf32>,
        }
        %scan3A_74 = arith.constant 128 : i32
      }
      "tpu.region"() ({
        %run_scoped3A = tpu.sem_alloc : memref<!tpu.dma_semaphore, #tpu.memory_space<semaphore_mem>>
        %dma_start3A = arith.constant 0 : i32
        %dma_start3A_61 = tpu.memref_slice %arg9[%multiple_of3A, %dma_start3A] : memref<1000000x32xf32, #tpu.memory_space<hbm>> -> memref<2000x32xf32, #tpu.memory_space<hbm>>
        %dma_start3A_62 = arith.constant 0 : i32
        %dma_start3A_63 = tpu.memref_slice %arg9[%multiple_of3A, %dma_start3A_62] : memref<1000000x32xf32, #tpu.memory_space<hbm>> -> memref<2000x32xf32, #tpu.memory_space<hbm>>
        tpu.enqueue_dma source(%arg10 : memref<2000x32xf32, #tpu.memory_space<vmem>>) target(%dma_start3A_63 : memref<2000x32xf32, #tpu.memory_space<hbm>>) target_semaphore(%run_scoped3A : memref<!tpu.dma_semaphore, #tpu.memory_space<semaphore_mem>>)
        %dma_wait3A = arith.constant 0 : i32
        %dma_wait3A_64 = tpu.memref_slice %arg9[%multiple_of3A, %dma_wait3A] : memref<1000000x32xf32, #tpu.memory_space<hbm>> -> memref<2000x32xf32, #tpu.memory_space<hbm>>
        %dma_wait3A_65 = arith.constant 0 : i32
        %dma_wait3A_66 = tpu.memref_slice %arg9[%multiple_of3A, %dma_wait3A_65] : memref<1000000x32xf32, #tpu.memory_space<hbm>> -> memref<2000x32xf32, #tpu.memory_space<hbm>>
        tpu.wait_dma2 semaphore(%run_scoped3A : memref<!tpu.dma_semaphore, #tpu.memory_space<semaphore_mem>>) src(%arg10 : memref<2000x32xf32, #tpu.memory_space<vmem>>) dst(%dma_wait3A_66 : memref<2000x32xf32, #tpu.memory_space<hbm>>)
        tpu.yield
      }) : () -> ()
    }
    %while3A_29 = arith.constant 1 : i32
    scf.for %while3A_30 = %while3A_27 to %while3A_23 step %while3A_29  : i32 {
      %mul3A_31 = arith.constant 32 : i32
      %mul3A_32 = arith.muli %while3A_30, %mul3A_31 : i32
      %add3A_33 = arith.addi %add3A, %mul3A_32 : i32
      %mul3A_34 = arith.constant 2000 : i32
      %mul3A_35 = arith.muli %add3A_33, %mul3A_34 : i32
      %multiple_of3A = tpu.assume_multiple %mul3A_35, 16 : i32
      "tpu.region"() ({
        %run_scoped3A = tpu.sem_alloc : memref<!tpu.dma_semaphore, #tpu.memory_space<semaphore_mem>>
        %dma_start3A = arith.constant 0 : i32
        %dma_start3A_61 = tpu.memref_slice %arg2[%multiple_of3A, %dma_start3A] : memref<1000000x32xf32, #tpu.memory_space<hbm>> -> memref<2000x32xf32, #tpu.memory_space<hbm>>
        %dma_start3A_62 = arith.constant 0 : i32
        %dma_start3A_63 = tpu.memref_slice %arg2[%multiple_of3A, %dma_start3A_62] : memref<1000000x32xf32, #tpu.memory_space<hbm>> -> memref<2000x32xf32, #tpu.memory_space<hbm>>
        tpu.enqueue_dma source(%dma_start3A_63 : memref<2000x32xf32, #tpu.memory_space<hbm>>) target(%arg10 : memref<2000x32xf32, #tpu.memory_space<vmem>>) target_semaphore(%run_scoped3A : memref<!tpu.dma_semaphore, #tpu.memory_space<semaphore_mem>>)
        %dma_wait3A = arith.constant 0 : i32
        %dma_wait3A_64 = tpu.memref_slice %arg2[%multiple_of3A, %dma_wait3A] : memref<1000000x32xf32, #tpu.memory_space<hbm>> -> memref<2000x32xf32, #tpu.memory_space<hbm>>
        %dma_wait3A_65 = arith.constant 0 : i32
        %dma_wait3A_66 = tpu.memref_slice %arg2[%multiple_of3A, %dma_wait3A_65] : memref<1000000x32xf32, #tpu.memory_space<hbm>> -> memref<2000x32xf32, #tpu.memory_space<hbm>>
        tpu.wait_dma2 semaphore(%run_scoped3A : memref<!tpu.dma_semaphore, #tpu.memory_space<semaphore_mem>>) src(%dma_wait3A_66 : memref<2000x32xf32, #tpu.memory_space<hbm>>) dst(%arg10 : memref<2000x32xf32, #tpu.memory_space<vmem>>)
        tpu.yield
      }) : () -> ()
      %get3A = arith.index_cast %add3A_33 : i32 to index
      %get3A_36 = tpu.vector_load %arg14[%get3A] {strides = array<i32>} : memref<528xi32, #tpu.memory_space<vmem>>, vector<16xi32>,
      %slice3A = vector.extract_strided_slice %get3A_36 {offsets = [0], sizes = [1], strides = [1]} : vector<16xi32> to vector<1xi32>
      %squeeze3A = vector.extract %slice3A[0] : i32 from vector<1xi32>
      %add3A_37 = arith.constant 1 : i32
      %add3A_38 = arith.addi %add3A_33, %add3A_37 : i32
      %get3A_39 = arith.index_cast %add3A_38 : i32 to index
      %get3A_40 = tpu.vector_load %arg14[%get3A_39] {strides = array<i32>} : memref<528xi32, #tpu.memory_space<vmem>>, vector<16xi32>,
      %slice3A_41 = vector.extract_strided_slice %get3A_40 {offsets = [0], sizes = [1], strides = [1]} : vector<16xi32> to vector<1xi32>
      %squeeze3A_42 = vector.extract %slice3A_41[0] : i32 from vector<1xi32>
      %get3A_43 = arith.index_cast %add3A_33 : i32 to index
      %get3A_44 = tpu.vector_load %arg15[%get3A_43] {strides = array<i32>} : memref<528xi32, #tpu.memory_space<vmem>>, vector<16xi32>,
      %slice3A_45 = vector.extract_strided_slice %get3A_44 {offsets = [0], sizes = [1], strides = [1]} : vector<16xi32> to vector<1xi32>
      %squeeze3A_46 = vector.extract %slice3A_45[0] : i32 from vector<1xi32>
      %get3A_47 = arith.index_cast %add3A_33 : i32 to index
      %get3A_48 = tpu.vector_load %arg16[%get3A_47] {strides = array<i32>} : memref<528xi32, #tpu.memory_space<vmem>>, vector<16xi32>,
      %slice3A_49 = vector.extract_strided_slice %get3A_48 {offsets = [0], sizes = [1], strides = [1]} : vector<16xi32> to vector<1xi32>
      %squeeze3A_50 = vector.extract %slice3A_49[0] : i32 from vector<1xi32>
      %while3A_51 = arith.constant 0 : i32
      %while3A_52 = arith.constant 0 : i32
      %while3A_53 = arith.subi %squeeze3A_50, %while3A_52 : i32
      %while3A_54 = arith.addi %while3A_52, %while3A_53 : i32
      %while3A_55 = arith.constant 1 : i32
      %while3A_56 = arith.divsi %while3A_53, %while3A_55 : i32
      %while3A_57 = arith.muli %while3A_56, %while3A_55 : i32
      %while3A_58 = arith.addi %while3A_52, %while3A_57 : i32
      %while3A_59 = arith.constant 1 : i32
      scf.for %while3A_61 = %while3A_52 to %while3A_58 step %while3A_59  : i32 {
        %mul3A_62 = arith.constant 128 : i32
        %mul3A_63 = arith.muli %while3A_61, %mul3A_62 : i32
        %add3A_64 = arith.addi %squeeze3A_46, %mul3A_63 : i32
        %multiple_of3A_65 = tpu.assume_multiple %add3A_64, 128 : i32
        "tpu.region"() ({
          %run_scoped3A = tpu.sem_alloc : memref<!tpu.dma_semaphore, #tpu.memory_space<semaphore_mem>>
          %dma_start3A_75 = arith.constant 0 : i32
          %dma_start3A_76 = tpu.memref_slice %arg11[%dma_start3A_75] : memref<144xi32, #tpu.memory_space<vmem>> -> memref<128xi32, #tpu.memory_space<vmem>>
          %dma_start3A_77 = tpu.memref_slice %arg4[%multiple_of3A_65] : memref<1310720xi32, #tpu.memory_space<hbm>> -> memref<128xi32, #tpu.memory_space<hbm>>
          %dma_start3A_78 = arith.constant 0 : i32
          %dma_start3A_79 = tpu.memref_slice %arg11[%dma_start3A_78] : memref<144xi32, #tpu.memory_space<vmem>> -> memref<128xi32, #tpu.memory_space<vmem>>
          %dma_start3A_80 = tpu.memref_slice %arg4[%multiple_of3A_65] : memref<1310720xi32, #tpu.memory_space<hbm>> -> memref<128xi32, #tpu.memory_space<hbm>>
          tpu.enqueue_dma source(%dma_start3A_80 : memref<128xi32, #tpu.memory_space<hbm>>) target(%dma_start3A_79 : memref<128xi32, #tpu.memory_space<vmem>>) target_semaphore(%run_scoped3A : memref<!tpu.dma_semaphore, #tpu.memory_space<semaphore_mem>>)
          %dma_wait3A_81 = arith.constant 0 : i32
          %dma_wait3A_82 = tpu.memref_slice %arg11[%dma_wait3A_81] : memref<144xi32, #tpu.memory_space<vmem>> -> memref<128xi32, #tpu.memory_space<vmem>>
          %dma_wait3A_83 = tpu.memref_slice %arg4[%multiple_of3A_65] : memref<1310720xi32, #tpu.memory_space<hbm>> -> memref<128xi32, #tpu.memory_space<hbm>>
          %dma_wait3A_84 = arith.constant 0 : i32
          %dma_wait3A_85 = tpu.memref_slice %arg11[%dma_wait3A_84] : memref<144xi32, #tpu.memory_space<vmem>> -> memref<128xi32, #tpu.memory_space<vmem>>
          %dma_wait3A_86 = tpu.memref_slice %arg4[%multiple_of3A_65] : memref<1310720xi32, #tpu.memory_space<hbm>> -> memref<128xi32, #tpu.memory_space<hbm>>
          tpu.wait_dma2 semaphore(%run_scoped3A : memref<!tpu.dma_semaphore, #tpu.memory_space<semaphore_mem>>) src(%dma_wait3A_86 : memref<128xi32, #tpu.memory_space<hbm>>) dst(%dma_wait3A_85 : memref<128xi32, #tpu.memory_space<vmem>>)
          tpu.yield
        }) : () -> ()
        "tpu.region"() ({
          %run_scoped3A = tpu.sem_alloc : memref<!tpu.dma_semaphore, #tpu.memory_space<semaphore_mem>>
          %dma_start3A_75 = tpu.memref_slice %arg5[%multiple_of3A_65] : memref<1310720xi32, #tpu.memory_space<hbm>> -> memref<128xi32, #tpu.memory_space<hbm>>
          %dma_start3A_76 = tpu.memref_slice %arg5[%multiple_of3A_65] : memref<1310720xi32, #tpu.memory_space<hbm>> -> memref<128xi32, #tpu.memory_space<hbm>>
          tpu.enqueue_dma source(%dma_start3A_76 : memref<128xi32, #tpu.memory_space<hbm>>) target(%arg12 : memref<128xi32, #tpu.memory_space<vmem>>) target_semaphore(%run_scoped3A : memref<!tpu.dma_semaphore, #tpu.memory_space<semaphore_mem>>)
          %dma_wait3A_77 = tpu.memref_slice %arg5[%multiple_of3A_65] : memref<1310720xi32, #tpu.memory_space<hbm>> -> memref<128xi32, #tpu.memory_space<hbm>>
          %dma_wait3A_78 = tpu.memref_slice %arg5[%multiple_of3A_65] : memref<1310720xi32, #tpu.memory_space<hbm>> -> memref<128xi32, #tpu.memory_space<hbm>>
          tpu.wait_dma2 semaphore(%run_scoped3A : memref<!tpu.dma_semaphore, #tpu.memory_space<semaphore_mem>>) src(%dma_wait3A_78 : memref<128xi32, #tpu.memory_space<hbm>>) dst(%arg12 : memref<128xi32, #tpu.memory_space<vmem>>)
          tpu.yield
        }) : () -> ()
        %dma_start3A = arith.constant 0 : i32
        %dma_start3A_66 = arith.constant 0 : i32
        %dma_start3A_67 = tpu.memref_slice %arg3[%dma_start3A, %dma_start3A_66] : memref<1310720x32xf32, #tpu.memory_space<hbm>> -> memref<1310720x32xf32, #tpu.memory_space<hbm>>
        tpu.enqueue_indirect_dma source(%dma_start3A_67 : memref<1310720x32xf32, #tpu.memory_space<hbm>>) target(%arg13 : memref<128x32xf32, #tpu.memory_space<vmem>>) offsets(%arg12 : memref<128xi32, #tpu.memory_space<vmem>>) semaphore(%arg17 : memref<!tpu.dma_semaphore, #tpu.memory_space<semaphore_mem>>)
        %dma_wait3A = arith.constant 0 : i32
        %dma_wait3A_68 = arith.constant 0 : i32
        %dma_wait3A_69 = tpu.memref_slice %arg3[%dma_wait3A, %dma_wait3A_68] : memref<1310720x32xf32, #tpu.memory_space<hbm>> -> memref<1310720x32xf32, #tpu.memory_space<hbm>>
        tpu.wait_indirect_dma semaphore(%arg17 : memref<!tpu.dma_semaphore, #tpu.memory_space<semaphore_mem>>) src(%dma_wait3A_69 : memref<1310720x32xf32, #tpu.memory_space<hbm>>) dst(%arg13 : memref<128x32xf32, #tpu.memory_space<vmem>>)
        %scan3A = arith.constant 0 : i32
        %scan3A_70 = arith.constant 0 : i32
        %scan3A_71 = arith.constant 128 : i32
        %scan3A_72 = arith.addi %scan3A_70, %scan3A_71 : i32
        %scan3A_73 = arith.constant 1 : i32
        scf.for %scan3A_75 = %scan3A_70 to %scan3A_72 step %scan3A_73  : i32 {
          %add3A_76 = arith.addi %multiple_of3A_65, %scan3A_75 : i32
          %ge3A = arith.cmpi sge, %add3A_76, %squeeze3A : i32
          %lt3A = arith.cmpi slt, %add3A_76, %squeeze3A_42 : i32
          %and3A_77 = arith.andi %ge3A, %lt3A : i1
          %get3A_78 = arith.index_cast %scan3A_75 : i32 to index
          %get3A_79 = tpu.vector_load %arg11[%get3A_78] {strides = array<i32>} : memref<144xi32, #tpu.memory_space<vmem>>, vector<16xi32>,
          %slice3A_80 = vector.extract_strided_slice %get3A_79 {offsets = [0], sizes = [1], strides = [1]} : vector<16xi32> to vector<1xi32>
          %squeeze3A_81 = vector.extract %slice3A_80[0] : i32 from vector<1xi32>
          %sub3A_82 = arith.subi %squeeze3A_81, %multiple_of3A : i32
          %jit3A_83 = arith.constant 0 : i32
          %jit3A_84 = arith.constant 1999 : i32
          %max3A = arith.maxsi %jit3A_83, %sub3A_82 : i32
          %min3A = arith.minsi %jit3A_84, %max3A : i32
          %broadcast_in_dim3A = arith.constant 0.000000e+00 : f32
          %broadcast_in_dim3A_85 = vector.broadcast %broadcast_in_dim3A : f32 to vector<16xf32>
          %broadcast_in_dim3A_86 = vector.broadcast %and3A_77 : i1 to vector<16xi1>
          %get3A_87 = arith.index_cast %scan3A_75 : i32 to index
          %get3A_88 = arith.constant 0 : index
          %get3A_89 = tpu.vector_load %arg13[%get3A_87, %get3A_88] {strides = array<i32>} : memref<128x32xf32, #tpu.memory_space<vmem>>, vector<16xf32>,
          %select_n3A_90 = arith.select %broadcast_in_dim3A_86, %get3A_89, %broadcast_in_dim3A_85 : vector<16xi1>, vector<16xf32>
          %get3A_91 = arith.index_cast %scan3A_75 : i32 to index
          %get3A_92 = arith.constant 16 : index
          %get3A_93 = tpu.vector_load %arg13[%get3A_91, %get3A_92] {strides = array<i32>} : memref<128x32xf32, #tpu.memory_space<vmem>>, vector<16xf32>,
          %select_n3A_94 = arith.select %broadcast_in_dim3A_86, %get3A_93, %broadcast_in_dim3A_85 : vector<16xi1>, vector<16xf32>
          %get3A_95 = arith.index_cast %min3A : i32 to index
          %get3A_96 = arith.constant 0 : index
          %get3A_97 = tpu.vector_load %arg10[%get3A_95, %get3A_96] {strides = array<i32>} : memref<2000x32xf32, #tpu.memory_space<vmem>>, vector<16xf32>,
          %add3A_98 = arith.addf %get3A_97, %select_n3A_90 : vector<16xf32>
          %swap3A = arith.index_cast %min3A : i32 to index
          %swap3A_99 = arith.constant 0 : index
          %swap3A_100 = tpu.vector_load %arg10[%swap3A, %swap3A_99] {strides = array<i32>} : memref<2000x32xf32, #tpu.memory_space<vmem>>, vector<16xf32>,
          tpu.vector_store %arg10[%swap3A, %swap3A_99], %add3A_98 {strides = array<i32>} : memref<2000x32xf32, #tpu.memory_space<vmem>>, vector<16xf32>,
          %get3A_101 = arith.index_cast %min3A : i32 to index
          %get3A_102 = arith.constant 16 : index
          %get3A_103 = tpu.vector_load %arg10[%get3A_101, %get3A_102] {strides = array<i32>} : memref<2000x32xf32, #tpu.memory_space<vmem>>, vector<16xf32>,
          %add3A_104 = arith.addf %get3A_103, %select_n3A_94 : vector<16xf32>
          %swap3A_105 = arith.index_cast %min3A : i32 to index
          %swap3A_106 = arith.constant 16 : index
          %swap3A_107 = tpu.vector_load %arg10[%swap3A_105, %swap3A_106] {strides = array<i32>} : memref<2000x32xf32, #tpu.memory_space<vmem>>, vector<16xf32>,
          tpu.vector_store %arg10[%swap3A_105, %swap3A_106], %add3A_104 {strides = array<i32>} : memref<2000x32xf32, #tpu.memory_space<vmem>>, vector<16xf32>,
        }
        %scan3A_74 = arith.constant 128 : i32
      }
      %while3A_60 = arith.constant 1 : i32
      scf.for %while3A_61 = %while3A_58 to %while3A_54 step %while3A_60  : i32 {
        %mul3A_62 = arith.constant 128 : i32
        %mul3A_63 = arith.muli %while3A_61, %mul3A_62 : i32
        %add3A_64 = arith.addi %squeeze3A_46, %mul3A_63 : i32
        %multiple_of3A_65 = tpu.assume_multiple %add3A_64, 128 : i32
        "tpu.region"() ({
          %run_scoped3A = tpu.sem_alloc : memref<!tpu.dma_semaphore, #tpu.memory_space<semaphore_mem>>
          %dma_start3A_75 = arith.constant 0 : i32
          %dma_start3A_76 = tpu.memref_slice %arg11[%dma_start3A_75] : memref<144xi32, #tpu.memory_space<vmem>> -> memref<128xi32, #tpu.memory_space<vmem>>
          %dma_start3A_77 = tpu.memref_slice %arg4[%multiple_of3A_65] : memref<1310720xi32, #tpu.memory_space<hbm>> -> memref<128xi32, #tpu.memory_space<hbm>>
          %dma_start3A_78 = arith.constant 0 : i32
          %dma_start3A_79 = tpu.memref_slice %arg11[%dma_start3A_78] : memref<144xi32, #tpu.memory_space<vmem>> -> memref<128xi32, #tpu.memory_space<vmem>>
          %dma_start3A_80 = tpu.memref_slice %arg4[%multiple_of3A_65] : memref<1310720xi32, #tpu.memory_space<hbm>> -> memref<128xi32, #tpu.memory_space<hbm>>
          tpu.enqueue_dma source(%dma_start3A_80 : memref<128xi32, #tpu.memory_space<hbm>>) target(%dma_start3A_79 : memref<128xi32, #tpu.memory_space<vmem>>) target_semaphore(%run_scoped3A : memref<!tpu.dma_semaphore, #tpu.memory_space<semaphore_mem>>)
          %dma_wait3A_81 = arith.constant 0 : i32
          %dma_wait3A_82 = tpu.memref_slice %arg11[%dma_wait3A_81] : memref<144xi32, #tpu.memory_space<vmem>> -> memref<128xi32, #tpu.memory_space<vmem>>
          %dma_wait3A_83 = tpu.memref_slice %arg4[%multiple_of3A_65] : memref<1310720xi32, #tpu.memory_space<hbm>> -> memref<128xi32, #tpu.memory_space<hbm>>
          %dma_wait3A_84 = arith.constant 0 : i32
          %dma_wait3A_85 = tpu.memref_slice %arg11[%dma_wait3A_84] : memref<144xi32, #tpu.memory_space<vmem>> -> memref<128xi32, #tpu.memory_space<vmem>>
          %dma_wait3A_86 = tpu.memref_slice %arg4[%multiple_of3A_65] : memref<1310720xi32, #tpu.memory_space<hbm>> -> memref<128xi32, #tpu.memory_space<hbm>>
          tpu.wait_dma2 semaphore(%run_scoped3A : memref<!tpu.dma_semaphore, #tpu.memory_space<semaphore_mem>>) src(%dma_wait3A_86 : memref<128xi32, #tpu.memory_space<hbm>>) dst(%dma_wait3A_85 : memref<128xi32, #tpu.memory_space<vmem>>)
          tpu.yield
        }) : () -> ()
        "tpu.region"() ({
          %run_scoped3A = tpu.sem_alloc : memref<!tpu.dma_semaphore, #tpu.memory_space<semaphore_mem>>
          %dma_start3A_75 = tpu.memref_slice %arg5[%multiple_of3A_65] : memref<1310720xi32, #tpu.memory_space<hbm>> -> memref<128xi32, #tpu.memory_space<hbm>>
          %dma_start3A_76 = tpu.memref_slice %arg5[%multiple_of3A_65] : memref<1310720xi32, #tpu.memory_space<hbm>> -> memref<128xi32, #tpu.memory_space<hbm>>
          tpu.enqueue_dma source(%dma_start3A_76 : memref<128xi32, #tpu.memory_space<hbm>>) target(%arg12 : memref<128xi32, #tpu.memory_space<vmem>>) target_semaphore(%run_scoped3A : memref<!tpu.dma_semaphore, #tpu.memory_space<semaphore_mem>>)
          %dma_wait3A_77 = tpu.memref_slice %arg5[%multiple_of3A_65] : memref<1310720xi32, #tpu.memory_space<hbm>> -> memref<128xi32, #tpu.memory_space<hbm>>
          %dma_wait3A_78 = tpu.memref_slice %arg5[%multiple_of3A_65] : memref<1310720xi32, #tpu.memory_space<hbm>> -> memref<128xi32, #tpu.memory_space<hbm>>
          tpu.wait_dma2 semaphore(%run_scoped3A : memref<!tpu.dma_semaphore, #tpu.memory_space<semaphore_mem>>) src(%dma_wait3A_78 : memref<128xi32, #tpu.memory_space<hbm>>) dst(%arg12 : memref<128xi32, #tpu.memory_space<vmem>>)
          tpu.yield
        }) : () -> ()
        %dma_start3A = arith.constant 0 : i32
        %dma_start3A_66 = arith.constant 0 : i32
        %dma_start3A_67 = tpu.memref_slice %arg3[%dma_start3A, %dma_start3A_66] : memref<1310720x32xf32, #tpu.memory_space<hbm>> -> memref<1310720x32xf32, #tpu.memory_space<hbm>>
        tpu.enqueue_indirect_dma source(%dma_start3A_67 : memref<1310720x32xf32, #tpu.memory_space<hbm>>) target(%arg13 : memref<128x32xf32, #tpu.memory_space<vmem>>) offsets(%arg12 : memref<128xi32, #tpu.memory_space<vmem>>) semaphore(%arg17 : memref<!tpu.dma_semaphore, #tpu.memory_space<semaphore_mem>>)
        %dma_wait3A = arith.constant 0 : i32
        %dma_wait3A_68 = arith.constant 0 : i32
        %dma_wait3A_69 = tpu.memref_slice %arg3[%dma_wait3A, %dma_wait3A_68] : memref<1310720x32xf32, #tpu.memory_space<hbm>> -> memref<1310720x32xf32, #tpu.memory_space<hbm>>
        tpu.wait_indirect_dma semaphore(%arg17 : memref<!tpu.dma_semaphore, #tpu.memory_space<semaphore_mem>>) src(%dma_wait3A_69 : memref<1310720x32xf32, #tpu.memory_space<hbm>>) dst(%arg13 : memref<128x32xf32, #tpu.memory_space<vmem>>)
        %scan3A = arith.constant 0 : i32
        %scan3A_70 = arith.constant 0 : i32
        %scan3A_71 = arith.constant 128 : i32
        %scan3A_72 = arith.addi %scan3A_70, %scan3A_71 : i32
        %scan3A_73 = arith.constant 1 : i32
        scf.for %scan3A_75 = %scan3A_70 to %scan3A_72 step %scan3A_73  : i32 {
          %add3A_76 = arith.addi %multiple_of3A_65, %scan3A_75 : i32
          %ge3A = arith.cmpi sge, %add3A_76, %squeeze3A : i32
          %lt3A = arith.cmpi slt, %add3A_76, %squeeze3A_42 : i32
          %and3A_77 = arith.andi %ge3A, %lt3A : i1
          %get3A_78 = arith.index_cast %scan3A_75 : i32 to index
          %get3A_79 = tpu.vector_load %arg11[%get3A_78] {strides = array<i32>} : memref<144xi32, #tpu.memory_space<vmem>>, vector<16xi32>,
          %slice3A_80 = vector.extract_strided_slice %get3A_79 {offsets = [0], sizes = [1], strides = [1]} : vector<16xi32> to vector<1xi32>
          %squeeze3A_81 = vector.extract %slice3A_80[0] : i32 from vector<1xi32>
          %sub3A_82 = arith.subi %squeeze3A_81, %multiple_of3A : i32
          %jit3A_83 = arith.constant 0 : i32
          %jit3A_84 = arith.constant 1999 : i32
          %max3A = arith.maxsi %jit3A_83, %sub3A_82 : i32
          %min3A = arith.minsi %jit3A_84, %max3A : i32
          %broadcast_in_dim3A = arith.constant 0.000000e+00 : f32
          %broadcast_in_dim3A_85 = vector.broadcast %broadcast_in_dim3A : f32 to vector<16xf32>
          %broadcast_in_dim3A_86 = vector.broadcast %and3A_77 : i1 to vector<16xi1>
          %get3A_87 = arith.index_cast %scan3A_75 : i32 to index
          %get3A_88 = arith.constant 0 : index
          %get3A_89 = tpu.vector_load %arg13[%get3A_87, %get3A_88] {strides = array<i32>} : memref<128x32xf32, #tpu.memory_space<vmem>>, vector<16xf32>,
          %select_n3A_90 = arith.select %broadcast_in_dim3A_86, %get3A_89, %broadcast_in_dim3A_85 : vector<16xi1>, vector<16xf32>
          %get3A_91 = arith.index_cast %scan3A_75 : i32 to index
          %get3A_92 = arith.constant 16 : index
          %get3A_93 = tpu.vector_load %arg13[%get3A_91, %get3A_92] {strides = array<i32>} : memref<128x32xf32, #tpu.memory_space<vmem>>, vector<16xf32>,
          %select_n3A_94 = arith.select %broadcast_in_dim3A_86, %get3A_93, %broadcast_in_dim3A_85 : vector<16xi1>, vector<16xf32>
          %get3A_95 = arith.index_cast %min3A : i32 to index
          %get3A_96 = arith.constant 0 : index
          %get3A_97 = tpu.vector_load %arg10[%get3A_95, %get3A_96] {strides = array<i32>} : memref<2000x32xf32, #tpu.memory_space<vmem>>, vector<16xf32>,
          %add3A_98 = arith.addf %get3A_97, %select_n3A_90 : vector<16xf32>
          %swap3A = arith.index_cast %min3A : i32 to index
          %swap3A_99 = arith.constant 0 : index
          %swap3A_100 = tpu.vector_load %arg10[%swap3A, %swap3A_99] {strides = array<i32>} : memref<2000x32xf32, #tpu.memory_space<vmem>>, vector<16xf32>,
          tpu.vector_store %arg10[%swap3A, %swap3A_99], %add3A_98 {strides = array<i32>} : memref<2000x32xf32, #tpu.memory_space<vmem>>, vector<16xf32>,
          %get3A_101 = arith.index_cast %min3A : i32 to index
          %get3A_102 = arith.constant 16 : index
          %get3A_103 = tpu.vector_load %arg10[%get3A_101, %get3A_102] {strides = array<i32>} : memref<2000x32xf32, #tpu.memory_space<vmem>>, vector<16xf32>,
          %add3A_104 = arith.addf %get3A_103, %select_n3A_94 : vector<16xf32>
          %swap3A_105 = arith.index_cast %min3A : i32 to index
          %swap3A_106 = arith.constant 16 : index
          %swap3A_107 = tpu.vector_load %arg10[%swap3A_105, %swap3A_106] {strides = array<i32>} : memref<2000x32xf32, #tpu.memory_space<vmem>>, vector<16xf32>,
          tpu.vector_store %arg10[%swap3A_105, %swap3A_106], %add3A_104 {strides = array<i32>} : memref<2000x32xf32, #tpu.memory_space<vmem>>, vector<16xf32>,
        }
        %scan3A_74 = arith.constant 128 : i32
      }
      "tpu.region"() ({
        %run_scoped3A = tpu.sem_alloc : memref<!tpu.dma_semaphore, #tpu.memory_space<semaphore_mem>>
        %dma_start3A = arith.constant 0 : i32
        %dma_start3A_61 = tpu.memref_slice %arg9[%multiple_of3A, %dma_start3A] : memref<1000000x32xf32, #tpu.memory_space<hbm>> -> memref<2000x32xf32, #tpu.memory_space<hbm>>
        %dma_start3A_62 = arith.constant 0 : i32
        %dma_start3A_63 = tpu.memref_slice %arg9[%multiple_of3A, %dma_start3A_62] : memref<1000000x32xf32, #tpu.memory_space<hbm>> -> memref<2000x32xf32, #tpu.memory_space<hbm>>
        tpu.enqueue_dma source(%arg10 : memref<2000x32xf32, #tpu.memory_space<vmem>>) target(%dma_start3A_63 : memref<2000x32xf32, #tpu.memory_space<hbm>>) target_semaphore(%run_scoped3A : memref<!tpu.dma_semaphore, #tpu.memory_space<semaphore_mem>>)
        %dma_wait3A = arith.constant 0 : i32
        %dma_wait3A_64 = tpu.memref_slice %arg9[%multiple_of3A, %dma_wait3A] : memref<1000000x32xf32, #tpu.memory_space<hbm>> -> memref<2000x32xf32, #tpu.memory_space<hbm>>
        %dma_wait3A_65 = arith.constant 0 : i32
        %dma_wait3A_66 = tpu.memref_slice %arg9[%multiple_of3A, %dma_wait3A_65] : memref<1000000x32xf32, #tpu.memory_space<hbm>> -> memref<2000x32xf32, #tpu.memory_space<hbm>>
        tpu.wait_dma2 semaphore(%run_scoped3A : memref<!tpu.dma_semaphore, #tpu.memory_space<semaphore_mem>>) src(%arg10 : memref<2000x32xf32, #tpu.memory_space<vmem>>) dst(%dma_wait3A_66 : memref<2000x32xf32, #tpu.memory_space<hbm>>)
        tpu.yield
      }) : () -> ()
    }
    return
  }
}

#map = affine_map<(d0, d1) -> (0, 0)>
#map1 = affine_map<(d0, d1) -> (0)>
module attributes {stable_mosaic.version = 14 : i64} {
  func.func @apply_k(%arg0: i32, %arg1: i32, %arg2: memref<1000000x32xf32, #tpu.memory_space<hbm>>, %arg3: memref<262144x32xf32, #tpu.memory_space<hbm>>, %arg4: memref<262144xi32, #tpu.memory_space<hbm>>, %arg5: memref<262144xi32, #tpu.memory_space<hbm>>, %arg6: memref<512xi32, #tpu.memory_space<hbm>>, %arg7: memref<512xi32, #tpu.memory_space<hbm>>, %arg8: memref<512xi32, #tpu.memory_space<hbm>>, %arg9: memref<1000000x32xf32, #tpu.memory_space<hbm>>, %arg10: memref<2000x32xf32, #tpu.memory_space<vmem>>, %arg11: memref<144xi32, #tpu.memory_space<vmem>>, %arg12: memref<128xi32, #tpu.memory_space<vmem>>, %arg13: memref<128x32xf32, #tpu.memory_space<vmem>>, %arg14: memref<528xi32, #tpu.memory_space<vmem>>, %arg15: memref<528xi32, #tpu.memory_space<vmem>>, %arg16: memref<528xi32, #tpu.memory_space<vmem>>, %arg17: memref<!tpu.dma_semaphore, #tpu.memory_space<semaphore_mem>>) attributes {dimension_semantics = [#tpu.dimension_semantics<core_parallel>, #tpu.dimension_semantics<subcore_parallel>], iteration_bounds = array<i64: 2, 16>, scalar_prefetch = 0 : i64, scratch_operands = 8 : i64, tpu.core_type = #tpu.core_type<sc_vector_subcore>, window_params = [{transform_indices = #map}, {transform_indices = #map}, {transform_indices = #map1}, {transform_indices = #map1}, {transform_indices = #map1}, {transform_indices = #map1}, {transform_indices = #map1}, {transform_indices = #map}]} {
    %mul3A = arith.constant 2 : i32
    %mul3A_0 = arith.muli %arg1, %mul3A : i32
    %add3A = arith.addi %mul3A_0, %arg0 : i32
    "tpu.region"() ({
      %run_scoped3A = tpu.sem_alloc : memref<!tpu.dma_semaphore, #tpu.memory_space<semaphore_mem>>
      %dma_start3A = arith.constant 0 : i32
      %dma_start3A_30 = tpu.memref_slice %arg14[%dma_start3A] : memref<528xi32, #tpu.memory_space<vmem>> -> memref<512xi32, #tpu.memory_space<vmem>>
      %dma_start3A_31 = arith.constant 0 : i32
      %dma_start3A_32 = tpu.memref_slice %arg14[%dma_start3A_31] : memref<528xi32, #tpu.memory_space<vmem>> -> memref<512xi32, #tpu.memory_space<vmem>>
      tpu.enqueue_dma source(%arg6 : memref<512xi32, #tpu.memory_space<hbm>>) target(%dma_start3A_32 : memref<512xi32, #tpu.memory_space<vmem>>) target_semaphore(%run_scoped3A : memref<!tpu.dma_semaphore, #tpu.memory_space<semaphore_mem>>)
      %dma_wait3A = arith.constant 0 : i32
      %dma_wait3A_33 = tpu.memref_slice %arg14[%dma_wait3A] : memref<528xi32, #tpu.memory_space<vmem>> -> memref<512xi32, #tpu.memory_space<vmem>>
      %dma_wait3A_34 = arith.constant 0 : i32
      %dma_wait3A_35 = tpu.memref_slice %arg14[%dma_wait3A_34] : memref<528xi32, #tpu.memory_space<vmem>> -> memref<512xi32, #tpu.memory_space<vmem>>
      tpu.wait_dma2 semaphore(%run_scoped3A : memref<!tpu.dma_semaphore, #tpu.memory_space<semaphore_mem>>) src(%arg6 : memref<512xi32, #tpu.memory_space<hbm>>) dst(%dma_wait3A_35 : memref<512xi32, #tpu.memory_space<vmem>>)
      tpu.yield
    }) : () -> ()
    "tpu.region"() ({
      %run_scoped3A = tpu.sem_alloc : memref<!tpu.dma_semaphore, #tpu.memory_space<semaphore_mem>>
      %dma_start3A = arith.constant 0 : i32
      %dma_start3A_30 = tpu.memref_slice %arg15[%dma_start3A] : memref<528xi32, #tpu.memory_space<vmem>> -> memref<512xi32, #tpu.memory_space<vmem>>
      %dma_start3A_31 = arith.constant 0 : i32
      %dma_start3A_32 = tpu.memref_slice %arg15[%dma_start3A_31] : memref<528xi32, #tpu.memory_space<vmem>> -> memref<512xi32, #tpu.memory_space<vmem>>
      tpu.enqueue_dma source(%arg7 : memref<512xi32, #tpu.memory_space<hbm>>) target(%dma_start3A_32 : memref<512xi32, #tpu.memory_space<vmem>>) target_semaphore(%run_scoped3A : memref<!tpu.dma_semaphore, #tpu.memory_space<semaphore_mem>>)
      %dma_wait3A = arith.constant 0 : i32
      %dma_wait3A_33 = tpu.memref_slice %arg15[%dma_wait3A] : memref<528xi32, #tpu.memory_space<vmem>> -> memref<512xi32, #tpu.memory_space<vmem>>
      %dma_wait3A_34 = arith.constant 0 : i32
      %dma_wait3A_35 = tpu.memref_slice %arg15[%dma_wait3A_34] : memref<528xi32, #tpu.memory_space<vmem>> -> memref<512xi32, #tpu.memory_space<vmem>>
      tpu.wait_dma2 semaphore(%run_scoped3A : memref<!tpu.dma_semaphore, #tpu.memory_space<semaphore_mem>>) src(%arg7 : memref<512xi32, #tpu.memory_space<hbm>>) dst(%dma_wait3A_35 : memref<512xi32, #tpu.memory_space<vmem>>)
      tpu.yield
    }) : () -> ()
    "tpu.region"() ({
      %run_scoped3A = tpu.sem_alloc : memref<!tpu.dma_semaphore, #tpu.memory_space<semaphore_mem>>
      %dma_start3A = arith.constant 0 : i32
      %dma_start3A_30 = tpu.memref_slice %arg16[%dma_start3A] : memref<528xi32, #tpu.memory_space<vmem>> -> memref<512xi32, #tpu.memory_space<vmem>>
      %dma_start3A_31 = arith.constant 0 : i32
      %dma_start3A_32 = tpu.memref_slice %arg16[%dma_start3A_31] : memref<528xi32, #tpu.memory_space<vmem>> -> memref<512xi32, #tpu.memory_space<vmem>>
      tpu.enqueue_dma source(%arg8 : memref<512xi32, #tpu.memory_space<hbm>>) target(%dma_start3A_32 : memref<512xi32, #tpu.memory_space<vmem>>) target_semaphore(%run_scoped3A : memref<!tpu.dma_semaphore, #tpu.memory_space<semaphore_mem>>)
      %dma_wait3A = arith.constant 0 : i32
      %dma_wait3A_33 = tpu.memref_slice %arg16[%dma_wait3A] : memref<528xi32, #tpu.memory_space<vmem>> -> memref<512xi32, #tpu.memory_space<vmem>>
      %dma_wait3A_34 = arith.constant 0 : i32
      %dma_wait3A_35 = tpu.memref_slice %arg16[%dma_wait3A_34] : memref<528xi32, #tpu.memory_space<vmem>> -> memref<512xi32, #tpu.memory_space<vmem>>
      tpu.wait_dma2 semaphore(%run_scoped3A : memref<!tpu.dma_semaphore, #tpu.memory_space<semaphore_mem>>) src(%arg8 : memref<512xi32, #tpu.memory_space<hbm>>) dst(%dma_wait3A_35 : memref<512xi32, #tpu.memory_space<vmem>>)
      tpu.yield
    }) : () -> ()
    %sub3A = arith.constant 499 : i32
    %sub3A_1 = arith.subi %sub3A, %add3A : i32
    %jit3A = arith.constant 32 : i32
    %div3A = arith.divsi %sub3A_1, %jit3A : i32
    %sign3A = arith.constant 0 : i32
    %sign3A_2 = arith.cmpi sgt, %sub3A_1, %sign3A : i32
    %sign3A_3 = arith.extui %sign3A_2 : i1 to i32
    %sign3A_4 = arith.constant 0 : i32
    %sign3A_5 = arith.cmpi slt, %sub3A_1, %sign3A_4 : i32
    %sign3A_6 = arith.extui %sign3A_5 : i1 to i32
    %sign3A_7 = arith.subi %sign3A_3, %sign3A_6 : i32
    %sign3A_8 = arith.constant 0 : i32
    %sign3A_9 = arith.cmpi sgt, %jit3A, %sign3A_8 : i32
    %sign3A_10 = arith.extui %sign3A_9 : i1 to i32
    %sign3A_11 = arith.constant 0 : i32
    %sign3A_12 = arith.cmpi slt, %jit3A, %sign3A_11 : i32
    %sign3A_13 = arith.extui %sign3A_12 : i1 to i32
    %sign3A_14 = arith.subi %sign3A_10, %sign3A_13 : i32
    %ne3A = arith.cmpi ne, %sign3A_7, %sign3A_14 : i32
    %rem3A = arith.remsi %sub3A_1, %jit3A : i32
    %ne3A_15 = arith.constant 0 : i32
    %ne3A_16 = arith.cmpi ne, %rem3A, %ne3A_15 : i32
    %and3A = arith.andi %ne3A, %ne3A_16 : i1
    %sub3A_17 = arith.constant 1 : i32
    %sub3A_18 = arith.subi %div3A, %sub3A_17 : i32
    %select_n3A = arith.select %and3A, %sub3A_18, %div3A : i32
    %add3A_19 = arith.constant 1 : i32
    %add3A_20 = arith.addi %select_n3A, %add3A_19 : i32
    %while3A = arith.constant 0 : i32
    %while3A_21 = arith.constant 0 : i32
    %while3A_22 = arith.subi %add3A_20, %while3A_21 : i32
    %while3A_23 = arith.addi %while3A_21, %while3A_22 : i32
    %while3A_24 = arith.constant 1 : i32
    %while3A_25 = arith.divsi %while3A_22, %while3A_24 : i32
    %while3A_26 = arith.muli %while3A_25, %while3A_24 : i32
    %while3A_27 = arith.addi %while3A_21, %while3A_26 : i32
    %while3A_28 = arith.constant 1 : i32
    scf.for %while3A_30 = %while3A_21 to %while3A_27 step %while3A_28  : i32 {
      %mul3A_31 = arith.constant 32 : i32
      %mul3A_32 = arith.muli %while3A_30, %mul3A_31 : i32
      %add3A_33 = arith.addi %add3A, %mul3A_32 : i32
      %mul3A_34 = arith.constant 2000 : i32
      %mul3A_35 = arith.muli %add3A_33, %mul3A_34 : i32
      %multiple_of3A = tpu.assume_multiple %mul3A_35, 16 : i32
      "tpu.region"() ({
        %run_scoped3A = tpu.sem_alloc : memref<!tpu.dma_semaphore, #tpu.memory_space<semaphore_mem>>
        %dma_start3A = arith.constant 0 : i32
        %dma_start3A_61 = tpu.memref_slice %arg2[%multiple_of3A, %dma_start3A] : memref<1000000x32xf32, #tpu.memory_space<hbm>> -> memref<2000x32xf32, #tpu.memory_space<hbm>>
        %dma_start3A_62 = arith.constant 0 : i32
        %dma_start3A_63 = tpu.memref_slice %arg2[%multiple_of3A, %dma_start3A_62] : memref<1000000x32xf32, #tpu.memory_space<hbm>> -> memref<2000x32xf32, #tpu.memory_space<hbm>>
        tpu.enqueue_dma source(%dma_start3A_63 : memref<2000x32xf32, #tpu.memory_space<hbm>>) target(%arg10 : memref<2000x32xf32, #tpu.memory_space<vmem>>) target_semaphore(%run_scoped3A : memref<!tpu.dma_semaphore, #tpu.memory_space<semaphore_mem>>)
        %dma_wait3A = arith.constant 0 : i32
        %dma_wait3A_64 = tpu.memref_slice %arg2[%multiple_of3A, %dma_wait3A] : memref<1000000x32xf32, #tpu.memory_space<hbm>> -> memref<2000x32xf32, #tpu.memory_space<hbm>>
        %dma_wait3A_65 = arith.constant 0 : i32
        %dma_wait3A_66 = tpu.memref_slice %arg2[%multiple_of3A, %dma_wait3A_65] : memref<1000000x32xf32, #tpu.memory_space<hbm>> -> memref<2000x32xf32, #tpu.memory_space<hbm>>
        tpu.wait_dma2 semaphore(%run_scoped3A : memref<!tpu.dma_semaphore, #tpu.memory_space<semaphore_mem>>) src(%dma_wait3A_66 : memref<2000x32xf32, #tpu.memory_space<hbm>>) dst(%arg10 : memref<2000x32xf32, #tpu.memory_space<vmem>>)
        tpu.yield
      }) : () -> ()
      %get3A = arith.index_cast %add3A_33 : i32 to index
      %get3A_36 = tpu.vector_load %arg14[%get3A] {strides = array<i32>} : memref<528xi32, #tpu.memory_space<vmem>>, vector<16xi32>,
      %slice3A = vector.extract_strided_slice %get3A_36 {offsets = [0], sizes = [1], strides = [1]} : vector<16xi32> to vector<1xi32>
      %squeeze3A = vector.extract %slice3A[0] : i32 from vector<1xi32>
      %add3A_37 = arith.constant 1 : i32
      %add3A_38 = arith.addi %add3A_33, %add3A_37 : i32
      %get3A_39 = arith.index_cast %add3A_38 : i32 to index
      %get3A_40 = tpu.vector_load %arg14[%get3A_39] {strides = array<i32>} : memref<528xi32, #tpu.memory_space<vmem>>, vector<16xi32>,
      %slice3A_41 = vector.extract_strided_slice %get3A_40 {offsets = [0], sizes = [1], strides = [1]} : vector<16xi32> to vector<1xi32>
      %squeeze3A_42 = vector.extract %slice3A_41[0] : i32 from vector<1xi32>
      %get3A_43 = arith.index_cast %add3A_33 : i32 to index
      %get3A_44 = tpu.vector_load %arg15[%get3A_43] {strides = array<i32>} : memref<528xi32, #tpu.memory_space<vmem>>, vector<16xi32>,
      %slice3A_45 = vector.extract_strided_slice %get3A_44 {offsets = [0], sizes = [1], strides = [1]} : vector<16xi32> to vector<1xi32>
      %squeeze3A_46 = vector.extract %slice3A_45[0] : i32 from vector<1xi32>
      %get3A_47 = arith.index_cast %add3A_33 : i32 to index
      %get3A_48 = tpu.vector_load %arg16[%get3A_47] {strides = array<i32>} : memref<528xi32, #tpu.memory_space<vmem>>, vector<16xi32>,
      %slice3A_49 = vector.extract_strided_slice %get3A_48 {offsets = [0], sizes = [1], strides = [1]} : vector<16xi32> to vector<1xi32>
      %squeeze3A_50 = vector.extract %slice3A_49[0] : i32 from vector<1xi32>
      %while3A_51 = arith.constant 0 : i32
      %while3A_52 = arith.constant 0 : i32
      %while3A_53 = arith.subi %squeeze3A_50, %while3A_52 : i32
      %while3A_54 = arith.addi %while3A_52, %while3A_53 : i32
      %while3A_55 = arith.constant 1 : i32
      %while3A_56 = arith.divsi %while3A_53, %while3A_55 : i32
      %while3A_57 = arith.muli %while3A_56, %while3A_55 : i32
      %while3A_58 = arith.addi %while3A_52, %while3A_57 : i32
      %while3A_59 = arith.constant 1 : i32
      scf.for %while3A_61 = %while3A_52 to %while3A_58 step %while3A_59  : i32 {
        %mul3A_62 = arith.constant 128 : i32
        %mul3A_63 = arith.muli %while3A_61, %mul3A_62 : i32
        %add3A_64 = arith.addi %squeeze3A_46, %mul3A_63 : i32
        %multiple_of3A_65 = tpu.assume_multiple %add3A_64, 128 : i32
        "tpu.region"() ({
          %run_scoped3A = tpu.sem_alloc : memref<!tpu.dma_semaphore, #tpu.memory_space<semaphore_mem>>
          %dma_start3A_75 = arith.constant 0 : i32
          %dma_start3A_76 = tpu.memref_slice %arg11[%dma_start3A_75] : memref<144xi32, #tpu.memory_space<vmem>> -> memref<128xi32, #tpu.memory_space<vmem>>
          %dma_start3A_77 = tpu.memref_slice %arg4[%multiple_of3A_65] : memref<262144xi32, #tpu.memory_space<hbm>> -> memref<128xi32, #tpu.memory_space<hbm>>
          %dma_start3A_78 = arith.constant 0 : i32
          %dma_start3A_79 = tpu.memref_slice %arg11[%dma_start3A_78] : memref<144xi32, #tpu.memory_space<vmem>> -> memref<128xi32, #tpu.memory_space<vmem>>
          %dma_start3A_80 = tpu.memref_slice %arg4[%multiple_of3A_65] : memref<262144xi32, #tpu.memory_space<hbm>> -> memref<128xi32, #tpu.memory_space<hbm>>
          tpu.enqueue_dma source(%dma_start3A_80 : memref<128xi32, #tpu.memory_space<hbm>>) target(%dma_start3A_79 : memref<128xi32, #tpu.memory_space<vmem>>) target_semaphore(%run_scoped3A : memref<!tpu.dma_semaphore, #tpu.memory_space<semaphore_mem>>)
          %dma_wait3A_81 = arith.constant 0 : i32
          %dma_wait3A_82 = tpu.memref_slice %arg11[%dma_wait3A_81] : memref<144xi32, #tpu.memory_space<vmem>> -> memref<128xi32, #tpu.memory_space<vmem>>
          %dma_wait3A_83 = tpu.memref_slice %arg4[%multiple_of3A_65] : memref<262144xi32, #tpu.memory_space<hbm>> -> memref<128xi32, #tpu.memory_space<hbm>>
          %dma_wait3A_84 = arith.constant 0 : i32
          %dma_wait3A_85 = tpu.memref_slice %arg11[%dma_wait3A_84] : memref<144xi32, #tpu.memory_space<vmem>> -> memref<128xi32, #tpu.memory_space<vmem>>
          %dma_wait3A_86 = tpu.memref_slice %arg4[%multiple_of3A_65] : memref<262144xi32, #tpu.memory_space<hbm>> -> memref<128xi32, #tpu.memory_space<hbm>>
          tpu.wait_dma2 semaphore(%run_scoped3A : memref<!tpu.dma_semaphore, #tpu.memory_space<semaphore_mem>>) src(%dma_wait3A_86 : memref<128xi32, #tpu.memory_space<hbm>>) dst(%dma_wait3A_85 : memref<128xi32, #tpu.memory_space<vmem>>)
          tpu.yield
        }) : () -> ()
        "tpu.region"() ({
          %run_scoped3A = tpu.sem_alloc : memref<!tpu.dma_semaphore, #tpu.memory_space<semaphore_mem>>
          %dma_start3A_75 = tpu.memref_slice %arg5[%multiple_of3A_65] : memref<262144xi32, #tpu.memory_space<hbm>> -> memref<128xi32, #tpu.memory_space<hbm>>
          %dma_start3A_76 = tpu.memref_slice %arg5[%multiple_of3A_65] : memref<262144xi32, #tpu.memory_space<hbm>> -> memref<128xi32, #tpu.memory_space<hbm>>
          tpu.enqueue_dma source(%dma_start3A_76 : memref<128xi32, #tpu.memory_space<hbm>>) target(%arg12 : memref<128xi32, #tpu.memory_space<vmem>>) target_semaphore(%run_scoped3A : memref<!tpu.dma_semaphore, #tpu.memory_space<semaphore_mem>>)
          %dma_wait3A_77 = tpu.memref_slice %arg5[%multiple_of3A_65] : memref<262144xi32, #tpu.memory_space<hbm>> -> memref<128xi32, #tpu.memory_space<hbm>>
          %dma_wait3A_78 = tpu.memref_slice %arg5[%multiple_of3A_65] : memref<262144xi32, #tpu.memory_space<hbm>> -> memref<128xi32, #tpu.memory_space<hbm>>
          tpu.wait_dma2 semaphore(%run_scoped3A : memref<!tpu.dma_semaphore, #tpu.memory_space<semaphore_mem>>) src(%dma_wait3A_78 : memref<128xi32, #tpu.memory_space<hbm>>) dst(%arg12 : memref<128xi32, #tpu.memory_space<vmem>>)
          tpu.yield
        }) : () -> ()
        %dma_start3A = arith.constant 0 : i32
        %dma_start3A_66 = arith.constant 0 : i32
        %dma_start3A_67 = tpu.memref_slice %arg3[%dma_start3A, %dma_start3A_66] : memref<262144x32xf32, #tpu.memory_space<hbm>> -> memref<262144x32xf32, #tpu.memory_space<hbm>>
        tpu.enqueue_indirect_dma source(%dma_start3A_67 : memref<262144x32xf32, #tpu.memory_space<hbm>>) target(%arg13 : memref<128x32xf32, #tpu.memory_space<vmem>>) offsets(%arg12 : memref<128xi32, #tpu.memory_space<vmem>>) semaphore(%arg17 : memref<!tpu.dma_semaphore, #tpu.memory_space<semaphore_mem>>)
        %dma_wait3A = arith.constant 0 : i32
        %dma_wait3A_68 = arith.constant 0 : i32
        %dma_wait3A_69 = tpu.memref_slice %arg3[%dma_wait3A, %dma_wait3A_68] : memref<262144x32xf32, #tpu.memory_space<hbm>> -> memref<262144x32xf32, #tpu.memory_space<hbm>>
        tpu.wait_indirect_dma semaphore(%arg17 : memref<!tpu.dma_semaphore, #tpu.memory_space<semaphore_mem>>) src(%dma_wait3A_69 : memref<262144x32xf32, #tpu.memory_space<hbm>>) dst(%arg13 : memref<128x32xf32, #tpu.memory_space<vmem>>)
        %scan3A = arith.constant 0 : i32
        %scan3A_70 = arith.constant 0 : i32
        %scan3A_71 = arith.constant 128 : i32
        %scan3A_72 = arith.addi %scan3A_70, %scan3A_71 : i32
        %scan3A_73 = arith.constant 1 : i32
        scf.for %scan3A_75 = %scan3A_70 to %scan3A_72 step %scan3A_73  : i32 {
          %add3A_76 = arith.addi %multiple_of3A_65, %scan3A_75 : i32
          %ge3A = arith.cmpi sge, %add3A_76, %squeeze3A : i32
          %lt3A = arith.cmpi slt, %add3A_76, %squeeze3A_42 : i32
          %and3A_77 = arith.andi %ge3A, %lt3A : i1
          %get3A_78 = arith.index_cast %scan3A_75 : i32 to index
          %get3A_79 = tpu.vector_load %arg11[%get3A_78] {strides = array<i32>} : memref<144xi32, #tpu.memory_space<vmem>>, vector<16xi32>,
          %slice3A_80 = vector.extract_strided_slice %get3A_79 {offsets = [0], sizes = [1], strides = [1]} : vector<16xi32> to vector<1xi32>
          %squeeze3A_81 = vector.extract %slice3A_80[0] : i32 from vector<1xi32>
          %sub3A_82 = arith.subi %squeeze3A_81, %multiple_of3A : i32
          %jit3A_83 = arith.constant 0 : i32
          %jit3A_84 = arith.constant 1999 : i32
          %max3A = arith.maxsi %jit3A_83, %sub3A_82 : i32
          %min3A = arith.minsi %jit3A_84, %max3A : i32
          %broadcast_in_dim3A = arith.constant 0.000000e+00 : f32
          %broadcast_in_dim3A_85 = vector.broadcast %broadcast_in_dim3A : f32 to vector<16xf32>
          %broadcast_in_dim3A_86 = vector.broadcast %and3A_77 : i1 to vector<16xi1>
          %get3A_87 = arith.index_cast %scan3A_75 : i32 to index
          %get3A_88 = arith.constant 0 : index
          %get3A_89 = tpu.vector_load %arg13[%get3A_87, %get3A_88] {strides = array<i32>} : memref<128x32xf32, #tpu.memory_space<vmem>>, vector<16xf32>,
          %select_n3A_90 = arith.select %broadcast_in_dim3A_86, %get3A_89, %broadcast_in_dim3A_85 : vector<16xi1>, vector<16xf32>
          %get3A_91 = arith.index_cast %scan3A_75 : i32 to index
          %get3A_92 = arith.constant 16 : index
          %get3A_93 = tpu.vector_load %arg13[%get3A_91, %get3A_92] {strides = array<i32>} : memref<128x32xf32, #tpu.memory_space<vmem>>, vector<16xf32>,
          %select_n3A_94 = arith.select %broadcast_in_dim3A_86, %get3A_93, %broadcast_in_dim3A_85 : vector<16xi1>, vector<16xf32>
          %get3A_95 = arith.index_cast %min3A : i32 to index
          %get3A_96 = arith.constant 0 : index
          %get3A_97 = tpu.vector_load %arg10[%get3A_95, %get3A_96] {strides = array<i32>} : memref<2000x32xf32, #tpu.memory_space<vmem>>, vector<16xf32>,
          %add3A_98 = arith.addf %get3A_97, %select_n3A_90 : vector<16xf32>
          %swap3A = arith.index_cast %min3A : i32 to index
          %swap3A_99 = arith.constant 0 : index
          %swap3A_100 = tpu.vector_load %arg10[%swap3A, %swap3A_99] {strides = array<i32>} : memref<2000x32xf32, #tpu.memory_space<vmem>>, vector<16xf32>,
          tpu.vector_store %arg10[%swap3A, %swap3A_99], %add3A_98 {strides = array<i32>} : memref<2000x32xf32, #tpu.memory_space<vmem>>, vector<16xf32>,
          %get3A_101 = arith.index_cast %min3A : i32 to index
          %get3A_102 = arith.constant 16 : index
          %get3A_103 = tpu.vector_load %arg10[%get3A_101, %get3A_102] {strides = array<i32>} : memref<2000x32xf32, #tpu.memory_space<vmem>>, vector<16xf32>,
          %add3A_104 = arith.addf %get3A_103, %select_n3A_94 : vector<16xf32>
          %swap3A_105 = arith.index_cast %min3A : i32 to index
          %swap3A_106 = arith.constant 16 : index
          %swap3A_107 = tpu.vector_load %arg10[%swap3A_105, %swap3A_106] {strides = array<i32>} : memref<2000x32xf32, #tpu.memory_space<vmem>>, vector<16xf32>,
          tpu.vector_store %arg10[%swap3A_105, %swap3A_106], %add3A_104 {strides = array<i32>} : memref<2000x32xf32, #tpu.memory_space<vmem>>, vector<16xf32>,
        }
        %scan3A_74 = arith.constant 128 : i32
      }
      %while3A_60 = arith.constant 1 : i32
      scf.for %while3A_61 = %while3A_58 to %while3A_54 step %while3A_60  : i32 {
        %mul3A_62 = arith.constant 128 : i32
        %mul3A_63 = arith.muli %while3A_61, %mul3A_62 : i32
        %add3A_64 = arith.addi %squeeze3A_46, %mul3A_63 : i32
        %multiple_of3A_65 = tpu.assume_multiple %add3A_64, 128 : i32
        "tpu.region"() ({
          %run_scoped3A = tpu.sem_alloc : memref<!tpu.dma_semaphore, #tpu.memory_space<semaphore_mem>>
          %dma_start3A_75 = arith.constant 0 : i32
          %dma_start3A_76 = tpu.memref_slice %arg11[%dma_start3A_75] : memref<144xi32, #tpu.memory_space<vmem>> -> memref<128xi32, #tpu.memory_space<vmem>>
          %dma_start3A_77 = tpu.memref_slice %arg4[%multiple_of3A_65] : memref<262144xi32, #tpu.memory_space<hbm>> -> memref<128xi32, #tpu.memory_space<hbm>>
          %dma_start3A_78 = arith.constant 0 : i32
          %dma_start3A_79 = tpu.memref_slice %arg11[%dma_start3A_78] : memref<144xi32, #tpu.memory_space<vmem>> -> memref<128xi32, #tpu.memory_space<vmem>>
          %dma_start3A_80 = tpu.memref_slice %arg4[%multiple_of3A_65] : memref<262144xi32, #tpu.memory_space<hbm>> -> memref<128xi32, #tpu.memory_space<hbm>>
          tpu.enqueue_dma source(%dma_start3A_80 : memref<128xi32, #tpu.memory_space<hbm>>) target(%dma_start3A_79 : memref<128xi32, #tpu.memory_space<vmem>>) target_semaphore(%run_scoped3A : memref<!tpu.dma_semaphore, #tpu.memory_space<semaphore_mem>>)
          %dma_wait3A_81 = arith.constant 0 : i32
          %dma_wait3A_82 = tpu.memref_slice %arg11[%dma_wait3A_81] : memref<144xi32, #tpu.memory_space<vmem>> -> memref<128xi32, #tpu.memory_space<vmem>>
          %dma_wait3A_83 = tpu.memref_slice %arg4[%multiple_of3A_65] : memref<262144xi32, #tpu.memory_space<hbm>> -> memref<128xi32, #tpu.memory_space<hbm>>
          %dma_wait3A_84 = arith.constant 0 : i32
          %dma_wait3A_85 = tpu.memref_slice %arg11[%dma_wait3A_84] : memref<144xi32, #tpu.memory_space<vmem>> -> memref<128xi32, #tpu.memory_space<vmem>>
          %dma_wait3A_86 = tpu.memref_slice %arg4[%multiple_of3A_65] : memref<262144xi32, #tpu.memory_space<hbm>> -> memref<128xi32, #tpu.memory_space<hbm>>
          tpu.wait_dma2 semaphore(%run_scoped3A : memref<!tpu.dma_semaphore, #tpu.memory_space<semaphore_mem>>) src(%dma_wait3A_86 : memref<128xi32, #tpu.memory_space<hbm>>) dst(%dma_wait3A_85 : memref<128xi32, #tpu.memory_space<vmem>>)
          tpu.yield
        }) : () -> ()
        "tpu.region"() ({
          %run_scoped3A = tpu.sem_alloc : memref<!tpu.dma_semaphore, #tpu.memory_space<semaphore_mem>>
          %dma_start3A_75 = tpu.memref_slice %arg5[%multiple_of3A_65] : memref<262144xi32, #tpu.memory_space<hbm>> -> memref<128xi32, #tpu.memory_space<hbm>>
          %dma_start3A_76 = tpu.memref_slice %arg5[%multiple_of3A_65] : memref<262144xi32, #tpu.memory_space<hbm>> -> memref<128xi32, #tpu.memory_space<hbm>>
          tpu.enqueue_dma source(%dma_start3A_76 : memref<128xi32, #tpu.memory_space<hbm>>) target(%arg12 : memref<128xi32, #tpu.memory_space<vmem>>) target_semaphore(%run_scoped3A : memref<!tpu.dma_semaphore, #tpu.memory_space<semaphore_mem>>)
          %dma_wait3A_77 = tpu.memref_slice %arg5[%multiple_of3A_65] : memref<262144xi32, #tpu.memory_space<hbm>> -> memref<128xi32, #tpu.memory_space<hbm>>
          %dma_wait3A_78 = tpu.memref_slice %arg5[%multiple_of3A_65] : memref<262144xi32, #tpu.memory_space<hbm>> -> memref<128xi32, #tpu.memory_space<hbm>>
          tpu.wait_dma2 semaphore(%run_scoped3A : memref<!tpu.dma_semaphore, #tpu.memory_space<semaphore_mem>>) src(%dma_wait3A_78 : memref<128xi32, #tpu.memory_space<hbm>>) dst(%arg12 : memref<128xi32, #tpu.memory_space<vmem>>)
          tpu.yield
        }) : () -> ()
        %dma_start3A = arith.constant 0 : i32
        %dma_start3A_66 = arith.constant 0 : i32
        %dma_start3A_67 = tpu.memref_slice %arg3[%dma_start3A, %dma_start3A_66] : memref<262144x32xf32, #tpu.memory_space<hbm>> -> memref<262144x32xf32, #tpu.memory_space<hbm>>
        tpu.enqueue_indirect_dma source(%dma_start3A_67 : memref<262144x32xf32, #tpu.memory_space<hbm>>) target(%arg13 : memref<128x32xf32, #tpu.memory_space<vmem>>) offsets(%arg12 : memref<128xi32, #tpu.memory_space<vmem>>) semaphore(%arg17 : memref<!tpu.dma_semaphore, #tpu.memory_space<semaphore_mem>>)
        %dma_wait3A = arith.constant 0 : i32
        %dma_wait3A_68 = arith.constant 0 : i32
        %dma_wait3A_69 = tpu.memref_slice %arg3[%dma_wait3A, %dma_wait3A_68] : memref<262144x32xf32, #tpu.memory_space<hbm>> -> memref<262144x32xf32, #tpu.memory_space<hbm>>
        tpu.wait_indirect_dma semaphore(%arg17 : memref<!tpu.dma_semaphore, #tpu.memory_space<semaphore_mem>>) src(%dma_wait3A_69 : memref<262144x32xf32, #tpu.memory_space<hbm>>) dst(%arg13 : memref<128x32xf32, #tpu.memory_space<vmem>>)
        %scan3A = arith.constant 0 : i32
        %scan3A_70 = arith.constant 0 : i32
        %scan3A_71 = arith.constant 128 : i32
        %scan3A_72 = arith.addi %scan3A_70, %scan3A_71 : i32
        %scan3A_73 = arith.constant 1 : i32
        scf.for %scan3A_75 = %scan3A_70 to %scan3A_72 step %scan3A_73  : i32 {
          %add3A_76 = arith.addi %multiple_of3A_65, %scan3A_75 : i32
          %ge3A = arith.cmpi sge, %add3A_76, %squeeze3A : i32
          %lt3A = arith.cmpi slt, %add3A_76, %squeeze3A_42 : i32
          %and3A_77 = arith.andi %ge3A, %lt3A : i1
          %get3A_78 = arith.index_cast %scan3A_75 : i32 to index
          %get3A_79 = tpu.vector_load %arg11[%get3A_78] {strides = array<i32>} : memref<144xi32, #tpu.memory_space<vmem>>, vector<16xi32>,
          %slice3A_80 = vector.extract_strided_slice %get3A_79 {offsets = [0], sizes = [1], strides = [1]} : vector<16xi32> to vector<1xi32>
          %squeeze3A_81 = vector.extract %slice3A_80[0] : i32 from vector<1xi32>
          %sub3A_82 = arith.subi %squeeze3A_81, %multiple_of3A : i32
          %jit3A_83 = arith.constant 0 : i32
          %jit3A_84 = arith.constant 1999 : i32
          %max3A = arith.maxsi %jit3A_83, %sub3A_82 : i32
          %min3A = arith.minsi %jit3A_84, %max3A : i32
          %broadcast_in_dim3A = arith.constant 0.000000e+00 : f32
          %broadcast_in_dim3A_85 = vector.broadcast %broadcast_in_dim3A : f32 to vector<16xf32>
          %broadcast_in_dim3A_86 = vector.broadcast %and3A_77 : i1 to vector<16xi1>
          %get3A_87 = arith.index_cast %scan3A_75 : i32 to index
          %get3A_88 = arith.constant 0 : index
          %get3A_89 = tpu.vector_load %arg13[%get3A_87, %get3A_88] {strides = array<i32>} : memref<128x32xf32, #tpu.memory_space<vmem>>, vector<16xf32>,
          %select_n3A_90 = arith.select %broadcast_in_dim3A_86, %get3A_89, %broadcast_in_dim3A_85 : vector<16xi1>, vector<16xf32>
          %get3A_91 = arith.index_cast %scan3A_75 : i32 to index
          %get3A_92 = arith.constant 16 : index
          %get3A_93 = tpu.vector_load %arg13[%get3A_91, %get3A_92] {strides = array<i32>} : memref<128x32xf32, #tpu.memory_space<vmem>>, vector<16xf32>,
          %select_n3A_94 = arith.select %broadcast_in_dim3A_86, %get3A_93, %broadcast_in_dim3A_85 : vector<16xi1>, vector<16xf32>
          %get3A_95 = arith.index_cast %min3A : i32 to index
          %get3A_96 = arith.constant 0 : index
          %get3A_97 = tpu.vector_load %arg10[%get3A_95, %get3A_96] {strides = array<i32>} : memref<2000x32xf32, #tpu.memory_space<vmem>>, vector<16xf32>,
          %add3A_98 = arith.addf %get3A_97, %select_n3A_90 : vector<16xf32>
          %swap3A = arith.index_cast %min3A : i32 to index
          %swap3A_99 = arith.constant 0 : index
          %swap3A_100 = tpu.vector_load %arg10[%swap3A, %swap3A_99] {strides = array<i32>} : memref<2000x32xf32, #tpu.memory_space<vmem>>, vector<16xf32>,
          tpu.vector_store %arg10[%swap3A, %swap3A_99], %add3A_98 {strides = array<i32>} : memref<2000x32xf32, #tpu.memory_space<vmem>>, vector<16xf32>,
          %get3A_101 = arith.index_cast %min3A : i32 to index
          %get3A_102 = arith.constant 16 : index
          %get3A_103 = tpu.vector_load %arg10[%get3A_101, %get3A_102] {strides = array<i32>} : memref<2000x32xf32, #tpu.memory_space<vmem>>, vector<16xf32>,
          %add3A_104 = arith.addf %get3A_103, %select_n3A_94 : vector<16xf32>
          %swap3A_105 = arith.index_cast %min3A : i32 to index
          %swap3A_106 = arith.constant 16 : index
          %swap3A_107 = tpu.vector_load %arg10[%swap3A_105, %swap3A_106] {strides = array<i32>} : memref<2000x32xf32, #tpu.memory_space<vmem>>, vector<16xf32>,
          tpu.vector_store %arg10[%swap3A_105, %swap3A_106], %add3A_104 {strides = array<i32>} : memref<2000x32xf32, #tpu.memory_space<vmem>>, vector<16xf32>,
        }
        %scan3A_74 = arith.constant 128 : i32
      }
      "tpu.region"() ({
        %run_scoped3A = tpu.sem_alloc : memref<!tpu.dma_semaphore, #tpu.memory_space<semaphore_mem>>
        %dma_start3A = arith.constant 0 : i32
        %dma_start3A_61 = tpu.memref_slice %arg9[%multiple_of3A, %dma_start3A] : memref<1000000x32xf32, #tpu.memory_space<hbm>> -> memref<2000x32xf32, #tpu.memory_space<hbm>>
        %dma_start3A_62 = arith.constant 0 : i32
        %dma_start3A_63 = tpu.memref_slice %arg9[%multiple_of3A, %dma_start3A_62] : memref<1000000x32xf32, #tpu.memory_space<hbm>> -> memref<2000x32xf32, #tpu.memory_space<hbm>>
        tpu.enqueue_dma source(%arg10 : memref<2000x32xf32, #tpu.memory_space<vmem>>) target(%dma_start3A_63 : memref<2000x32xf32, #tpu.memory_space<hbm>>) target_semaphore(%run_scoped3A : memref<!tpu.dma_semaphore, #tpu.memory_space<semaphore_mem>>)
        %dma_wait3A = arith.constant 0 : i32
        %dma_wait3A_64 = tpu.memref_slice %arg9[%multiple_of3A, %dma_wait3A] : memref<1000000x32xf32, #tpu.memory_space<hbm>> -> memref<2000x32xf32, #tpu.memory_space<hbm>>
        %dma_wait3A_65 = arith.constant 0 : i32
        %dma_wait3A_66 = tpu.memref_slice %arg9[%multiple_of3A, %dma_wait3A_65] : memref<1000000x32xf32, #tpu.memory_space<hbm>> -> memref<2000x32xf32, #tpu.memory_space<hbm>>
        tpu.wait_dma2 semaphore(%run_scoped3A : memref<!tpu.dma_semaphore, #tpu.memory_space<semaphore_mem>>) src(%arg10 : memref<2000x32xf32, #tpu.memory_space<vmem>>) dst(%dma_wait3A_66 : memref<2000x32xf32, #tpu.memory_space<hbm>>)
        tpu.yield
      }) : () -> ()
    }
    %while3A_29 = arith.constant 1 : i32
    scf.for %while3A_30 = %while3A_27 to %while3A_23 step %while3A_29  : i32 {
      %mul3A_31 = arith.constant 32 : i32
      %mul3A_32 = arith.muli %while3A_30, %mul3A_31 : i32
      %add3A_33 = arith.addi %add3A, %mul3A_32 : i32
      %mul3A_34 = arith.constant 2000 : i32
      %mul3A_35 = arith.muli %add3A_33, %mul3A_34 : i32
      %multiple_of3A = tpu.assume_multiple %mul3A_35, 16 : i32
      "tpu.region"() ({
        %run_scoped3A = tpu.sem_alloc : memref<!tpu.dma_semaphore, #tpu.memory_space<semaphore_mem>>
        %dma_start3A = arith.constant 0 : i32
        %dma_start3A_61 = tpu.memref_slice %arg2[%multiple_of3A, %dma_start3A] : memref<1000000x32xf32, #tpu.memory_space<hbm>> -> memref<2000x32xf32, #tpu.memory_space<hbm>>
        %dma_start3A_62 = arith.constant 0 : i32
        %dma_start3A_63 = tpu.memref_slice %arg2[%multiple_of3A, %dma_start3A_62] : memref<1000000x32xf32, #tpu.memory_space<hbm>> -> memref<2000x32xf32, #tpu.memory_space<hbm>>
        tpu.enqueue_dma source(%dma_start3A_63 : memref<2000x32xf32, #tpu.memory_space<hbm>>) target(%arg10 : memref<2000x32xf32, #tpu.memory_space<vmem>>) target_semaphore(%run_scoped3A : memref<!tpu.dma_semaphore, #tpu.memory_space<semaphore_mem>>)
        %dma_wait3A = arith.constant 0 : i32
        %dma_wait3A_64 = tpu.memref_slice %arg2[%multiple_of3A, %dma_wait3A] : memref<1000000x32xf32, #tpu.memory_space<hbm>> -> memref<2000x32xf32, #tpu.memory_space<hbm>>
        %dma_wait3A_65 = arith.constant 0 : i32
        %dma_wait3A_66 = tpu.memref_slice %arg2[%multiple_of3A, %dma_wait3A_65] : memref<1000000x32xf32, #tpu.memory_space<hbm>> -> memref<2000x32xf32, #tpu.memory_space<hbm>>
        tpu.wait_dma2 semaphore(%run_scoped3A : memref<!tpu.dma_semaphore, #tpu.memory_space<semaphore_mem>>) src(%dma_wait3A_66 : memref<2000x32xf32, #tpu.memory_space<hbm>>) dst(%arg10 : memref<2000x32xf32, #tpu.memory_space<vmem>>)
        tpu.yield
      }) : () -> ()
      %get3A = arith.index_cast %add3A_33 : i32 to index
      %get3A_36 = tpu.vector_load %arg14[%get3A] {strides = array<i32>} : memref<528xi32, #tpu.memory_space<vmem>>, vector<16xi32>,
      %slice3A = vector.extract_strided_slice %get3A_36 {offsets = [0], sizes = [1], strides = [1]} : vector<16xi32> to vector<1xi32>
      %squeeze3A = vector.extract %slice3A[0] : i32 from vector<1xi32>
      %add3A_37 = arith.constant 1 : i32
      %add3A_38 = arith.addi %add3A_33, %add3A_37 : i32
      %get3A_39 = arith.index_cast %add3A_38 : i32 to index
      %get3A_40 = tpu.vector_load %arg14[%get3A_39] {strides = array<i32>} : memref<528xi32, #tpu.memory_space<vmem>>, vector<16xi32>,
      %slice3A_41 = vector.extract_strided_slice %get3A_40 {offsets = [0], sizes = [1], strides = [1]} : vector<16xi32> to vector<1xi32>
      %squeeze3A_42 = vector.extract %slice3A_41[0] : i32 from vector<1xi32>
      %get3A_43 = arith.index_cast %add3A_33 : i32 to index
      %get3A_44 = tpu.vector_load %arg15[%get3A_43] {strides = array<i32>} : memref<528xi32, #tpu.memory_space<vmem>>, vector<16xi32>,
      %slice3A_45 = vector.extract_strided_slice %get3A_44 {offsets = [0], sizes = [1], strides = [1]} : vector<16xi32> to vector<1xi32>
      %squeeze3A_46 = vector.extract %slice3A_45[0] : i32 from vector<1xi32>
      %get3A_47 = arith.index_cast %add3A_33 : i32 to index
      %get3A_48 = tpu.vector_load %arg16[%get3A_47] {strides = array<i32>} : memref<528xi32, #tpu.memory_space<vmem>>, vector<16xi32>,
      %slice3A_49 = vector.extract_strided_slice %get3A_48 {offsets = [0], sizes = [1], strides = [1]} : vector<16xi32> to vector<1xi32>
      %squeeze3A_50 = vector.extract %slice3A_49[0] : i32 from vector<1xi32>
      %while3A_51 = arith.constant 0 : i32
      %while3A_52 = arith.constant 0 : i32
      %while3A_53 = arith.subi %squeeze3A_50, %while3A_52 : i32
      %while3A_54 = arith.addi %while3A_52, %while3A_53 : i32
      %while3A_55 = arith.constant 1 : i32
      %while3A_56 = arith.divsi %while3A_53, %while3A_55 : i32
      %while3A_57 = arith.muli %while3A_56, %while3A_55 : i32
      %while3A_58 = arith.addi %while3A_52, %while3A_57 : i32
      %while3A_59 = arith.constant 1 : i32
      scf.for %while3A_61 = %while3A_52 to %while3A_58 step %while3A_59  : i32 {
        %mul3A_62 = arith.constant 128 : i32
        %mul3A_63 = arith.muli %while3A_61, %mul3A_62 : i32
        %add3A_64 = arith.addi %squeeze3A_46, %mul3A_63 : i32
        %multiple_of3A_65 = tpu.assume_multiple %add3A_64, 128 : i32
        "tpu.region"() ({
          %run_scoped3A = tpu.sem_alloc : memref<!tpu.dma_semaphore, #tpu.memory_space<semaphore_mem>>
          %dma_start3A_75 = arith.constant 0 : i32
          %dma_start3A_76 = tpu.memref_slice %arg11[%dma_start3A_75] : memref<144xi32, #tpu.memory_space<vmem>> -> memref<128xi32, #tpu.memory_space<vmem>>
          %dma_start3A_77 = tpu.memref_slice %arg4[%multiple_of3A_65] : memref<262144xi32, #tpu.memory_space<hbm>> -> memref<128xi32, #tpu.memory_space<hbm>>
          %dma_start3A_78 = arith.constant 0 : i32
          %dma_start3A_79 = tpu.memref_slice %arg11[%dma_start3A_78] : memref<144xi32, #tpu.memory_space<vmem>> -> memref<128xi32, #tpu.memory_space<vmem>>
          %dma_start3A_80 = tpu.memref_slice %arg4[%multiple_of3A_65] : memref<262144xi32, #tpu.memory_space<hbm>> -> memref<128xi32, #tpu.memory_space<hbm>>
          tpu.enqueue_dma source(%dma_start3A_80 : memref<128xi32, #tpu.memory_space<hbm>>) target(%dma_start3A_79 : memref<128xi32, #tpu.memory_space<vmem>>) target_semaphore(%run_scoped3A : memref<!tpu.dma_semaphore, #tpu.memory_space<semaphore_mem>>)
          %dma_wait3A_81 = arith.constant 0 : i32
          %dma_wait3A_82 = tpu.memref_slice %arg11[%dma_wait3A_81] : memref<144xi32, #tpu.memory_space<vmem>> -> memref<128xi32, #tpu.memory_space<vmem>>
          %dma_wait3A_83 = tpu.memref_slice %arg4[%multiple_of3A_65] : memref<262144xi32, #tpu.memory_space<hbm>> -> memref<128xi32, #tpu.memory_space<hbm>>
          %dma_wait3A_84 = arith.constant 0 : i32
          %dma_wait3A_85 = tpu.memref_slice %arg11[%dma_wait3A_84] : memref<144xi32, #tpu.memory_space<vmem>> -> memref<128xi32, #tpu.memory_space<vmem>>
          %dma_wait3A_86 = tpu.memref_slice %arg4[%multiple_of3A_65] : memref<262144xi32, #tpu.memory_space<hbm>> -> memref<128xi32, #tpu.memory_space<hbm>>
          tpu.wait_dma2 semaphore(%run_scoped3A : memref<!tpu.dma_semaphore, #tpu.memory_space<semaphore_mem>>) src(%dma_wait3A_86 : memref<128xi32, #tpu.memory_space<hbm>>) dst(%dma_wait3A_85 : memref<128xi32, #tpu.memory_space<vmem>>)
          tpu.yield
        }) : () -> ()
        "tpu.region"() ({
          %run_scoped3A = tpu.sem_alloc : memref<!tpu.dma_semaphore, #tpu.memory_space<semaphore_mem>>
          %dma_start3A_75 = tpu.memref_slice %arg5[%multiple_of3A_65] : memref<262144xi32, #tpu.memory_space<hbm>> -> memref<128xi32, #tpu.memory_space<hbm>>
          %dma_start3A_76 = tpu.memref_slice %arg5[%multiple_of3A_65] : memref<262144xi32, #tpu.memory_space<hbm>> -> memref<128xi32, #tpu.memory_space<hbm>>
          tpu.enqueue_dma source(%dma_start3A_76 : memref<128xi32, #tpu.memory_space<hbm>>) target(%arg12 : memref<128xi32, #tpu.memory_space<vmem>>) target_semaphore(%run_scoped3A : memref<!tpu.dma_semaphore, #tpu.memory_space<semaphore_mem>>)
          %dma_wait3A_77 = tpu.memref_slice %arg5[%multiple_of3A_65] : memref<262144xi32, #tpu.memory_space<hbm>> -> memref<128xi32, #tpu.memory_space<hbm>>
          %dma_wait3A_78 = tpu.memref_slice %arg5[%multiple_of3A_65] : memref<262144xi32, #tpu.memory_space<hbm>> -> memref<128xi32, #tpu.memory_space<hbm>>
          tpu.wait_dma2 semaphore(%run_scoped3A : memref<!tpu.dma_semaphore, #tpu.memory_space<semaphore_mem>>) src(%dma_wait3A_78 : memref<128xi32, #tpu.memory_space<hbm>>) dst(%arg12 : memref<128xi32, #tpu.memory_space<vmem>>)
          tpu.yield
        }) : () -> ()
        %dma_start3A = arith.constant 0 : i32
        %dma_start3A_66 = arith.constant 0 : i32
        %dma_start3A_67 = tpu.memref_slice %arg3[%dma_start3A, %dma_start3A_66] : memref<262144x32xf32, #tpu.memory_space<hbm>> -> memref<262144x32xf32, #tpu.memory_space<hbm>>
        tpu.enqueue_indirect_dma source(%dma_start3A_67 : memref<262144x32xf32, #tpu.memory_space<hbm>>) target(%arg13 : memref<128x32xf32, #tpu.memory_space<vmem>>) offsets(%arg12 : memref<128xi32, #tpu.memory_space<vmem>>) semaphore(%arg17 : memref<!tpu.dma_semaphore, #tpu.memory_space<semaphore_mem>>)
        %dma_wait3A = arith.constant 0 : i32
        %dma_wait3A_68 = arith.constant 0 : i32
        %dma_wait3A_69 = tpu.memref_slice %arg3[%dma_wait3A, %dma_wait3A_68] : memref<262144x32xf32, #tpu.memory_space<hbm>> -> memref<262144x32xf32, #tpu.memory_space<hbm>>
        tpu.wait_indirect_dma semaphore(%arg17 : memref<!tpu.dma_semaphore, #tpu.memory_space<semaphore_mem>>) src(%dma_wait3A_69 : memref<262144x32xf32, #tpu.memory_space<hbm>>) dst(%arg13 : memref<128x32xf32, #tpu.memory_space<vmem>>)
        %scan3A = arith.constant 0 : i32
        %scan3A_70 = arith.constant 0 : i32
        %scan3A_71 = arith.constant 128 : i32
        %scan3A_72 = arith.addi %scan3A_70, %scan3A_71 : i32
        %scan3A_73 = arith.constant 1 : i32
        scf.for %scan3A_75 = %scan3A_70 to %scan3A_72 step %scan3A_73  : i32 {
          %add3A_76 = arith.addi %multiple_of3A_65, %scan3A_75 : i32
          %ge3A = arith.cmpi sge, %add3A_76, %squeeze3A : i32
          %lt3A = arith.cmpi slt, %add3A_76, %squeeze3A_42 : i32
          %and3A_77 = arith.andi %ge3A, %lt3A : i1
          %get3A_78 = arith.index_cast %scan3A_75 : i32 to index
          %get3A_79 = tpu.vector_load %arg11[%get3A_78] {strides = array<i32>} : memref<144xi32, #tpu.memory_space<vmem>>, vector<16xi32>,
          %slice3A_80 = vector.extract_strided_slice %get3A_79 {offsets = [0], sizes = [1], strides = [1]} : vector<16xi32> to vector<1xi32>
          %squeeze3A_81 = vector.extract %slice3A_80[0] : i32 from vector<1xi32>
          %sub3A_82 = arith.subi %squeeze3A_81, %multiple_of3A : i32
          %jit3A_83 = arith.constant 0 : i32
          %jit3A_84 = arith.constant 1999 : i32
          %max3A = arith.maxsi %jit3A_83, %sub3A_82 : i32
          %min3A = arith.minsi %jit3A_84, %max3A : i32
          %broadcast_in_dim3A = arith.constant 0.000000e+00 : f32
          %broadcast_in_dim3A_85 = vector.broadcast %broadcast_in_dim3A : f32 to vector<16xf32>
          %broadcast_in_dim3A_86 = vector.broadcast %and3A_77 : i1 to vector<16xi1>
          %get3A_87 = arith.index_cast %scan3A_75 : i32 to index
          %get3A_88 = arith.constant 0 : index
          %get3A_89 = tpu.vector_load %arg13[%get3A_87, %get3A_88] {strides = array<i32>} : memref<128x32xf32, #tpu.memory_space<vmem>>, vector<16xf32>,
          %select_n3A_90 = arith.select %broadcast_in_dim3A_86, %get3A_89, %broadcast_in_dim3A_85 : vector<16xi1>, vector<16xf32>
          %get3A_91 = arith.index_cast %scan3A_75 : i32 to index
          %get3A_92 = arith.constant 16 : index
          %get3A_93 = tpu.vector_load %arg13[%get3A_91, %get3A_92] {strides = array<i32>} : memref<128x32xf32, #tpu.memory_space<vmem>>, vector<16xf32>,
          %select_n3A_94 = arith.select %broadcast_in_dim3A_86, %get3A_93, %broadcast_in_dim3A_85 : vector<16xi1>, vector<16xf32>
          %get3A_95 = arith.index_cast %min3A : i32 to index
          %get3A_96 = arith.constant 0 : index
          %get3A_97 = tpu.vector_load %arg10[%get3A_95, %get3A_96] {strides = array<i32>} : memref<2000x32xf32, #tpu.memory_space<vmem>>, vector<16xf32>,
          %add3A_98 = arith.addf %get3A_97, %select_n3A_90 : vector<16xf32>
          %swap3A = arith.index_cast %min3A : i32 to index
          %swap3A_99 = arith.constant 0 : index
          %swap3A_100 = tpu.vector_load %arg10[%swap3A, %swap3A_99] {strides = array<i32>} : memref<2000x32xf32, #tpu.memory_space<vmem>>, vector<16xf32>,
          tpu.vector_store %arg10[%swap3A, %swap3A_99], %add3A_98 {strides = array<i32>} : memref<2000x32xf32, #tpu.memory_space<vmem>>, vector<16xf32>,
          %get3A_101 = arith.index_cast %min3A : i32 to index
          %get3A_102 = arith.constant 16 : index
          %get3A_103 = tpu.vector_load %arg10[%get3A_101, %get3A_102] {strides = array<i32>} : memref<2000x32xf32, #tpu.memory_space<vmem>>, vector<16xf32>,
          %add3A_104 = arith.addf %get3A_103, %select_n3A_94 : vector<16xf32>
          %swap3A_105 = arith.index_cast %min3A : i32 to index
          %swap3A_106 = arith.constant 16 : index
          %swap3A_107 = tpu.vector_load %arg10[%swap3A_105, %swap3A_106] {strides = array<i32>} : memref<2000x32xf32, #tpu.memory_space<vmem>>, vector<16xf32>,
          tpu.vector_store %arg10[%swap3A_105, %swap3A_106], %add3A_104 {strides = array<i32>} : memref<2000x32xf32, #tpu.memory_space<vmem>>, vector<16xf32>,
        }
        %scan3A_74 = arith.constant 128 : i32
      }
      %while3A_60 = arith.constant 1 : i32
      scf.for %while3A_61 = %while3A_58 to %while3A_54 step %while3A_60  : i32 {
        %mul3A_62 = arith.constant 128 : i32
        %mul3A_63 = arith.muli %while3A_61, %mul3A_62 : i32
        %add3A_64 = arith.addi %squeeze3A_46, %mul3A_63 : i32
        %multiple_of3A_65 = tpu.assume_multiple %add3A_64, 128 : i32
        "tpu.region"() ({
          %run_scoped3A = tpu.sem_alloc : memref<!tpu.dma_semaphore, #tpu.memory_space<semaphore_mem>>
          %dma_start3A_75 = arith.constant 0 : i32
          %dma_start3A_76 = tpu.memref_slice %arg11[%dma_start3A_75] : memref<144xi32, #tpu.memory_space<vmem>> -> memref<128xi32, #tpu.memory_space<vmem>>
          %dma_start3A_77 = tpu.memref_slice %arg4[%multiple_of3A_65] : memref<262144xi32, #tpu.memory_space<hbm>> -> memref<128xi32, #tpu.memory_space<hbm>>
          %dma_start3A_78 = arith.constant 0 : i32
          %dma_start3A_79 = tpu.memref_slice %arg11[%dma_start3A_78] : memref<144xi32, #tpu.memory_space<vmem>> -> memref<128xi32, #tpu.memory_space<vmem>>
          %dma_start3A_80 = tpu.memref_slice %arg4[%multiple_of3A_65] : memref<262144xi32, #tpu.memory_space<hbm>> -> memref<128xi32, #tpu.memory_space<hbm>>
          tpu.enqueue_dma source(%dma_start3A_80 : memref<128xi32, #tpu.memory_space<hbm>>) target(%dma_start3A_79 : memref<128xi32, #tpu.memory_space<vmem>>) target_semaphore(%run_scoped3A : memref<!tpu.dma_semaphore, #tpu.memory_space<semaphore_mem>>)
          %dma_wait3A_81 = arith.constant 0 : i32
          %dma_wait3A_82 = tpu.memref_slice %arg11[%dma_wait3A_81] : memref<144xi32, #tpu.memory_space<vmem>> -> memref<128xi32, #tpu.memory_space<vmem>>
          %dma_wait3A_83 = tpu.memref_slice %arg4[%multiple_of3A_65] : memref<262144xi32, #tpu.memory_space<hbm>> -> memref<128xi32, #tpu.memory_space<hbm>>
          %dma_wait3A_84 = arith.constant 0 : i32
          %dma_wait3A_85 = tpu.memref_slice %arg11[%dma_wait3A_84] : memref<144xi32, #tpu.memory_space<vmem>> -> memref<128xi32, #tpu.memory_space<vmem>>
          %dma_wait3A_86 = tpu.memref_slice %arg4[%multiple_of3A_65] : memref<262144xi32, #tpu.memory_space<hbm>> -> memref<128xi32, #tpu.memory_space<hbm>>
          tpu.wait_dma2 semaphore(%run_scoped3A : memref<!tpu.dma_semaphore, #tpu.memory_space<semaphore_mem>>) src(%dma_wait3A_86 : memref<128xi32, #tpu.memory_space<hbm>>) dst(%dma_wait3A_85 : memref<128xi32, #tpu.memory_space<vmem>>)
          tpu.yield
        }) : () -> ()
        "tpu.region"() ({
          %run_scoped3A = tpu.sem_alloc : memref<!tpu.dma_semaphore, #tpu.memory_space<semaphore_mem>>
          %dma_start3A_75 = tpu.memref_slice %arg5[%multiple_of3A_65] : memref<262144xi32, #tpu.memory_space<hbm>> -> memref<128xi32, #tpu.memory_space<hbm>>
          %dma_start3A_76 = tpu.memref_slice %arg5[%multiple_of3A_65] : memref<262144xi32, #tpu.memory_space<hbm>> -> memref<128xi32, #tpu.memory_space<hbm>>
          tpu.enqueue_dma source(%dma_start3A_76 : memref<128xi32, #tpu.memory_space<hbm>>) target(%arg12 : memref<128xi32, #tpu.memory_space<vmem>>) target_semaphore(%run_scoped3A : memref<!tpu.dma_semaphore, #tpu.memory_space<semaphore_mem>>)
          %dma_wait3A_77 = tpu.memref_slice %arg5[%multiple_of3A_65] : memref<262144xi32, #tpu.memory_space<hbm>> -> memref<128xi32, #tpu.memory_space<hbm>>
          %dma_wait3A_78 = tpu.memref_slice %arg5[%multiple_of3A_65] : memref<262144xi32, #tpu.memory_space<hbm>> -> memref<128xi32, #tpu.memory_space<hbm>>
          tpu.wait_dma2 semaphore(%run_scoped3A : memref<!tpu.dma_semaphore, #tpu.memory_space<semaphore_mem>>) src(%dma_wait3A_78 : memref<128xi32, #tpu.memory_space<hbm>>) dst(%arg12 : memref<128xi32, #tpu.memory_space<vmem>>)
          tpu.yield
        }) : () -> ()
        %dma_start3A = arith.constant 0 : i32
        %dma_start3A_66 = arith.constant 0 : i32
        %dma_start3A_67 = tpu.memref_slice %arg3[%dma_start3A, %dma_start3A_66] : memref<262144x32xf32, #tpu.memory_space<hbm>> -> memref<262144x32xf32, #tpu.memory_space<hbm>>
        tpu.enqueue_indirect_dma source(%dma_start3A_67 : memref<262144x32xf32, #tpu.memory_space<hbm>>) target(%arg13 : memref<128x32xf32, #tpu.memory_space<vmem>>) offsets(%arg12 : memref<128xi32, #tpu.memory_space<vmem>>) semaphore(%arg17 : memref<!tpu.dma_semaphore, #tpu.memory_space<semaphore_mem>>)
        %dma_wait3A = arith.constant 0 : i32
        %dma_wait3A_68 = arith.constant 0 : i32
        %dma_wait3A_69 = tpu.memref_slice %arg3[%dma_wait3A, %dma_wait3A_68] : memref<262144x32xf32, #tpu.memory_space<hbm>> -> memref<262144x32xf32, #tpu.memory_space<hbm>>
        tpu.wait_indirect_dma semaphore(%arg17 : memref<!tpu.dma_semaphore, #tpu.memory_space<semaphore_mem>>) src(%dma_wait3A_69 : memref<262144x32xf32, #tpu.memory_space<hbm>>) dst(%arg13 : memref<128x32xf32, #tpu.memory_space<vmem>>)
        %scan3A = arith.constant 0 : i32
        %scan3A_70 = arith.constant 0 : i32
        %scan3A_71 = arith.constant 128 : i32
        %scan3A_72 = arith.addi %scan3A_70, %scan3A_71 : i32
        %scan3A_73 = arith.constant 1 : i32
        scf.for %scan3A_75 = %scan3A_70 to %scan3A_72 step %scan3A_73  : i32 {
          %add3A_76 = arith.addi %multiple_of3A_65, %scan3A_75 : i32
          %ge3A = arith.cmpi sge, %add3A_76, %squeeze3A : i32
          %lt3A = arith.cmpi slt, %add3A_76, %squeeze3A_42 : i32
          %and3A_77 = arith.andi %ge3A, %lt3A : i1
          %get3A_78 = arith.index_cast %scan3A_75 : i32 to index
          %get3A_79 = tpu.vector_load %arg11[%get3A_78] {strides = array<i32>} : memref<144xi32, #tpu.memory_space<vmem>>, vector<16xi32>,
          %slice3A_80 = vector.extract_strided_slice %get3A_79 {offsets = [0], sizes = [1], strides = [1]} : vector<16xi32> to vector<1xi32>
          %squeeze3A_81 = vector.extract %slice3A_80[0] : i32 from vector<1xi32>
          %sub3A_82 = arith.subi %squeeze3A_81, %multiple_of3A : i32
          %jit3A_83 = arith.constant 0 : i32
          %jit3A_84 = arith.constant 1999 : i32
          %max3A = arith.maxsi %jit3A_83, %sub3A_82 : i32
          %min3A = arith.minsi %jit3A_84, %max3A : i32
          %broadcast_in_dim3A = arith.constant 0.000000e+00 : f32
          %broadcast_in_dim3A_85 = vector.broadcast %broadcast_in_dim3A : f32 to vector<16xf32>
          %broadcast_in_dim3A_86 = vector.broadcast %and3A_77 : i1 to vector<16xi1>
          %get3A_87 = arith.index_cast %scan3A_75 : i32 to index
          %get3A_88 = arith.constant 0 : index
          %get3A_89 = tpu.vector_load %arg13[%get3A_87, %get3A_88] {strides = array<i32>} : memref<128x32xf32, #tpu.memory_space<vmem>>, vector<16xf32>,
          %select_n3A_90 = arith.select %broadcast_in_dim3A_86, %get3A_89, %broadcast_in_dim3A_85 : vector<16xi1>, vector<16xf32>
          %get3A_91 = arith.index_cast %scan3A_75 : i32 to index
          %get3A_92 = arith.constant 16 : index
          %get3A_93 = tpu.vector_load %arg13[%get3A_91, %get3A_92] {strides = array<i32>} : memref<128x32xf32, #tpu.memory_space<vmem>>, vector<16xf32>,
          %select_n3A_94 = arith.select %broadcast_in_dim3A_86, %get3A_93, %broadcast_in_dim3A_85 : vector<16xi1>, vector<16xf32>
          %get3A_95 = arith.index_cast %min3A : i32 to index
          %get3A_96 = arith.constant 0 : index
          %get3A_97 = tpu.vector_load %arg10[%get3A_95, %get3A_96] {strides = array<i32>} : memref<2000x32xf32, #tpu.memory_space<vmem>>, vector<16xf32>,
          %add3A_98 = arith.addf %get3A_97, %select_n3A_90 : vector<16xf32>
          %swap3A = arith.index_cast %min3A : i32 to index
          %swap3A_99 = arith.constant 0 : index
          %swap3A_100 = tpu.vector_load %arg10[%swap3A, %swap3A_99] {strides = array<i32>} : memref<2000x32xf32, #tpu.memory_space<vmem>>, vector<16xf32>,
          tpu.vector_store %arg10[%swap3A, %swap3A_99], %add3A_98 {strides = array<i32>} : memref<2000x32xf32, #tpu.memory_space<vmem>>, vector<16xf32>,
          %get3A_101 = arith.index_cast %min3A : i32 to index
          %get3A_102 = arith.constant 16 : index
          %get3A_103 = tpu.vector_load %arg10[%get3A_101, %get3A_102] {strides = array<i32>} : memref<2000x32xf32, #tpu.memory_space<vmem>>, vector<16xf32>,
          %add3A_104 = arith.addf %get3A_103, %select_n3A_94 : vector<16xf32>
          %swap3A_105 = arith.index_cast %min3A : i32 to index
          %swap3A_106 = arith.constant 16 : index
          %swap3A_107 = tpu.vector_load %arg10[%swap3A_105, %swap3A_106] {strides = array<i32>} : memref<2000x32xf32, #tpu.memory_space<vmem>>, vector<16xf32>,
          tpu.vector_store %arg10[%swap3A_105, %swap3A_106], %add3A_104 {strides = array<i32>} : memref<2000x32xf32, #tpu.memory_space<vmem>>, vector<16xf32>,
        }
        %scan3A_74 = arith.constant 128 : i32
      }
      "tpu.region"() ({
        %run_scoped3A = tpu.sem_alloc : memref<!tpu.dma_semaphore, #tpu.memory_space<semaphore_mem>>
        %dma_start3A = arith.constant 0 : i32
        %dma_start3A_61 = tpu.memref_slice %arg9[%multiple_of3A, %dma_start3A] : memref<1000000x32xf32, #tpu.memory_space<hbm>> -> memref<2000x32xf32, #tpu.memory_space<hbm>>
        %dma_start3A_62 = arith.constant 0 : i32
        %dma_start3A_63 = tpu.memref_slice %arg9[%multiple_of3A, %dma_start3A_62] : memref<1000000x32xf32, #tpu.memory_space<hbm>> -> memref<2000x32xf32, #tpu.memory_space<hbm>>
        tpu.enqueue_dma source(%arg10 : memref<2000x32xf32, #tpu.memory_space<vmem>>) target(%dma_start3A_63 : memref<2000x32xf32, #tpu.memory_space<hbm>>) target_semaphore(%run_scoped3A : memref<!tpu.dma_semaphore, #tpu.memory_space<semaphore_mem>>)
        %dma_wait3A = arith.constant 0 : i32
        %dma_wait3A_64 = tpu.memref_slice %arg9[%multiple_of3A, %dma_wait3A] : memref<1000000x32xf32, #tpu.memory_space<hbm>> -> memref<2000x32xf32, #tpu.memory_space<hbm>>
        %dma_wait3A_65 = arith.constant 0 : i32
        %dma_wait3A_66 = tpu.memref_slice %arg9[%multiple_of3A, %dma_wait3A_65] : memref<1000000x32xf32, #tpu.memory_space<hbm>> -> memref<2000x32xf32, #tpu.memory_space<hbm>>
        tpu.wait_dma2 semaphore(%run_scoped3A : memref<!tpu.dma_semaphore, #tpu.memory_space<semaphore_mem>>) src(%arg10 : memref<2000x32xf32, #tpu.memory_space<vmem>>) dst(%dma_wait3A_66 : memref<2000x32xf32, #tpu.memory_space<hbm>>)
        tpu.yield
      }) : () -> ()
    }
    return
  }
}

#map = affine_map<(d0, d1) -> (0, 0)>
#map1 = affine_map<(d0, d1) -> (0)>
module attributes {stable_mosaic.version = 14 : i64} {
  func.func @grads_k(%arg0: i32, %arg1: i32, %arg2: memref<1000000x32xf32, #tpu.memory_space<hbm>>, %arg3: memref<131072xi32, #tpu.memory_space<hbm>>, %arg4: memref<131072xi32, #tpu.memory_space<hbm>>, %arg5: memref<1232xf32, #tpu.memory_space<hbm>>, %arg6: memref<262144x32xf32, #tpu.memory_space<hbm>>, %arg7: memref<128xi32, #tpu.memory_space<vmem>>, %arg8: memref<128xi32, #tpu.memory_space<vmem>>, %arg9: memref<128x32xf32, #tpu.memory_space<vmem>>, %arg10: memref<128x32xf32, #tpu.memory_space<vmem>>, %arg11: memref<128x32xf32, #tpu.memory_space<vmem>>, %arg12: memref<128x32xf32, #tpu.memory_space<vmem>>, %arg13: memref<1232xf32, #tpu.memory_space<vmem>>, %arg14: memref<!tpu.dma_semaphore, #tpu.memory_space<semaphore_mem>>) attributes {dimension_semantics = [#tpu.dimension_semantics<core_parallel>, #tpu.dimension_semantics<subcore_parallel>], iteration_bounds = array<i64: 2, 16>, scalar_prefetch = 0 : i64, scratch_operands = 8 : i64, tpu.core_type = #tpu.core_type<sc_vector_subcore>, window_params = [{transform_indices = #map}, {transform_indices = #map1}, {transform_indices = #map1}, {transform_indices = #map1}, {transform_indices = #map}]} {
    %mul3A = arith.constant 2 : i32
    %mul3A_0 = arith.muli %arg1, %mul3A : i32
    %add3A = arith.addi %mul3A_0, %arg0 : i32
    %mul3A_1 = arith.constant 4096 : i32
    %mul3A_2 = arith.muli %add3A, %mul3A_1 : i32
    "tpu.region"() ({
      %run_scoped3A = tpu.sem_alloc : memref<!tpu.dma_semaphore, #tpu.memory_space<semaphore_mem>>
      tpu.enqueue_dma source(%arg5 : memref<1232xf32, #tpu.memory_space<hbm>>) target(%arg13 : memref<1232xf32, #tpu.memory_space<vmem>>) target_semaphore(%run_scoped3A : memref<!tpu.dma_semaphore, #tpu.memory_space<semaphore_mem>>)
      tpu.wait_dma2 semaphore(%run_scoped3A : memref<!tpu.dma_semaphore, #tpu.memory_space<semaphore_mem>>) src(%arg5 : memref<1232xf32, #tpu.memory_space<hbm>>) dst(%arg13 : memref<1232xf32, #tpu.memory_space<vmem>>)
      tpu.yield
    }) : () -> ()
    %scan3A = arith.constant 0 : i32
    %scan3A_3 = arith.constant 0 : i32
    %scan3A_4 = arith.constant 32 : i32
    %scan3A_5 = arith.addi %scan3A_3, %scan3A_4 : i32
    %scan3A_6 = arith.constant 1 : i32
    scf.for %scan3A_8 = %scan3A_3 to %scan3A_5 step %scan3A_6  : i32 {
      %mul3A_9 = arith.constant 128 : i32
      %mul3A_10 = arith.muli %scan3A_8, %mul3A_9 : i32
      %add3A_11 = arith.addi %mul3A_2, %mul3A_10 : i32
      %multiple_of3A = tpu.assume_multiple %add3A_11, 128 : i32
      "tpu.region"() ({
        %run_scoped3A = tpu.sem_alloc : memref<!tpu.dma_semaphore, #tpu.memory_space<semaphore_mem>>
        %dma_start3A_30 = tpu.memref_slice %arg3[%multiple_of3A] : memref<131072xi32, #tpu.memory_space<hbm>> -> memref<128xi32, #tpu.memory_space<hbm>>
        %dma_start3A_31 = tpu.memref_slice %arg3[%multiple_of3A] : memref<131072xi32, #tpu.memory_space<hbm>> -> memref<128xi32, #tpu.memory_space<hbm>>
        tpu.enqueue_dma source(%dma_start3A_31 : memref<128xi32, #tpu.memory_space<hbm>>) target(%arg7 : memref<128xi32, #tpu.memory_space<vmem>>) target_semaphore(%run_scoped3A : memref<!tpu.dma_semaphore, #tpu.memory_space<semaphore_mem>>)
        %dma_wait3A_32 = tpu.memref_slice %arg3[%multiple_of3A] : memref<131072xi32, #tpu.memory_space<hbm>> -> memref<128xi32, #tpu.memory_space<hbm>>
        %dma_wait3A_33 = tpu.memref_slice %arg3[%multiple_of3A] : memref<131072xi32, #tpu.memory_space<hbm>> -> memref<128xi32, #tpu.memory_space<hbm>>
        tpu.wait_dma2 semaphore(%run_scoped3A : memref<!tpu.dma_semaphore, #tpu.memory_space<semaphore_mem>>) src(%dma_wait3A_33 : memref<128xi32, #tpu.memory_space<hbm>>) dst(%arg7 : memref<128xi32, #tpu.memory_space<vmem>>)
        tpu.yield
      }) : () -> ()
      "tpu.region"() ({
        %run_scoped3A = tpu.sem_alloc : memref<!tpu.dma_semaphore, #tpu.memory_space<semaphore_mem>>
        %dma_start3A_30 = tpu.memref_slice %arg4[%multiple_of3A] : memref<131072xi32, #tpu.memory_space<hbm>> -> memref<128xi32, #tpu.memory_space<hbm>>
        %dma_start3A_31 = tpu.memref_slice %arg4[%multiple_of3A] : memref<131072xi32, #tpu.memory_space<hbm>> -> memref<128xi32, #tpu.memory_space<hbm>>
        tpu.enqueue_dma source(%dma_start3A_31 : memref<128xi32, #tpu.memory_space<hbm>>) target(%arg8 : memref<128xi32, #tpu.memory_space<vmem>>) target_semaphore(%run_scoped3A : memref<!tpu.dma_semaphore, #tpu.memory_space<semaphore_mem>>)
        %dma_wait3A_32 = tpu.memref_slice %arg4[%multiple_of3A] : memref<131072xi32, #tpu.memory_space<hbm>> -> memref<128xi32, #tpu.memory_space<hbm>>
        %dma_wait3A_33 = tpu.memref_slice %arg4[%multiple_of3A] : memref<131072xi32, #tpu.memory_space<hbm>> -> memref<128xi32, #tpu.memory_space<hbm>>
        tpu.wait_dma2 semaphore(%run_scoped3A : memref<!tpu.dma_semaphore, #tpu.memory_space<semaphore_mem>>) src(%dma_wait3A_33 : memref<128xi32, #tpu.memory_space<hbm>>) dst(%arg8 : memref<128xi32, #tpu.memory_space<vmem>>)
        tpu.yield
      }) : () -> ()
      %dma_start3A = arith.constant 0 : i32
      %dma_start3A_12 = arith.constant 0 : i32
      %dma_start3A_13 = tpu.memref_slice %arg2[%dma_start3A, %dma_start3A_12] : memref<1000000x32xf32, #tpu.memory_space<hbm>> -> memref<1000000x32xf32, #tpu.memory_space<hbm>>
      tpu.enqueue_indirect_dma source(%dma_start3A_13 : memref<1000000x32xf32, #tpu.memory_space<hbm>>) target(%arg9 : memref<128x32xf32, #tpu.memory_space<vmem>>) offsets(%arg7 : memref<128xi32, #tpu.memory_space<vmem>>) semaphore(%arg14 : memref<!tpu.dma_semaphore, #tpu.memory_space<semaphore_mem>>)
      %dma_wait3A = arith.constant 0 : i32
      %dma_wait3A_14 = arith.constant 0 : i32
      %dma_wait3A_15 = tpu.memref_slice %arg2[%dma_wait3A, %dma_wait3A_14] : memref<1000000x32xf32, #tpu.memory_space<hbm>> -> memref<1000000x32xf32, #tpu.memory_space<hbm>>
      tpu.wait_indirect_dma semaphore(%arg14 : memref<!tpu.dma_semaphore, #tpu.memory_space<semaphore_mem>>) src(%dma_wait3A_15 : memref<1000000x32xf32, #tpu.memory_space<hbm>>) dst(%arg9 : memref<128x32xf32, #tpu.memory_space<vmem>>)
      %dma_start3A_16 = arith.constant 0 : i32
      %dma_start3A_17 = arith.constant 0 : i32
      %dma_start3A_18 = tpu.memref_slice %arg2[%dma_start3A_16, %dma_start3A_17] : memref<1000000x32xf32, #tpu.memory_space<hbm>> -> memref<1000000x32xf32, #tpu.memory_space<hbm>>
      tpu.enqueue_indirect_dma source(%dma_start3A_18 : memref<1000000x32xf32, #tpu.memory_space<hbm>>) target(%arg10 : memref<128x32xf32, #tpu.memory_space<vmem>>) offsets(%arg8 : memref<128xi32, #tpu.memory_space<vmem>>) semaphore(%arg14 : memref<!tpu.dma_semaphore, #tpu.memory_space<semaphore_mem>>)
      %dma_wait3A_19 = arith.constant 0 : i32
      %dma_wait3A_20 = arith.constant 0 : i32
      %dma_wait3A_21 = tpu.memref_slice %arg2[%dma_wait3A_19, %dma_wait3A_20] : memref<1000000x32xf32, #tpu.memory_space<hbm>> -> memref<1000000x32xf32, #tpu.memory_space<hbm>>
      tpu.wait_indirect_dma semaphore(%arg14 : memref<!tpu.dma_semaphore, #tpu.memory_space<semaphore_mem>>) src(%dma_wait3A_21 : memref<1000000x32xf32, #tpu.memory_space<hbm>>) dst(%arg10 : memref<128x32xf32, #tpu.memory_space<vmem>>)
      %scan3A_22 = arith.constant 0 : i32
      %scan3A_23 = arith.constant 0 : i32
      %scan3A_24 = arith.constant 128 : i32
      %scan3A_25 = arith.addi %scan3A_23, %scan3A_24 : i32
      %scan3A_26 = arith.constant 1 : i32
      scf.for %scan3A_30 = %scan3A_23 to %scan3A_25 step %scan3A_26  : i32 {
        %get3A = arith.index_cast %scan3A_30 : i32 to index
        %get3A_31 = arith.constant 0 : index
        %get3A_32 = tpu.vector_load %arg9[%get3A, %get3A_31] {strides = array<i32>} : memref<128x32xf32, #tpu.memory_space<vmem>>, vector<16xf32>,
        %get3A_33 = arith.index_cast %scan3A_30 : i32 to index
        %get3A_34 = arith.constant 16 : index
        %get3A_35 = tpu.vector_load %arg9[%get3A_33, %get3A_34] {strides = array<i32>} : memref<128x32xf32, #tpu.memory_space<vmem>>, vector<16xf32>,
        %get3A_36 = arith.index_cast %scan3A_30 : i32 to index
        %get3A_37 = arith.constant 0 : index
        %get3A_38 = tpu.vector_load %arg10[%get3A_36, %get3A_37] {strides = array<i32>} : memref<128x32xf32, #tpu.memory_space<vmem>>, vector<16xf32>,
        %get3A_39 = arith.index_cast %scan3A_30 : i32 to index
        %get3A_40 = arith.constant 16 : index
        %get3A_41 = tpu.vector_load %arg10[%get3A_39, %get3A_40] {strides = array<i32>} : memref<128x32xf32, #tpu.memory_space<vmem>>, vector<16xf32>,
        %mul3A_42 = arith.mulf %get3A_32, %get3A_38 : vector<16xf32>
        %mul3A_43 = arith.mulf %get3A_35, %get3A_41 : vector<16xf32>
        %add3A_44 = arith.addf %mul3A_42, %mul3A_43 : vector<16xf32>
        %reduce_sum3A = arith.constant true
        %reduce_sum3A_45 = vector.broadcast %reduce_sum3A : i1 to vector<16xi1>
        %reduce_sum3A_46 = tpu.scan <sum>, %add3A_44 masked %reduce_sum3A_45 : vector<16xf32>, vector<16xi1> -> vector<16xf32>
        %reduce_sum3A_47 = vector.extract %reduce_sum3A_46[15] : f32 from vector<16xf32>
        %sub3A = arith.constant 13.8155107 : f32
        %sub3A_48 = arith.subf %reduce_sum3A_47, %sub3A : f32
        %jit3A = arith.constant -6.000000e+00 : f32
        %jit3A_49 = arith.constant 6.000000e+00 : f32
        %max3A = arith.maximumf %jit3A, %sub3A_48 : f32
        %min3A = arith.minimumf %jit3A_49, %max3A : f32
        %add3A_50 = arith.constant 6.010000e+00 : f32
        %add3A_51 = arith.addf %min3A, %add3A_50 : f32
        %mul3A_52 = arith.constant 1.000000e+02 : f32
        %mul3A_53 = arith.mulf %add3A_51, %mul3A_52 : f32
        %convert_element_type3A = arith.fptosi %mul3A_53 : f32 to i32
        %jit3A_54 = arith.constant 0 : i32
        %jit3A_55 = arith.constant 1201 : i32
        %max3A_56 = arith.maxsi %jit3A_54, %convert_element_type3A : i32
        %min3A_57 = arith.minsi %jit3A_55, %max3A_56 : i32
        %get3A_58 = arith.index_cast %min3A_57 : i32 to index
        %get3A_59 = tpu.vector_load %arg13[%get3A_58] {strides = array<i32>} : memref<1232xf32, #tpu.memory_space<vmem>>, vector<16xf32>,
        %slice3A = vector.extract_strided_slice %get3A_59 {offsets = [0], sizes = [1], strides = [1]} : vector<16xf32> to vector<1xf32>
        %squeeze3A = vector.extract %slice3A[0] : f32 from vector<1xf32>
        %sub3A_60 = arith.constant 1.000000e+00 : f32
        %sub3A_61 = arith.subf %sub3A_60, %squeeze3A : f32
        %mul3A_62 = arith.constant 2.500000e-02 : f32
        %mul3A_63 = arith.mulf %sub3A_61, %mul3A_62 : f32
        %mul3A_64 = vector.broadcast %mul3A_63 : f32 to vector<16xf32>
        %mul3A_65 = arith.mulf %mul3A_64, %get3A_38 : vector<16xf32>
        %swap3A = arith.index_cast %scan3A_30 : i32 to index
        %swap3A_66 = arith.constant 0 : index
        %swap3A_67 = tpu.vector_load %arg11[%swap3A, %swap3A_66] {strides = array<i32>} : memref<128x32xf32, #tpu.memory_space<vmem>>, vector<16xf32>,
        tpu.vector_store %arg11[%swap3A, %swap3A_66], %mul3A_65 {strides = array<i32>} : memref<128x32xf32, #tpu.memory_space<vmem>>, vector<16xf32>,
        %mul3A_68 = vector.broadcast %mul3A_63 : f32 to vector<16xf32>
        %mul3A_69 = arith.mulf %mul3A_68, %get3A_41 : vector<16xf32>
        %swap3A_70 = arith.index_cast %scan3A_30 : i32 to index
        %swap3A_71 = arith.constant 16 : index
        %swap3A_72 = tpu.vector_load %arg11[%swap3A_70, %swap3A_71] {strides = array<i32>} : memref<128x32xf32, #tpu.memory_space<vmem>>, vector<16xf32>,
        tpu.vector_store %arg11[%swap3A_70, %swap3A_71], %mul3A_69 {strides = array<i32>} : memref<128x32xf32, #tpu.memory_space<vmem>>, vector<16xf32>,
        %mul3A_73 = vector.broadcast %mul3A_63 : f32 to vector<16xf32>
        %mul3A_74 = arith.mulf %mul3A_73, %get3A_32 : vector<16xf32>
        %swap3A_75 = arith.index_cast %scan3A_30 : i32 to index
        %swap3A_76 = arith.constant 0 : index
        %swap3A_77 = tpu.vector_load %arg12[%swap3A_75, %swap3A_76] {strides = array<i32>} : memref<128x32xf32, #tpu.memory_space<vmem>>, vector<16xf32>,
        tpu.vector_store %arg12[%swap3A_75, %swap3A_76], %mul3A_74 {strides = array<i32>} : memref<128x32xf32, #tpu.memory_space<vmem>>, vector<16xf32>,
        %mul3A_78 = vector.broadcast %mul3A_63 : f32 to vector<16xf32>
        %mul3A_79 = arith.mulf %mul3A_78, %get3A_35 : vector<16xf32>
        %swap3A_80 = arith.index_cast %scan3A_30 : i32 to index
        %swap3A_81 = arith.constant 16 : index
        %swap3A_82 = tpu.vector_load %arg12[%swap3A_80, %swap3A_81] {strides = array<i32>} : memref<128x32xf32, #tpu.memory_space<vmem>>, vector<16xf32>,
        tpu.vector_store %arg12[%swap3A_80, %swap3A_81], %mul3A_79 {strides = array<i32>} : memref<128x32xf32, #tpu.memory_space<vmem>>, vector<16xf32>,
      }
      %scan3A_27 = arith.constant 128 : i32
      "tpu.region"() ({
        %run_scoped3A = tpu.sem_alloc : memref<!tpu.dma_semaphore, #tpu.memory_space<semaphore_mem>>
        %dma_start3A_30 = arith.constant 0 : i32
        %dma_start3A_31 = tpu.memref_slice %arg6[%multiple_of3A, %dma_start3A_30] : memref<262144x32xf32, #tpu.memory_space<hbm>> -> memref<128x32xf32, #tpu.memory_space<hbm>>
        %dma_start3A_32 = arith.constant 0 : i32
        %dma_start3A_33 = tpu.memref_slice %arg6[%multiple_of3A, %dma_start3A_32] : memref<262144x32xf32, #tpu.memory_space<hbm>> -> memref<128x32xf32, #tpu.memory_space<hbm>>
        tpu.enqueue_dma source(%arg11 : memref<128x32xf32, #tpu.memory_space<vmem>>) target(%dma_start3A_33 : memref<128x32xf32, #tpu.memory_space<hbm>>) target_semaphore(%run_scoped3A : memref<!tpu.dma_semaphore, #tpu.memory_space<semaphore_mem>>)
        %dma_wait3A_34 = arith.constant 0 : i32
        %dma_wait3A_35 = tpu.memref_slice %arg6[%multiple_of3A, %dma_wait3A_34] : memref<262144x32xf32, #tpu.memory_space<hbm>> -> memref<128x32xf32, #tpu.memory_space<hbm>>
        %dma_wait3A_36 = arith.constant 0 : i32
        %dma_wait3A_37 = tpu.memref_slice %arg6[%multiple_of3A, %dma_wait3A_36] : memref<262144x32xf32, #tpu.memory_space<hbm>> -> memref<128x32xf32, #tpu.memory_space<hbm>>
        tpu.wait_dma2 semaphore(%run_scoped3A : memref<!tpu.dma_semaphore, #tpu.memory_space<semaphore_mem>>) src(%arg11 : memref<128x32xf32, #tpu.memory_space<vmem>>) dst(%dma_wait3A_37 : memref<128x32xf32, #tpu.memory_space<hbm>>)
        tpu.yield
      }) : () -> ()
      %add3A_28 = arith.constant 131072 : i32
      %add3A_29 = arith.addi %add3A_28, %multiple_of3A : i32
      "tpu.region"() ({
        %run_scoped3A = tpu.sem_alloc : memref<!tpu.dma_semaphore, #tpu.memory_space<semaphore_mem>>
        %dma_start3A_30 = arith.constant 0 : i32
        %dma_start3A_31 = tpu.memref_slice %arg6[%add3A_29, %dma_start3A_30] : memref<262144x32xf32, #tpu.memory_space<hbm>> -> memref<128x32xf32, #tpu.memory_space<hbm>>
        %dma_start3A_32 = arith.constant 0 : i32
        %dma_start3A_33 = tpu.memref_slice %arg6[%add3A_29, %dma_start3A_32] : memref<262144x32xf32, #tpu.memory_space<hbm>> -> memref<128x32xf32, #tpu.memory_space<hbm>>
        tpu.enqueue_dma source(%arg12 : memref<128x32xf32, #tpu.memory_space<vmem>>) target(%dma_start3A_33 : memref<128x32xf32, #tpu.memory_space<hbm>>) target_semaphore(%run_scoped3A : memref<!tpu.dma_semaphore, #tpu.memory_space<semaphore_mem>>)
        %dma_wait3A_34 = arith.constant 0 : i32
        %dma_wait3A_35 = tpu.memref_slice %arg6[%add3A_29, %dma_wait3A_34] : memref<262144x32xf32, #tpu.memory_space<hbm>> -> memref<128x32xf32, #tpu.memory_space<hbm>>
        %dma_wait3A_36 = arith.constant 0 : i32
        %dma_wait3A_37 = tpu.memref_slice %arg6[%add3A_29, %dma_wait3A_36] : memref<262144x32xf32, #tpu.memory_space<hbm>> -> memref<128x32xf32, #tpu.memory_space<hbm>>
        tpu.wait_dma2 semaphore(%run_scoped3A : memref<!tpu.dma_semaphore, #tpu.memory_space<semaphore_mem>>) src(%arg12 : memref<128x32xf32, #tpu.memory_space<vmem>>) dst(%dma_wait3A_37 : memref<128x32xf32, #tpu.memory_space<hbm>>)
        tpu.yield
      }) : () -> ()
    }
    %scan3A_7 = arith.constant 32 : i32
    return
  }
}

</mosaic_0001>

<sc_bundles>
// kernel: kernel.12.cloned.1.call-start
scs
__scs_entry_jumppad:
0x0: {  	(pc) =	sbr.rel $0x88, $3  }
0x1: {  	(tag) =	ssettag $0x0;
	lr =	simm.s32 $0x1  }
0x2: {  	[smem:$0x3F9C] =	sst lr;
	_ =	strace $0xD0000000  }
0x3: {  	_ = 	snop  }
0x4: {  	_ = 	snop  }
0x5: {  	_ = 	snop  }
0x6: {  	_ = 	snop  }
0x7: {  	_ = 	snop  }
__scs_overlays_trampoline_lowered:
0x8: {  	[smem:$0x3FAB] =	sst s0  }
0x9: {  	[smem:$0x3FAC] =	sst s1  }
0xa: {  	[smem:$0x3FAD] =	sst s2  }
0xb: {  	[smem:$0x3FAE] =	sst s3  }
0xc: {  	[smem:$0x3FAF] =	sst s4  }
0xd: {  	[smem:$0x3FB0] =	sst s5  }
0xe: {  	[smem:$0x3FB1] =	sst s6  }
0xf: {  	[smem:$0x3FB2] =	sst s7  }
0x10: {  	[smem:$0x3FB3] =	sst s8  }
0x11: {  	[smem:$0x3FB4] =	sst s9;
	s0 =	simm.s32 @!p0 $0x0  }
0x12: {  	s1 =	sld [smem:$0x3F9A];
	s0 =	simm.s32 @p0 $0x1  }
0x13: {  	[smem:$0x3FB5] =	sst s0;
	s0 =	simm.s32 @!p1 $0x0  }
0x14: {  	s2 =	sld [smem:$0x3F99];
	s0 =	simm.s32 @p1 $0x1  }
0x15: {  	[smem:$0x3FB6] =	sst s0;
	s0 =	simm.s32 @!p2 $0x0  }
0x16: {  	s3 =	sld [smem:$0x3FDB];
	s0 =	simm.s32 @p2 $0x1  }
0x17: {  	s4 =	simm.s32 $0x1BF5;
	[smem:$0x3FB8] =	sst s0  }
0x18: {  	s0 =	sld [smem:$0x3F9B];
	_ =	swait.ge [sflag:s4], $0x0  }
0x19: {  	s7 =	sld [smem:$0x3F9C]  }
0x1a: {  	s8 =	sadd.s32 $0xFFFFE003, lr  }
0x1b: {  	s9 =	sadd.s32 $0xFFFFFEF7, lr;
	s5 =	simm.s32 $0xFFFFFFFF;
	p2 =	slt.u32 s8, $0xFFFFF086  }
0x1c: {  	p1 =	slt.u32 s9, $0xF7A;
	s5 =	simm.s32 @!p2 $0x0  }
0x1d: {  	s5 =	simm.s32 @p1 $0x1;
	p0 =	seq.s32 s7, s2  }
0x1e: {  	s7 =	smul.u32 @!p0 $0xF7A, s2;
	p2 =	seq.s32 @!p0 s5, $0x0  }
0x1f: {  	s9 =	smul.u32 $0xF7A, s1;
	s8 =	simm.s32 @!p0 $0x1BF5;
	p2 =	por !p2, p0  }
0x20: {  	[sflag:s8] =	ssyncset.s32 @!p0 $0xFFFFF086;
	s6 =	sadd.s32 @!p0 s3, s7;
	s7 =	simm.s32 @!p0 $0x108  }
0x21: {  	s3 =	sadd.s32 s3, s9;
	s6 =	sadd.s32 @!p0 $0x88, s6;
	s7 =	simm.s32 @p2 $0x1082  }
0x22: {  	[simem:s7], [sflag:s8] =	dma.local @!p0 [hbm:s6], $0xF7A  }
0x23: {  	s9 =	sor.u32 $0xD0000000, s2;
	s6 =	simm.s32 $0x108;
	_ =	swait.ge @!p0 [sflag:s8], $0x0  }
0x24: {  	s3 =	sadd.s32 $0x88, s3;
	s6 =	simm.s32 @!p1 $0x1082;
	[sflag:s4] =	ssyncset.s32 $0xFFFFF086  }
0x25: {  	[simem:s6], [sflag:s4] =	dma.local [hbm:s3], $0xF7A  }
0x26: {  	[smem:$0x3F9C] =	sst s1;
	(tag) =	ssettag s2;
	_ =	strace s9  }
0x27: {  	s1 =	sld [smem:$0x3FAC]  }
0x28: {  	s2 =	sld [smem:$0x3FAD]  }
0x29: {  	s4 =	sld [smem:$0x3FAF]  }
0x2a: {  	p0 =	seq.s32 s5, $0x0;
	s5 =	sld [smem:$0x3FB0]  }
0x2b: {  	s6 =	sld [smem:$0x3FB1]  }
0x2c: {  	s7 =	sld [smem:$0x3FB2]  }
0x2d: {  	s3 =	simm.s32 $0x108;
	s8 =	sld [smem:$0x3FB3]  }
0x2e: {  	s3 =	simm.s32 @!p0 $0x1082;
	s9 =	sld [smem:$0x3FB4]  }
0x2f: {  	lr =	sadd.s32 s0, s3;
	s0 =	sld [smem:$0x3FAB]  }
0x30: {  	s3 =	sld [smem:$0x3FAE]  }
0x31: {  	[smem:$0x3FB7] =	sst s10  }
0x32: {  	s10 =	sld [smem:$0x3FB5];
	_ =	sdelay $0x3  }
0x33: {  	p0 =	seq.s32 s10, $0x1;
	s10 =	sld [smem:$0x3FB7];
	_ =	sdelay $0x3  }
0x34: {  	[smem:$0x3FB7] =	sst s10  }
0x35: {  	s10 =	sld [smem:$0x3FB6];
	_ =	sdelay $0x3  }
0x36: {  	p1 =	seq.s32 s10, $0x1;
	s10 =	sld [smem:$0x3FB7];
	_ =	sdelay $0x3  }
0x37: {  	[smem:$0x3FB7] =	sst s10  }
0x38: {  	s10 =	sld [smem:$0x3FB8]  }
0x39: {  	_ = 	snop;
	(pc) =	sbr.ind lr, $3  }
0x3a: {  	_ = 	snop  }
0x3b: {  	_ = 	snop  }
0x3c: {  	p2 =	seq.s32 s10, $0x1;
	s10 =	sld [smem:$0x3FB7]  }
0x3d: {  	_ =	shalt  }
0x3e: {  	_ =	shalt  }
0x3f: {  	_ =	shalt  }
0x40: {  	_ =	shalt  }
0x41: {  	_ =	shalt  }
0x42: {  	_ =	shalt  }
0x43: {  	_ =	shalt  }
0x44: {  	_ =	shalt  }
0x45: {  	_ =	shalt  }
0x46: {  	_ =	shalt  }
0x47: {  	_ =	shalt  }
0x48: {  	_ =	shalt  }
0x49: {  	_ =	shalt  }
0x4a: {  	_ =	shalt  }
0x4b: {  	_ =	shalt  }
0x4c: {  	_ =	shalt  }
0x4d: {  	_ =	shalt  }
0x4e: {  	_ =	shalt  }
0x4f: {  	_ =	shalt  }
0x50: {  	_ =	shalt  }
0x51: {  	_ =	shalt  }
0x52: {  	_ =	shalt  }
0x53: {  	_ =	shalt  }
0x54: {  	_ =	shalt  }
0x55: {  	_ =	shalt  }
0x56: {  	_ =	shalt  }
0x57: {  	_ =	shalt  }
0x58: {  	_ =	shalt  }
0x59: {  	_ =	shalt  }
0x5a: {  	_ =	shalt  }
0x5b: {  	_ =	shalt  }
0x5c: {  	_ =	shalt  }
0x5d: {  	_ =	shalt  }
0x5e: {  	_ =	shalt  }
0x5f: {  	_ =	shalt  }
0x60: {  	_ =	shalt  }
0x61: {  	_ =	shalt  }
0x62: {  	_ =	shalt  }
0x63: {  	_ =	shalt  }
0x64: {  	_ =	shalt  }
0x65: {  	_ =	shalt  }
0x66: {  	_ =	shalt  }
0x67: {  	_ =	shalt  }
0x68: {  	_ =	shalt  }
0x69: {  	_ =	shalt  }
0x6a: {  	_ =	shalt  }
0x6b: {  	_ =	shalt  }
0x6c: {  	_ =	shalt  }
0x6d: {  	_ =	shalt  }
0x6e: {  	_ =	shalt  }
0x6f: {  	_ =	shalt  }
0x70: {  	_ =	shalt  }
0x71: {  	_ =	shalt  }
0x72: {  	_ =	shalt  }
0x73: {  	_ =	shalt  }
0x74: {  	_ =	shalt  }
0x75: {  	_ =	shalt  }
0x76: {  	_ =	shalt  }
0x77: {  	_ =	shalt  }
0x78: {  	_ =	shalt  }
0x79: {  	_ =	shalt  }
0x7a: {  	_ =	shalt  }
0x7b: {  	_ =	shalt  }
0x7c: {  	_ =	shalt  }
0x7d: {  	_ =	shalt  }
0x7e: {  	_ =	shalt  }
0x7f: {  	_ =	shalt  }
0x80: {  	_ =	shalt  }
0x81: {  	_ =	shalt  }
0x82: {  	_ =	shalt  }
0x83: {  	_ =	shalt  }
0x84: {  	_ =	shalt  }
0x85: {  	_ =	shalt  }
0x86: {  	_ =	shalt  }
0x87: {  	_ =	shalt  }
.Lfunc_end0:
.L_simem_size_0:
called_computation.3_lowered:
.L_overlay_start_0:
0x88: {  	s2 =	sld [smem:$0x3FD9]  }
0x89: {  	s3 =	sld [smem:$0x3FFE];
	_ =	sdelay $0x1  }
0x8a: {  	s1 =	srdreg.scid  }
0x8b: {  	s0 =	sand.u32 $0x1, s1  }
0x8c: {  	s17 =	sshll.u32 s0, $0xA;
	s2 =	sadd.s32 s3, s2  }
0x8d: {  	s2 =	sadd.s32 s2, s17  }
0x8e: {  	[smem:$0x3FC3] =	sst s2  }
0x8f: {  	_ = 	snop  }
0x90: {  	s2 =	sld [smem:$0x3FC6]  }
0x91: {  	s18 =	sld [smem:$0x3FC5];
	(tm) =	ssettm $0x1  }
0x92: {  	s4 =	sld [smem:$0x3FFB];
	_ =	sdelay $0x3  }
0x93: {  	_ =	strace s4  }
0x94: {  	s4 =	sld [smem:$0x3FFC];
	_ =	sdelay $0x3  }
0x95: {  	_ =	strace s4  }
0x96: {  	s4 =	sld [smem:$0x3FFD];
	_ =	sdelay $0x3  }
0x97: {  	_ =	strace s4  }
0x98: {  	_ =	strace $0x8FFFFFFF  }
0x99: {  	s19 =	sld [smem:$0x3FDB];
	_ =	sdelay $0x1  }
0x9a: {  	s5 =	simm.s32 $_scs_section_size  }
0x9b: {  	s6 =	simm.s32 $_size__tile_overlayer_lowered;
	s7 =	simm.s32 $_tile_overlayer_lowered  }
0x9c: {  	s22 =	simm.s32 $0x1BFF;
	s21 =	sshll.u32 s7, $0x1;
	s4 =	sadd.s32 s5, s19  }
0x9d: {  	s8 =	simm.s32 $0x0;
	s20 =	sshll.u32 s6, $0x1;
	s6 =	sadd.s32 s21, s4  }
0x9e: {  	[timem:s8], [sflag:s22] =	dma.local [hbm:s6], s20  }
0x9f: {  	_ =	swait.ge [sflag:s22], s20  }
0xa0: {  	s5 =	ssub.s32 $0x0, s20;
	[sflag:s22] =	ssyncset.done $0x0  }
0xa1: {  	[sflag:s22] =	ssyncadd.s32 s5;
	_ =	sdelay $0x1  }
0xa2: {  	s23 =	simm.s32 $0x1B8B  }
0xa3: {  	_ =	swait.ge [sflag:s23], $0x1  }
0xa4: {  	[sflag:s23] =	ssyncset.done $0x0  }
0xa5: {  	s25 =	simm.s32 $0x1B8E;
	s24 =	sld [smem:$0x3FFE];
	[sflag:s23] =	ssyncadd.s32 $0xFFFFFFFF  }
0xa6: {  	s26 =	simm.s32 $execute0_lowered;
	[smem:$0x3FD2] =	sst s25  }
0xa7: {  	s6 =	sshll.u32 s26, $0x1;
	_ =	strace $0x8000004C;
	[dreg:$0x1] =	wrdreg $0xFFFFFFFF  }
0xa8: {  	s28 =	simm.s32 $_size_execute0_lowered;
	s4 =	sadd.s32 s4, s6;
	[dreg:$0x0] =	wrdreg $0x0  }
0xa9: {  	s6 =	sshll.u32 s28, $0x1;
	[dreg:$0x2] =	wrdreg s4  }
0xaa: {  	[dreg:$0x3] =	wrdreg s6  }
0xab: {  	[dreg:$0x4] =	wrdreg $0xC0  }
0xac: {  	_ =	task [dreg:s8], $0x5FFFF  }
0xad: {  	[dreg:$0x1] =	wrdreg $0xFFFFFFFF  }
0xae: {  	[dreg:$0x0] =	wrdreg $0x60  }
0xaf: {  	[dreg:$0x2] =	wrdreg s24  }
0xb0: {  	[dreg:$0x3] =	wrdreg s2  }
0xb1: {  	[dreg:$0x4] =	wrdreg s18  }
0xb2: {  	[dreg:$0x5] =	wrdreg $0x9  }
0xb3: {  	_ =	task.clear_ibuf [dreg:s8], $0x6FFFF;
	_ =	strace $0x9000004C  }
0xb4: {  	s29 =	simm.s32 $0x9;
	_ =	strace $0x8000004E  }
0xb5: {  	_ =	swait.ge [sflag:s29], $0x1  }
0xb6: {  	[sflag:s29] =	ssyncadd.s32 $0xFFFFFFFF  }
0xb7: {  	_ =	strace $0x9000004E  }
0xb8: {  	_ =	sfence  }
0xb9: {  	s30 =	sld [smem:$0x0];
	_ =	sdelay $0x2  }
0xba: {  	s31 =	sshll.u32 s1, $0xD;
	s1 =	sshrl.u32 s1, $0x2  }
0xbb: {  	s3 =	sand.u32 $0x4000, s31;
	s1 =	sadd.s32 s1, s30  }
0xbc: {  	s0 =	sor.u32 s3, s0;
	s1 =	sshll.u32 s1, $0x11  }
0xbd: {  	s0 =	sor.u32 s1, s0  }
0xbe: {  	s0 =	sadd.s32 $0x8F2B, s0  }
0xbf: {  	[sflag:s0] =	ssyncadd.remote.s32 $0x1  }
0xc0: {  	_ =	sfence.sel $0xFFFF  }
0xc1: {  	[dreg:$0x0] =	wrdreg $0xFFFFFFFF;
	(pc) =	sbr.abs _section_cstart, $3  }
0xc2: {  	[dreg:$0x1] =	wrdreg $0xFFFFFFFF  }
0xc3: {  	_ =	task.clear_ibuf [dreg:s8], $0x2FFFF;
	_ =	strace $0x9FFFFFFF  }
0xc4: {  	(tm) =	ssettm $0x7FFFFFFF  }
0xc5: {  	_ =	shalt  }
tec
execute0_lowered:
.L_overlay_start_1:
0x0: {  	(tag) =	ssettag $0x1  }
0x1: {  	s9 =	rddreg [dreg:$0x0]  }
0x2: {  	s1 =	rddreg [dreg:$0x1]  }
0x3: {  	s2 =	rddreg [dreg:$0x2]  }
0x4: {  	s0 =	rddreg [dreg:$0x3];
	s3 =	simm.s32 $0x0;
	s4 =	srdreg.scid  }
0x5: {  	s13 =	simm.s32 $0x80;
	s14 =	simm.s32 $0x100;
	s15 =	simm.s32 $0x1  }
0x6: {  	s16 =	simm.s32 $0x1100;
	s17 =	simm.s32 $0x2100;
	s18 =	simm.s32 $0x3100  }
0x7: {  	s19 =	simm.s32 $0x0;
	[smem:$0x7FF] =	sst s3;
	s8 =	sand.u32 $0x1, s4  }
0x8: {  	s5 =	sadd.s32 $0x111800, s9;
	s4 =	stileid.u32;
	s6 =	sadd.s32 $0xE00, s9  }
0x9: {  	s7 =	sadd.s32 $0x4E2200, s9;
	s9 =	sadd.s32 $0x762200, s9;
	s10 =	ssub.s32 $0x2, s8  }
0xa: {  	_ =	strace $0x8000004D;
	s12 =	sshll.u32 s4, $0x1;
	s11 =	sshrl.u32 s10, $0x1  }
0xb: {  	s8 =	sor.u32 s8, s12;
	s12 =	simm.s32 $0x2;
	s10 =	ssub.s32 s10, s11  }
0xc: {  	s8 =	smul.u32 $0x5000, s8;
	s11 =	simm.s32 $0x4100;
	s10 =	smax.u32 s10, $0x1  }
.LBB2_1:
0xd: {  	[tilespmem:s11], [sflag:$0x2] =	stream.linear.gather [hbm4b:s6+s3], $0x4D0, $0x38;
	[tilespmem:$0x45D0] =	vst v63  }
0xe: {  	_ =	swait.ge [sflag:s12], $0x4D0  }
0xf: {  	[sflag:s12] =	ssyncset.done $0x0  }
0x10: {  	s20 =	simm.s32 $0x0;
	[sflag:s12] =	ssyncadd.s32 $0xFFFFFB30  }
.LBB2_2:
0x11: {  	s21 =	sshll.u32 s20, $0x7  }
0x12: {  	s21 =	sadd.s32 s8, s21  }
0x13: {  	s22 =	sshrl.u32 s21, $0x3  }
0x14: {  	s24 =	simm.s32 $0x0;
	s23 =	sadd.s32 s1, s22  }
0x15: {  	[tilespmem:s24], [sflag:$0x2] =	stream.linear.gather [hbm4b:s23+s24], $0x80, $0x38;
	[tilespmem:$0x45D0] =	vst v63  }
0x16: {  	_ =	swait.ge [sflag:s12], $0x80  }
0x17: {  	[sflag:s12] =	ssyncset.done $0x0  }
0x18: {  	s22 =	sadd.s32 s2, s22;
	[sflag:s12] =	ssyncadd.s32 $0xFFFFFF80  }
0x19: {  	[tilespmem:s13], [sflag:$0x2] =	stream.linear.gather [hbm4b:s22+s24], $0x80, $0x38;
	[tilespmem:$0x45D0] =	vst v63  }
0x1a: {  	_ =	swait.ge [sflag:s12], $0x80  }
0x1b: {  	[sflag:s12] =	ssyncset.done $0x0  }
0x1c: {  	[sflag:s12] =	ssyncadd.s32 $0xFFFFFF80  }
0x1d: {  	[tilespmem:s14], [sflag:$0x1] =	stream.indirect.gather [hbm4b:s5+s13], $0x20, s24, s13, $0xb8;
	[tilespmem:$0x45D0] =	vst v63  }
0x1e: {  	_ =	swait.ge [sflag:s15], $0x1000  }
0x1f: {  	[sflag:s15] =	ssyncset.done $0x0  }
0x20: {  	[sflag:s15] =	ssyncadd.s32 $0xFFFFF000  }
0x21: {  	[tilespmem:s16], [sflag:$0x1] =	stream.indirect.gather [hbm4b:s5+s13], $0x20, s13, s13, $0xb8;
	[tilespmem:$0x45D0] =	vst v63  }
0x22: {  	_ =	swait.ge [sflag:s15], $0x1000  }
0x23: {  	[sflag:s15] =	ssyncset.done $0x0  }
0x24: {  	s23 =	simm.s32 $0x0;
	[sflag:s15] =	ssyncadd.s32 $0xFFFFF000  }
0x25: {  	v4 =	vld [tilespmem:s23+$0x100]  }
0x26: {  	v5 =	vld [tilespmem:s23+$0x110]  }
0x27: {  	v7 =	vld [tilespmem:s23+$0x1100]  }
0x28: {  	v6 =	vld [tilespmem:s23+$0x1110];
	_ =	sdelay $0x4  }
0x29: {  	v0 =	vmul.f32 v7, v4;
	v1 =	vmul.f32 v6, v5;
	_ =	sdelay $0x1  }
0x2a: {  	v0 =	vadd.f32 v1, v0;
	_ =	sdelay $0x1  }
0x2b: {  	(xrf2) =	vadd.scan.msk.f32 $0xffff, v0;
	_ =	sdelay $0x9  }
0x2c: {  	v0, _, _ =	vpop (xrf2)  }
0x2d: {  	(v2sf) =	vpush v0, $0xF;
	_ =	sdelay $0x6  }
0x2e: {  	s22 =	simm.s32 $0x20  }
0x2f: {  	v3 =	vld [tilespmem:s22+$0x1100]  }
0x30: {  	v2 =	vld [tilespmem:s22+$0x1110]  }
0x31: {  	v1 =	vld [tilespmem:s22+$0x110]  }
0x32: {  	v0 =	vld [tilespmem:s22+$0x100];
	_ =	sdelay $0x3  }
0x33: {  	s31 =	spop (v2sf)  }
0x34: {  	v9 =	vmul.f32 v2, v1;
	v8 =	vmul.f32 v3, v0;
	s24 =	sadd.f32 $-1.220607280e+01, s31;
	_ =	sdelay $0x1  }
0x35: {  	v8 =	vadd.f32 v9, v8;
	s24 =	smax.f32 s24, $-6.000000000e+00  }
0x36: {  	s24 =	smin.f32 s24, $6.000000000e+00  }
0x37: {  	(xrf2) =	vadd.scan.msk.f32 $0xffff, v8;
	s24 =	sadd.f32 $6.010000230e+00, s24;
	_ =	sdelay $0x1  }
0x38: {  	s24 =	smul.f32 $1.000000000e+02, s24;
	_ =	sdelay $0x1  }
0x39: {  	s24 =	scvt.f32.s32 s24;
	_ =	sdelay $0x1  }
0x3a: {  	p0 =	sgt.s32 s24, $0x0  }
0x3b: {  	s24 =	simm.s32 @!p0 $0x0  }
0x3c: {  	s24 =	smin.u32 s24, $0x4B1  }
0x3d: {  	v10 =	vld [tilespmem:s24+$0x4100]  }
0x3e: {  	v8, _, _ =	vpop (xrf2)  }
0x3f: {  	(v2sf) =	vpush v8, $0xF;
	_ =	sdelay $0x2  }
0x40: {  	(v2sf) =	vpush v10, $0x0;
	_ =	sdelay $0x3  }
0x41: {  	s24 =	simm.s32 $0x40  }
0x42: {  	v9 =	vld [tilespmem:s24+$0x100]  }
0x43: {  	v8 =	vld [tilespmem:s24+$0x110]  }
0x44: {  	s25 =	simm.s32 $0x180;
	v10 =	vld [tilespmem:s24+$0x1100]  }
.LBB2_3:
0x45: {  	p0 =	sne.s32 s25, $0x3F80;
	v11 =	vld [tilespmem:s24+$0x1110];
	_ =	sdelay $0x3  }
0x46: {  	s26 =	spop (v2sf)  }
0x47: {  	v12 =	vmul.f32 v10, v9;
	v13 =	vmul.f32 v11, v8;
	s26 =	sadd.f32 $-1.220607280e+01, s26;
	_ =	sdelay $0x1  }
0x48: {  	v12 =	vadd.f32 v13, v12;
	s26 =	smax.f32 s26, $-6.000000000e+00;
	s28 =	spop (v2sf)  }
0x49: {  	s26 =	smin.f32 s26, $6.000000000e+00;
	s28 =	ssub.f32 $0.0e+00, s28  }
0x4a: {  	(xrf2) =	vadd.scan.msk.f32 $0xffff, v12;
	s26 =	sadd.f32 $6.010000230e+00, s26  }
0x4b: {  	s28 =	smul.f32 $2.500000040e-02, s28  }
0x4c: {  	s26 =	smul.f32 $1.000000000e+02, s26  }
0x4d: {  	v12 =	vmul.f32 s28, v7;
	v13 =	vmul.f32 s28, v6;
	v6 =	vmovc v2;
	v2 =	vmovc v11;
	v7 =	vmov v3  }
0x4e: {  	v11 =	vmul.f32 s28, v4;
	v14 =	vmul.f32 s28, v5;
	v4 =	vmovc v0;
	v0 =	vmovc v9;
	v5 =	vmov v1;
	s26 =	scvt.f32.s32 s26  }
0x4f: {  	v1 =	vmov v8;
	v3 =	vmov v10;
	[tilespmem:s23+$0x2100] =	vst v12  }
0x50: {  	p1 =	sgt.s32 s26, $0x0;
	[tilespmem:s23+$0x2110] =	vst v13  }
0x51: {  	s26 =	simm.s32 @!p1 $0x0;
	[tilespmem:s23+$0x3100] =	vst v11  }
0x52: {  	s26 =	smin.u32 s26, $0x4B1;
	[tilespmem:s23+$0x3110] =	vst v14;
	s23 =	smov.u32 s22;
	s22 =	smov.u32 s24  }
0x53: {  	v8 =	vld [tilespmem:s26+$0x4100]  }
0x54: {  	v9, _, _ =	vpop (xrf2)  }
0x55: {  	(v2sf) =	vpush v9, $0xF;
	_ =	sdelay $0x2  }
0x56: {  	(v2sf) =	vpush v8, $0x0;
	_ =	sdelay $0x2  }
.Ltmp0:
0x57: {  	(pc) =	sbr.rel @p0 .LBB2_3-.Ltmp0, $4  }
0x58: {  	s24 =	sshra.s32 s25, $0x2  }
0x59: {  	v9 =	vld [tilespmem:s24+$0x100]  }
0x5a: {  	v8 =	vld [tilespmem:s24+$0x110]  }
0x5b: {  	s25 =	sadd.s32 $0x80, s25;
	v10 =	vld [tilespmem:s24+$0x1100]  }
0x5c: {  	v11 =	vld [tilespmem:s24+$0x1110];
	_ =	sdelay $0x3  }
0x5d: {  	s25 =	spop (v2sf)  }
0x5e: {  	v12 =	vmul.f32 v10, v9;
	v13 =	vmul.f32 v11, v8;
	s25 =	sadd.f32 $-1.220607280e+01, s25;
	_ =	sdelay $0x1  }
0x5f: {  	v12 =	vadd.f32 v13, v12;
	s25 =	smax.f32 s25, $-6.000000000e+00;
	s26 =	spop (v2sf)  }
0x60: {  	s25 =	smin.f32 s25, $6.000000000e+00;
	s26 =	ssub.f32 $0.0e+00, s26  }
0x61: {  	(xrf2) =	vadd.scan.msk.f32 $0xffff, v12;
	s25 =	sadd.f32 $6.010000230e+00, s25  }
0x62: {  	s26 =	smul.f32 $2.500000040e-02, s26  }
0x63: {  	s25 =	smul.f32 $1.000000000e+02, s25  }
0x64: {  	v7 =	vmul.f32 s26, v7  }
0x65: {  	v6 =	vmul.f32 s26, v6;
	s25 =	scvt.f32.s32 s25  }
0x66: {  	v4 =	vmul.f32 s26, v4;
	[tilespmem:s23+$0x2100] =	vst v7  }
0x67: {  	v5 =	vmul.f32 s26, v5;
	[tilespmem:s23+$0x2110] =	vst v6;
	p0 =	sgt.s32 s25, $0x0  }
0x68: {  	[tilespmem:s23+$0x3100] =	vst v4;
	s25 =	simm.s32 @!p0 $0x0  }
0x69: {  	[tilespmem:s23+$0x3110] =	vst v5;
	s25 =	smin.u32 s25, $0x4B1  }
0x6a: {  	v4 =	vld [tilespmem:s25+$0x4100]  }
0x6b: {  	v59, _, _ =	vpop (xrf2)  }
0x6c: {  	(v2sf) =	vpush v59, $0xF;
	_ =	sdelay $0x2  }
0x6d: {  	(v2sf) =	vpush v4, $0x0;
	_ =	sdelay $0xb  }
0x6e: {  	s28 =	spop (v2sf)  }
0x6f: {  	s23 =	sadd.f32 $-1.220607280e+01, s28;
	_ =	sdelay $0x1  }
0x70: {  	s23 =	smax.f32 s23, $-6.000000000e+00;
	s29 =	spop (v2sf)  }
0x71: {  	s23 =	smin.f32 s23, $6.000000000e+00;
	s25 =	ssub.f32 $0.0e+00, s29  }
0x72: {  	s23 =	sadd.f32 $6.010000230e+00, s23  }
0x73: {  	s25 =	smul.f32 $2.500000040e-02, s25  }
0x74: {  	s23 =	smul.f32 $1.000000000e+02, s23  }
0x75: {  	v3 =	vmul.f32 s25, v3  }
0x76: {  	v2 =	vmul.f32 s25, v2;
	s23 =	scvt.f32.s32 s23  }
0x77: {  	v0 =	vmul.f32 s25, v0;
	[tilespmem:s22+$0x2100] =	vst v3  }
0x78: {  	v1 =	vmul.f32 s25, v1;
	[tilespmem:s22+$0x2110] =	vst v2;
	p0 =	sgt.s32 s23, $0x0  }
0x79: {  	[tilespmem:s22+$0x3100] =	vst v0;
	s23 =	simm.s32 @!p0 $0x0  }
0x7a: {  	[tilespmem:s22+$0x3110] =	vst v1;
	s23 =	smin.u32 s23, $0x4B1  }
0x7b: {  	v0 =	vld [tilespmem:s23+$0x4100];
	_ =	sdelay $0x4  }
0x7c: {  	(v2sf) =	vpush v0, $0x0;
	_ =	sdelay $0xe  }
0x7d: {  	s30 =	spop (v2sf)  }
0x7e: {  	s22 =	ssub.f32 $0.0e+00, s30;
	_ =	sdelay $0x1  }
0x7f: {  	s22 =	smul.f32 $2.500000040e-02, s22;
	_ =	sdelay $0x1  }
0x80: {  	v60 =	vmul.f32 s22, v10  }
0x81: {  	v61 =	vmul.f32 s22, v11  }
0x82: {  	v62 =	vmul.f32 s22, v9;
	[tilespmem:s24+$0x2100] =	vst v60  }
0x83: {  	v63 =	vmul.f32 s22, v8;
	[tilespmem:s24+$0x2110] =	vst v61  }
0x84: {  	s21 =	sshll.u32 s21, $0x2;
	[tilespmem:s24+$0x3100] =	vst v62  }
0x85: {  	s31 =	sadd.s32 s7, s21;
	[tilespmem:s24+$0x3110] =	vst v63  }
0x86: {  	[hbm4b:s31+s3] =	stream.linear.scatter [tilespmem:s17], [sflag:$0x2], $0x1000, $0x38;
	[tilespmem:$0x45D0] =	vst v63  }
0x87: {  	s20 =	sadd.s32 $0x1, s20;
	_ =	swait.ge [sflag:s12], $0x1000  }
0x88: {  	p0 =	sne.s32 s20, $0xA0;
	[sflag:s12] =	ssyncset.done $0x0  }
.Ltmp1:
0x89: {  	s21 =	sadd.s32 s21, s9;
	[sflag:s12] =	ssyncadd.s32 $0xFFFFF000;
	(pc) =	sbr.rel @p0 .LBB2_2-.Ltmp1, $4  }
0x8a: {  	[hbm4b:s21+s3] =	stream.linear.scatter [tilespmem:s18], [sflag:$0x2], $0x1000, $0x38;
	[tilespmem:$0x45D0] =	vst v63  }
0x8b: {  	_ =	swait.ge [sflag:s12], $0x1000  }
0x8c: {  	[sflag:s12] =	ssyncset.done $0x0  }
0x8d: {  	[sflag:s12] =	ssyncadd.s32 $0xFFFFF000  }
0x8e: {  	s19 =	sadd.s32 $0x1, s19  }
0x8f: {  	p0 =	sne.s32 s19, s10  }
.Ltmp2:
0x90: {  	_ = 	snop;
	(pc) =	sbr.rel @p0 .LBB2_1-.Ltmp2, $1  }
0x91: {  	_ =	sdelay $0x3  }
0x92: {  	_ =	sfence.sel $0x180000  }
0x93: {  	[bflag:$0x0] =	sbarrier.arrive $0xFFFF  }
0x94: {  	p0 =	sne.s32 s4, $0x0;
	_ =	strace $0x9000004D  }
0x95: {  	s0 =	sadd.s32 @!p0 $0x100000, s0;
	[bflag:$0x2] =	sbarrier.arrive $0xFFFF  }
0x96: {  	[sflag:s0] =	ssyncadd.tile.s32 @!p0 $0x1;
	_ =	shalt  }
.Lfunc_end2:
_tile_overlayer_lowered:
.L_overlay_start_2:
0x97: {  	(tag) =	ssettag $0x2  }
0x98: {  	s0 =	rddreg [dreg:$0x0];
	s2 =	stileid.u32  }
0x99: {  	s1 =	rddreg [dreg:$0x1];
	p0 =	sne.s32 s2, $0x0  }
0x9a: {  	s3 =	rddreg [dreg:$0x2];
	[bflag:$0x3] =	sbarrier.arrive $0xFFFF;
	s2 =	simm.s32 @!p0 $0x1C02  }
0x9b: {  	[timem:s3], [sflag:s2] =	dma.local @!p0 [hbm:s0], s1  }
0x9c: {  	s0 =	simm.s32 @!p0 $0x2  }
0x9d: {  	_ =	swait.ge @!p0 [sflag:s0], s1  }
0x9e: {  	s1 =	ssub.s32 @!p0 $0x0, s1;
	[sflag:s0] =	ssyncset.done @!p0 $0x0  }
0x9f: {  	[sflag:s0] =	ssyncadd.s32 @!p0 s1  }
0xa0: {  	[bflag:$0x3] =	sbarrier.arrive $0xFFFF  }
0xa1: {  	_ =	shalt  }

// kernel: kernel.15.cloned.1.call-start
scs
__scs_entry_jumppad:
0x0: {  	(pc) =	sbr.rel $0x88, $3  }
0x1: {  	(tag) =	ssettag $0x0;
	lr =	simm.s32 $0x1  }
0x2: {  	[smem:$0x3F9C] =	sst lr;
	_ =	strace $0xD0000000  }
0x3: {  	_ = 	snop  }
0x4: {  	_ = 	snop  }
0x5: {  	_ = 	snop  }
0x6: {  	_ = 	snop  }
0x7: {  	_ = 	snop  }
__scs_overlays_trampoline_lowered:
0x8: {  	[smem:$0x3FAB] =	sst s0  }
0x9: {  	[smem:$0x3FAC] =	sst s1  }
0xa: {  	[smem:$0x3FAD] =	sst s2  }
0xb: {  	[smem:$0x3FAE] =	sst s3  }
0xc: {  	[smem:$0x3FAF] =	sst s4  }
0xd: {  	[smem:$0x3FB0] =	sst s5  }
0xe: {  	[smem:$0x3FB1] =	sst s6  }
0xf: {  	[smem:$0x3FB2] =	sst s7  }
0x10: {  	[smem:$0x3FB3] =	sst s8  }
0x11: {  	[smem:$0x3FB4] =	sst s9;
	s0 =	simm.s32 @!p0 $0x0  }
0x12: {  	s1 =	sld [smem:$0x3F9A];
	s0 =	simm.s32 @p0 $0x1  }
0x13: {  	[smem:$0x3FB5] =	sst s0;
	s0 =	simm.s32 @!p1 $0x0  }
0x14: {  	s2 =	sld [smem:$0x3F99];
	s0 =	simm.s32 @p1 $0x1  }
0x15: {  	[smem:$0x3FB6] =	sst s0;
	s0 =	simm.s32 @!p2 $0x0  }
0x16: {  	s3 =	sld [smem:$0x3FDB];
	s0 =	simm.s32 @p2 $0x1  }
0x17: {  	s4 =	simm.s32 $0x1BF5;
	[smem:$0x3FB8] =	sst s0  }
0x18: {  	s0 =	sld [smem:$0x3F9B];
	_ =	swait.ge [sflag:s4], $0x0  }
0x19: {  	s7 =	sld [smem:$0x3F9C]  }
0x1a: {  	s8 =	sadd.s32 $0xFFFFE003, lr  }
0x1b: {  	s9 =	sadd.s32 $0xFFFFFEF7, lr;
	s5 =	simm.s32 $0xFFFFFFFF;
	p2 =	slt.u32 s8, $0xFFFFF086  }
0x1c: {  	p1 =	slt.u32 s9, $0xF7A;
	s5 =	simm.s32 @!p2 $0x0  }
0x1d: {  	s5 =	simm.s32 @p1 $0x1;
	p0 =	seq.s32 s7, s2  }
0x1e: {  	s7 =	smul.u32 @!p0 $0xF7A, s2;
	p2 =	seq.s32 @!p0 s5, $0x0  }
0x1f: {  	s9 =	smul.u32 $0xF7A, s1;
	s8 =	simm.s32 @!p0 $0x1BF5;
	p2 =	por !p2, p0  }
0x20: {  	[sflag:s8] =	ssyncset.s32 @!p0 $0xFFFFF086;
	s6 =	sadd.s32 @!p0 s3, s7;
	s7 =	simm.s32 @!p0 $0x108  }
0x21: {  	s3 =	sadd.s32 s3, s9;
	s6 =	sadd.s32 @!p0 $0x88, s6;
	s7 =	simm.s32 @p2 $0x1082  }
0x22: {  	[simem:s7], [sflag:s8] =	dma.local @!p0 [hbm:s6], $0xF7A  }
0x23: {  	s9 =	sor.u32 $0xD0000000, s2;
	s6 =	simm.s32 $0x108;
	_ =	swait.ge @!p0 [sflag:s8], $0x0  }
0x24: {  	s3 =	sadd.s32 $0x88, s3;
	s6 =	simm.s32 @!p1 $0x1082;
	[sflag:s4] =	ssyncset.s32 $0xFFFFF086  }
0x25: {  	[simem:s6], [sflag:s4] =	dma.local [hbm:s3], $0xF7A  }
0x26: {  	[smem:$0x3F9C] =	sst s1;
	(tag) =	ssettag s2;
	_ =	strace s9  }
0x27: {  	s1 =	sld [smem:$0x3FAC]  }
0x28: {  	s2 =	sld [smem:$0x3FAD]  }
0x29: {  	s4 =	sld [smem:$0x3FAF]  }
0x2a: {  	p0 =	seq.s32 s5, $0x0;
	s5 =	sld [smem:$0x3FB0]  }
0x2b: {  	s6 =	sld [smem:$0x3FB1]  }
0x2c: {  	s7 =	sld [smem:$0x3FB2]  }
0x2d: {  	s3 =	simm.s32 $0x108;
	s8 =	sld [smem:$0x3FB3]  }
0x2e: {  	s3 =	simm.s32 @!p0 $0x1082;
	s9 =	sld [smem:$0x3FB4]  }
0x2f: {  	lr =	sadd.s32 s0, s3;
	s0 =	sld [smem:$0x3FAB]  }
0x30: {  	s3 =	sld [smem:$0x3FAE]  }
0x31: {  	[smem:$0x3FB7] =	sst s10  }
0x32: {  	s10 =	sld [smem:$0x3FB5];
	_ =	sdelay $0x3  }
0x33: {  	p0 =	seq.s32 s10, $0x1;
	s10 =	sld [smem:$0x3FB7];
	_ =	sdelay $0x3  }
0x34: {  	[smem:$0x3FB7] =	sst s10  }
0x35: {  	s10 =	sld [smem:$0x3FB6];
	_ =	sdelay $0x3  }
0x36: {  	p1 =	seq.s32 s10, $0x1;
	s10 =	sld [smem:$0x3FB7];
	_ =	sdelay $0x3  }
0x37: {  	[smem:$0x3FB7] =	sst s10  }
0x38: {  	s10 =	sld [smem:$0x3FB8]  }
0x39: {  	_ = 	snop;
	(pc) =	sbr.ind lr, $3  }
0x3a: {  	_ = 	snop  }
0x3b: {  	_ = 	snop  }
0x3c: {  	p2 =	seq.s32 s10, $0x1;
	s10 =	sld [smem:$0x3FB7]  }
0x3d: {  	_ =	shalt  }
0x3e: {  	_ =	shalt  }
0x3f: {  	_ =	shalt  }
0x40: {  	_ =	shalt  }
0x41: {  	_ =	shalt  }
0x42: {  	_ =	shalt  }
0x43: {  	_ =	shalt  }
0x44: {  	_ =	shalt  }
0x45: {  	_ =	shalt  }
0x46: {  	_ =	shalt  }
0x47: {  	_ =	shalt  }
0x48: {  	_ =	shalt  }
0x49: {  	_ =	shalt  }
0x4a: {  	_ =	shalt  }
0x4b: {  	_ =	shalt  }
0x4c: {  	_ =	shalt  }
0x4d: {  	_ =	shalt  }
0x4e: {  	_ =	shalt  }
0x4f: {  	_ =	shalt  }
0x50: {  	_ =	shalt  }
0x51: {  	_ =	shalt  }
0x52: {  	_ =	shalt  }
0x53: {  	_ =	shalt  }
0x54: {  	_ =	shalt  }
0x55: {  	_ =	shalt  }
0x56: {  	_ =	shalt  }
0x57: {  	_ =	shalt  }
0x58: {  	_ =	shalt  }
0x59: {  	_ =	shalt  }
0x5a: {  	_ =	shalt  }
0x5b: {  	_ =	shalt  }
0x5c: {  	_ =	shalt  }
0x5d: {  	_ =	shalt  }
0x5e: {  	_ =	shalt  }
0x5f: {  	_ =	shalt  }
0x60: {  	_ =	shalt  }
0x61: {  	_ =	shalt  }
0x62: {  	_ =	shalt  }
0x63: {  	_ =	shalt  }
0x64: {  	_ =	shalt  }
0x65: {  	_ =	shalt  }
0x66: {  	_ =	shalt  }
0x67: {  	_ =	shalt  }
0x68: {  	_ =	shalt  }
0x69: {  	_ =	shalt  }
0x6a: {  	_ =	shalt  }
0x6b: {  	_ =	shalt  }
0x6c: {  	_ =	shalt  }
0x6d: {  	_ =	shalt  }
0x6e: {  	_ =	shalt  }
0x6f: {  	_ =	shalt  }
0x70: {  	_ =	shalt  }
0x71: {  	_ =	shalt  }
0x72: {  	_ =	shalt  }
0x73: {  	_ =	shalt  }
0x74: {  	_ =	shalt  }
0x75: {  	_ =	shalt  }
0x76: {  	_ =	shalt  }
0x77: {  	_ =	shalt  }
0x78: {  	_ =	shalt  }
0x79: {  	_ =	shalt  }
0x7a: {  	_ =	shalt  }
0x7b: {  	_ =	shalt  }
0x7c: {  	_ =	shalt  }
0x7d: {  	_ =	shalt  }
0x7e: {  	_ =	shalt  }
0x7f: {  	_ =	shalt  }
0x80: {  	_ =	shalt  }
0x81: {  	_ =	shalt  }
0x82: {  	_ =	shalt  }
0x83: {  	_ =	shalt  }
0x84: {  	_ =	shalt  }
0x85: {  	_ =	shalt  }
0x86: {  	_ =	shalt  }
0x87: {  	_ =	shalt  }
.Lfunc_end0:
.L_simem_size_0:
called_computation.4_lowered:
.L_overlay_start_0:
0x88: {  	s2 =	sld [smem:$0x3FD9]  }
0x89: {  	s3 =	sld [smem:$0x3FFE];
	_ =	sdelay $0x1  }
0x8a: {  	s1 =	srdreg.scid  }
0x8b: {  	s0 =	sand.u32 $0x1, s1  }
0x8c: {  	s17 =	sshll.u32 s0, $0xA;
	s2 =	sadd.s32 s3, s2  }
0x8d: {  	s2 =	sadd.s32 s2, s17  }
0x8e: {  	[smem:$0x3FC3] =	sst s2  }
0x8f: {  	_ = 	snop  }
0x90: {  	s2 =	sld [smem:$0x3FD0];
	(tm) =	ssettm $0x1  }
0x91: {  	s18 =	sld [smem:$0x3FFB];
	_ =	sdelay $0x3  }
0x92: {  	_ =	strace s18  }
0x93: {  	s3 =	sld [smem:$0x3FFC];
	_ =	sdelay $0x3  }
0x94: {  	_ =	strace s3  }
0x95: {  	s3 =	sld [smem:$0x3FFD];
	_ =	sdelay $0x3  }
0x96: {  	_ =	strace s3  }
0x97: {  	_ =	strace $0x8FFFFFFF  }
0x98: {  	s19 =	sld [smem:$0x3FDB];
	_ =	sdelay $0x1  }
0x99: {  	s4 =	simm.s32 $_scs_section_size  }
0x9a: {  	s5 =	simm.s32 $_size__tile_overlayer_lowered;
	s6 =	simm.s32 $_tile_overlayer_lowered  }
0x9b: {  	s22 =	simm.s32 $0x1BFF;
	s21 =	sshll.u32 s6, $0x1;
	s3 =	sadd.s32 s4, s19  }
0x9c: {  	s7 =	simm.s32 $0x0;
	s20 =	sshll.u32 s5, $0x1;
	s5 =	sadd.s32 s21, s3  }
0x9d: {  	[timem:s7], [sflag:s22] =	dma.local [hbm:s5], s20  }
0x9e: {  	_ =	swait.ge [sflag:s22], s20  }
0x9f: {  	s4 =	ssub.s32 $0x0, s20;
	[sflag:s22] =	ssyncset.done $0x0  }
0xa0: {  	[sflag:s22] =	ssyncadd.s32 s4;
	_ =	sdelay $0x1  }
0xa1: {  	s23 =	simm.s32 $0x1B8B  }
0xa2: {  	_ =	swait.ge [sflag:s23], $0x1  }
0xa3: {  	[sflag:s23] =	ssyncset.done $0x0  }
0xa4: {  	s25 =	simm.s32 $0x1B8E;
	s24 =	sld [smem:$0x3FFE];
	[sflag:s23] =	ssyncadd.s32 $0xFFFFFFFF  }
0xa5: {  	s26 =	simm.s32 $execute0_lowered;
	[smem:$0x3FD2] =	sst s25  }
0xa6: {  	s5 =	sshll.u32 s26, $0x1;
	_ =	strace $0x8000004F;
	[dreg:$0x1] =	wrdreg $0xFFFFFFFF  }
0xa7: {  	s28 =	simm.s32 $_size_execute0_lowered;
	s3 =	sadd.s32 s3, s5;
	[dreg:$0x0] =	wrdreg $0x0  }
0xa8: {  	s5 =	sshll.u32 s28, $0x1;
	[dreg:$0x2] =	wrdreg s3  }
0xa9: {  	[dreg:$0x3] =	wrdreg s5  }
0xaa: {  	[dreg:$0x4] =	wrdreg $0xC0  }
0xab: {  	_ =	task [dreg:s7], $0x5FFFF  }
0xac: {  	[dreg:$0x1] =	wrdreg $0xFFFFFFFF  }
0xad: {  	[dreg:$0x0] =	wrdreg $0x60  }
0xae: {  	[dreg:$0x2] =	wrdreg s24  }
0xaf: {  	[dreg:$0x3] =	wrdreg s2  }
0xb0: {  	[dreg:$0x4] =	wrdreg $0x9  }
0xb1: {  	_ =	task.clear_ibuf [dreg:s7], $0x5FFFF;
	_ =	strace $0x9000004F  }
0xb2: {  	s29 =	simm.s32 $0x9;
	_ =	strace $0x80000051  }
0xb3: {  	_ =	swait.ge [sflag:s29], $0x1  }
0xb4: {  	[sflag:s29] =	ssyncadd.s32 $0xFFFFFFFF  }
0xb5: {  	_ =	strace $0x90000051  }
0xb6: {  	_ =	sfence  }
0xb7: {  	s30 =	sld [smem:$0x0];
	_ =	sdelay $0x2  }
0xb8: {  	s31 =	sshll.u32 s1, $0xD;
	s1 =	sshrl.u32 s1, $0x2  }
0xb9: {  	s3 =	sand.u32 $0x4000, s31;
	s1 =	sadd.s32 s1, s30  }
0xba: {  	s0 =	sor.u32 s3, s0;
	s1 =	sshll.u32 s1, $0x11  }
0xbb: {  	s0 =	sor.u32 s1, s0  }
0xbc: {  	s0 =	sadd.s32 $0x8F2B, s0  }
0xbd: {  	[sflag:s0] =	ssyncadd.remote.s32 $0x1  }
0xbe: {  	_ =	sfence.sel $0xFFFF  }
0xbf: {  	[dreg:$0x0] =	wrdreg $0xFFFFFFFF;
	(pc) =	sbr.abs _section_cstart, $3  }
0xc0: {  	[dreg:$0x1] =	wrdreg $0xFFFFFFFF  }
0xc1: {  	_ =	task.clear_ibuf [dreg:s7], $0x2FFFF;
	_ =	strace $0x9FFFFFFF  }
0xc2: {  	(tm) =	ssettm $0x7FFFFFFF  }
0xc3: {  	_ =	shalt  }
tec
execute0_lowered:
.L_overlay_start_1:
0x0: {  	(tag) =	ssettag $0x1  }
0x1: {  	s0 =	rddreg [dreg:$0x0]  }
0x2: {  	s1 =	rddreg [dreg:$0x1]  }
0x3: {  	s2 =	simm.s32 $0x0;
	s4 =	srdreg.scid;
	s9 =	stileid.u32  }
0x4: {  	s15 =	simm.s32 $0x2;
	s18 =	simm.s32 $0xFA00;
	s19 =	simm.s32 $0xFA90  }
0x5: {  	s20 =	simm.s32 $0x80;
	s21 =	simm.s32 $0xFB10;
	s22 =	simm.s32 $0x1  }
0x6: {  	s23 =	simm.s32 $0x0;
	s26 =	simm.s32 $0x0;
	s3 =	sadd.s32 $0x111800, s0  }
0x7: {  	[smem:$0x7FF] =	sst s2;
	s5 =	sadd.s32 $0x4E2200, s0;
	s6 =	sadd.s32 $0x1000, s0  }
0x8: {  	s7 =	sadd.s32 $0x29000, s0;
	s4 =	sand.u32 $0x1, s4;
	s8 =	sadd.s32 $0x51000, s0  }
.Ltmp0:
0x9: {  	s9 =	sshll.u32 s9, $0x1;
	s10 =	sadd.s32 $0x51200, s0;
	(pc) =	sbr.rel .LBB2_1-.Ltmp0, $4  }
0xa: {  	s0 =	sadd.s32 $0x51400, s0;
	_ =	strace $0x80000050;
	s30 =	ssub.s32 $0x2, s4  }
0xb: {  	[dreg:$0x4] =	wrdreg s10;
	s10 =	sor.u32 s9, s4;
	s12 =	sshrl.u32 s30, $0x1  }
0xc: {  	[dreg:$0x3] =	wrdreg s8;
	s4 =	ssub.s32 $0x1F3, s10;
	s31 =	ssub.s32 s30, s12  }
0xd: {  	[dreg:$0x5] =	wrdreg s0;
	s12 =	sshrl.u32 s4, $0x5;
	s13 =	smax.u32 s31, $0x1  }
.LBB2_8:
0xe: {  	s23 =	sadd.s32 $0x1, s23  }
0xf: {  	p0 =	sne.s32 s23, s13  }
.Ltmp1:
0x10: {  	_ = 	snop;
	(pc) =	sbr.rel @!p0 .LBB2_9-.Ltmp1, $1  }
0x11: {  	_ =	sdelay $0x3  }
.LBB2_1:
0x12: {  	s0 =	rddreg [dreg:$0x3];
	s4 =	simm.s32 $0x10B10  }
0x13: {  	[tilespmem:s4], [sflag:$0x2] =	stream.linear.gather [hbm4b:s0+s2], $0x200, $0x38;
	[tilespmem:$0x11140] =	vst v63  }
0x14: {  	_ =	swait.ge [sflag:s15], $0x200  }
0x15: {  	[sflag:s15] =	ssyncset.done $0x0  }
0x16: {  	s29 =	simm.s32 $0x10D20;
	s28 =	rddreg [dreg:$0x4];
	[sflag:s15] =	ssyncadd.s32 $0xFFFFFE00  }
0x17: {  	[tilespmem:s29], [sflag:$0x2] =	stream.linear.gather [hbm4b:s28+s2], $0x200, $0x38;
	[tilespmem:$0x11140] =	vst v63  }
0x18: {  	_ =	swait.ge [sflag:s15], $0x200  }
0x19: {  	s31 =	simm.s32 $0x10F30;
	[sflag:s15] =	ssyncset.done $0x0  }
.Ltmp2:
0x1a: {  	s30 =	rddreg [dreg:$0x5];
	[sflag:s15] =	ssyncadd.s32 $0xFFFFFE00;
	(pc) =	sbr.rel .LBB2_2-.Ltmp2, $4  }
0x1b: {  	[tilespmem:s31], [sflag:$0x2] =	stream.linear.gather [hbm4b:s30+s2], $0x200, $0x38;
	[tilespmem:$0x11140] =	vst v63  }
0x1c: {  	_ =	swait.ge [sflag:s15], $0x200  }
0x1d: {  	[sflag:s15] =	ssyncset.done $0x0  }
0x1e: {  	s24 =	simm.s32 $0x0;
	[sflag:s15] =	ssyncadd.s32 $0xFFFFFE00  }
.LBB2_7:
0x1f: {  	p0 =	sne.s32 s24, s12  }
.Ltmp3:
0x20: {  	s0 =	sadd.s32 s1, s25;
	(pc) =	sbr.rel @!p0 .LBB2_8-.Ltmp3, $4  }
0x21: {  	[hbm4b:s0+s2] =	stream.linear.scatter [tilespmem:s2], [sflag:$0x2], $0xFA00, $0x38;
	[tilespmem:$0x11140] =	vst v63  }
0x22: {  	_ =	swait.ge [sflag:s15], $0xFA00  }
0x23: {  	s31 =	sadd.s32 $0x1, s24;
	[sflag:s15] =	ssyncset.done $0x0  }
0x24: {  	s24 =	smov.u32 s31;
	[sflag:s15] =	ssyncadd.s32 $0xFFFF0600  }
.LBB2_2:
0x25: {  	s0 =	sshll.u32 s24, $0x5  }
0x26: {  	s0 =	sor.u32 s10, s0  }
0x27: {  	s4 =	smul.u32 $0xFA00, s0;
	_ =	sdelay $0x1  }
0x28: {  	s25 =	sshrl.u32 s4, $0x3  }
0x29: {  	s4 =	sadd.s32 s3, s25  }
0x2a: {  	[tilespmem:s26], [sflag:$0x2] =	stream.linear.gather [hbm4b:s4+s26], $0xFA00, $0x38;
	[tilespmem:$0x11140] =	vst v63  }
0x2b: {  	_ =	swait.ge [sflag:s15], $0xFA00  }
0x2c: {  	[sflag:s15] =	ssyncset.done $0x0  }
0x2d: {  	[sflag:s15] =	ssyncadd.s32 $0xFFFF0600  }
0x2e: {  	v0 =	vld [tilespmem:s0+$0x10B10]  }
0x2f: {  	v1 =	vld [tilespmem:s0+$0x10B11]  }
0x30: {  	v2 =	vld [tilespmem:s0+$0x10D20]  }
0x31: {  	v3 =	vld [tilespmem:s0+$0x10F30];
	_ =	sdelay $0x1  }
0x32: {  	(v2sf) =	vpush v0, $0x0  }
0x33: {  	(v2sf) =	vpush v1, $0x0  }
0x34: {  	(v2sf) =	vpush v2, $0x0  }
0x35: {  	(v2sf) =	vpush v3, $0x0;
	_ =	sdelay $0xb  }
0x36: {  	s28 =	spop (v2sf)  }
0x37: {  	s29 =	spop (v2sf)  }
0x38: {  	s8 =	spop (v2sf)  }
0x39: {  	s31 =	spop (v2sf)  }
0x3a: {  	p0 =	slt.s32 s31, $0x1  }
.Ltmp4:
0x3b: {  	_ = 	snop;
	(pc) =	sbr.rel @p0 .LBB2_7-.Ltmp4, $1  }
0x3c: {  	_ =	sdelay $0x3  }
0x3d: {  	s0 =	smul.u32 $0xFFFFF830, s0;
	s4 =	smov.u32 s8;
	s14 =	simm.s32 $0x0  }
.LBB2_4:
0x3e: {  	s9 =	sshll.u32 s14, $0x7  }
0x3f: {  	s9 =	sadd.s32 s8, s9  }
0x40: {  	s9 =	sshrl.u32 s9, $0x3  }
0x41: {  	s16 =	sadd.s32 s6, s9  }
0x42: {  	[tilespmem:s18], [sflag:$0x2] =	stream.linear.gather [hbm4b:s16+s26], $0x80, $0x38;
	[tilespmem:$0x11140] =	vst v63  }
0x43: {  	_ =	swait.ge [sflag:s15], $0x80  }
0x44: {  	[sflag:s15] =	ssyncset.done $0x0  }
0x45: {  	s9 =	sadd.s32 s7, s9;
	[sflag:s15] =	ssyncadd.s32 $0xFFFFFF80  }
0x46: {  	[tilespmem:s19], [sflag:$0x2] =	stream.linear.gather [hbm4b:s9+s26], $0x80, $0x38;
	[tilespmem:$0x11140] =	vst v63  }
0x47: {  	_ =	swait.ge [sflag:s15], $0x80  }
0x48: {  	[sflag:s15] =	ssyncset.done $0x0  }
0x49: {  	[sflag:s15] =	ssyncadd.s32 $0xFFFFFF80  }
0x4a: {  	[tilespmem:s21], [sflag:$0x1] =	stream.indirect.gather [hbm4b:s5+s20], $0x20, s19, s20, $0xb8;
	[tilespmem:$0x11140] =	vst v63  }
0x4b: {  	_ =	swait.ge [sflag:s22], $0x1000  }
0x4c: {  	[sflag:s22] =	ssyncset.done $0x0  }
0x4d: {  	s16 =	simm.s32 $0x0;
	[sflag:s22] =	ssyncadd.s32 $0xFFFFF000  }
0x4e: {  	v0 =	vld [tilespmem:s16+$0xFA00];
	_ =	sdelay $0x4  }
0x4f: {  	(v2sf) =	vpush v0, $0x0;
	_ =	sdelay $0xe  }
0x50: {  	s17 =	spop (v2sf)  }
0x51: {  	s9 =	sadd.s32 s0, s17  }
0x52: {  	p0 =	sgt.s32 s9, $0x0  }
0x53: {  	s16 =	simm.s32 $0xFB20;
	s9 =	simm.s32 @!p0 $0x0  }
0x54: {  	v1 =	vld [tilespmem:s16+$0xFFFFFFF0];
	s9 =	smin.u32 s9, $0x7CF  }
0x55: {  	v0 =	vld [tilespmem:s16+$0x0];
	s9 =	sshll.u32 s9, $0x5  }
0x56: {  	v2 =	vld [tilespmem:s9+$0x0]  }
0x57: {  	p6 =	sge.s32 s4, s28;
	p1 =	slt.s32 s4, s29;
	v3 =	vld [tilespmem:s9+$0x10]  }
0x58: {  	p0 =	por !p6, !p1  }
0x59: {  	p0 =	por !p0, !p0  }
0x5a: {  	v1 =	vpsel !p0, $0x0, v1  }
0x5b: {  	v0 =	vpsel !p0, $0x0, v0;
	v1 =	vadd.f32 v2, v1  }
0x5c: {  	s30 =	smov.u32 s4;
	s17 =	simm.s32 $0x4;
	v0 =	vadd.f32 v3, v0  }
.LBB2_5:
0x5d: {  	p0 =	sne.s32 s17, $0x1FC;
	[tilespmem:s9+$0x0] =	vst v1;
	s30 =	sadd.s32 $0x1, s30;
	s16 =	sadd.s32 $0x20, s16  }
0x5e: {  	s11 =	sshra.s32 s17, $0x2;
	s17 =	sadd.s32 $0x4, s17;
	[tilespmem:s9+$0x10] =	vst v0  }
0x5f: {  	v0 =	vld [tilespmem:s11+$0xFA00];
	_ =	sdelay $0x4  }
0x60: {  	(v2sf) =	vpush v0, $0x0;
	_ =	sdelay $0xe  }
0x61: {  	s9 =	spop (v2sf)  }
0x62: {  	s9 =	sadd.s32 s0, s9  }
0x63: {  	p1 =	sgt.s32 s9, $0x0  }
0x64: {  	s9 =	simm.s32 @!p1 $0x0  }
0x65: {  	s9 =	smin.u32 s9, $0x7CF;
	v0 =	vld [tilespmem:s16+$0x0]  }
0x66: {  	v1 =	vld [tilespmem:s16+$0xFFFFFFF0];
	s9 =	sshll.u32 s9, $0x5  }
0x67: {  	v2 =	vld [tilespmem:s9+$0x0]  }
0x68: {  	p2 =	slt.s32 s30, s29;
	p1 =	sge.s32 s30, s28;
	v3 =	vld [tilespmem:s9+$0x10]  }
.Ltmp5:
0x69: {  	p1 =	por !p1, !p2;
	(pc) =	sbr.rel @p0 .LBB2_5-.Ltmp5, $4  }
0x6a: {  	p1 =	por !p1, !p1  }
0x6b: {  	v0 =	vpsel !p1, $0x0, v0;
	v1 =	vpsel !p1, $0x0, v1  }
0x6c: {  	v1 =	vadd.f32 v2, v1  }
0x6d: {  	v0 =	vadd.f32 v3, v0  }
0x6e: {  	s14 =	sadd.s32 $0x1, s14  }
0x6f: {  	p0 =	sne.s32 s14, s31  }
.Ltmp6:
0x70: {  	_ = 	snop;
	(pc) =	sbr.rel @p0 .LBB2_4-.Ltmp6, $4  }
.Ltmp7:
0x71: {  	_ = 	snop;
	(pc) =	sbr.rel @!p0 .LBB2_7-.Ltmp7, $4  }
0x72: {  	_ = 	snop  }
0x73: {  	[tilespmem:s9+$0x0] =	vst v1  }
0x74: {  	s4 =	sadd.s32 $0x80, s4;
	[tilespmem:s9+$0x10] =	vst v0  }
0x75: {  	_ = 	snop  }
.LBB2_9:
0x76: {  	_ =	sfence.sel $0x180000  }
0x77: {  	[bflag:$0x0] =	sbarrier.arrive $0xFFFF  }
0x78: {  	_ =	strace $0x90000050  }
0x79: {  	s0 =	stileid.u32;
	[bflag:$0x2] =	sbarrier.arrive $0xFFFF  }
0x7a: {  	p0 =	sne.s32 s0, $0x0;
	s0 =	rddreg [dreg:$0x2]  }
0x7b: {  	s0 =	sadd.s32 @!p0 $0x100000, s0  }
0x7c: {  	[sflag:s0] =	ssyncadd.tile.s32 @!p0 $0x1;
	_ =	shalt  }
.Lfunc_end2:
_tile_overlayer_lowered:
.L_overlay_start_2:
0x7d: {  	(tag) =	ssettag $0x2  }
0x7e: {  	s0 =	rddreg [dreg:$0x0];
	s2 =	stileid.u32  }
0x7f: {  	s1 =	rddreg [dreg:$0x1];
	p0 =	sne.s32 s2, $0x0  }
0x80: {  	s3 =	rddreg [dreg:$0x2];
	[bflag:$0x3] =	sbarrier.arrive $0xFFFF;
	s2 =	simm.s32 @!p0 $0x1C02  }
0x81: {  	[timem:s3], [sflag:s2] =	dma.local @!p0 [hbm:s0], s1  }
0x82: {  	s0 =	simm.s32 @!p0 $0x2  }
0x83: {  	_ =	swait.ge @!p0 [sflag:s0], s1  }
0x84: {  	s1 =	ssub.s32 @!p0 $0x0, s1;
	[sflag:s0] =	ssyncset.done @!p0 $0x0  }
0x85: {  	[sflag:s0] =	ssyncadd.s32 @!p0 s1  }
0x86: {  	[bflag:$0x3] =	sbarrier.arrive $0xFFFF  }
0x87: {  	_ =	shalt  }

// kernel: kernel.6.cloned.1.call-start
scs
__scs_entry_jumppad:
0x0: {  	(pc) =	sbr.rel $0x88, $3  }
0x1: {  	(tag) =	ssettag $0x0;
	lr =	simm.s32 $0x1  }
0x2: {  	[smem:$0x3F9C] =	sst lr;
	_ =	strace $0xD0000000  }
0x3: {  	_ = 	snop  }
0x4: {  	_ = 	snop  }
0x5: {  	_ = 	snop  }
0x6: {  	_ = 	snop  }
0x7: {  	_ = 	snop  }
__scs_overlays_trampoline_lowered:
0x8: {  	[smem:$0x3FAB] =	sst s0  }
0x9: {  	[smem:$0x3FAC] =	sst s1  }
0xa: {  	[smem:$0x3FAD] =	sst s2  }
0xb: {  	[smem:$0x3FAE] =	sst s3  }
0xc: {  	[smem:$0x3FAF] =	sst s4  }
0xd: {  	[smem:$0x3FB0] =	sst s5  }
0xe: {  	[smem:$0x3FB1] =	sst s6  }
0xf: {  	[smem:$0x3FB2] =	sst s7  }
0x10: {  	[smem:$0x3FB3] =	sst s8  }
0x11: {  	[smem:$0x3FB4] =	sst s9;
	s0 =	simm.s32 @!p0 $0x0  }
0x12: {  	s1 =	sld [smem:$0x3F9A];
	s0 =	simm.s32 @p0 $0x1  }
0x13: {  	[smem:$0x3FB5] =	sst s0;
	s0 =	simm.s32 @!p1 $0x0  }
0x14: {  	s2 =	sld [smem:$0x3F99];
	s0 =	simm.s32 @p1 $0x1  }
0x15: {  	[smem:$0x3FB6] =	sst s0;
	s0 =	simm.s32 @!p2 $0x0  }
0x16: {  	s3 =	sld [smem:$0x3FDB];
	s0 =	simm.s32 @p2 $0x1  }
0x17: {  	s4 =	simm.s32 $0x1BF5;
	[smem:$0x3FB8] =	sst s0  }
0x18: {  	s0 =	sld [smem:$0x3F9B];
	_ =	swait.ge [sflag:s4], $0x0  }
0x19: {  	s7 =	sld [smem:$0x3F9C]  }
0x1a: {  	s8 =	sadd.s32 $0xFFFFE003, lr  }
0x1b: {  	s9 =	sadd.s32 $0xFFFFFEF7, lr;
	s5 =	simm.s32 $0xFFFFFFFF;
	p2 =	slt.u32 s8, $0xFFFFF086  }
0x1c: {  	p1 =	slt.u32 s9, $0xF7A;
	s5 =	simm.s32 @!p2 $0x0  }
0x1d: {  	s5 =	simm.s32 @p1 $0x1;
	p0 =	seq.s32 s7, s2  }
0x1e: {  	s7 =	smul.u32 @!p0 $0xF7A, s2;
	p2 =	seq.s32 @!p0 s5, $0x0  }
0x1f: {  	s9 =	smul.u32 $0xF7A, s1;
	s8 =	simm.s32 @!p0 $0x1BF5;
	p2 =	por !p2, p0  }
0x20: {  	[sflag:s8] =	ssyncset.s32 @!p0 $0xFFFFF086;
	s6 =	sadd.s32 @!p0 s3, s7;
	s7 =	simm.s32 @!p0 $0x108  }
0x21: {  	s3 =	sadd.s32 s3, s9;
	s6 =	sadd.s32 @!p0 $0x88, s6;
	s7 =	simm.s32 @p2 $0x1082  }
0x22: {  	[simem:s7], [sflag:s8] =	dma.local @!p0 [hbm:s6], $0xF7A  }
0x23: {  	s9 =	sor.u32 $0xD0000000, s2;
	s6 =	simm.s32 $0x108;
	_ =	swait.ge @!p0 [sflag:s8], $0x0  }
0x24: {  	s3 =	sadd.s32 $0x88, s3;
	s6 =	simm.s32 @!p1 $0x1082;
	[sflag:s4] =	ssyncset.s32 $0xFFFFF086  }
0x25: {  	[simem:s6], [sflag:s4] =	dma.local [hbm:s3], $0xF7A  }
0x26: {  	[smem:$0x3F9C] =	sst s1;
	(tag) =	ssettag s2;
	_ =	strace s9  }
0x27: {  	s1 =	sld [smem:$0x3FAC]  }
0x28: {  	s2 =	sld [smem:$0x3FAD]  }
0x29: {  	s4 =	sld [smem:$0x3FAF]  }
0x2a: {  	p0 =	seq.s32 s5, $0x0;
	s5 =	sld [smem:$0x3FB0]  }
0x2b: {  	s6 =	sld [smem:$0x3FB1]  }
0x2c: {  	s7 =	sld [smem:$0x3FB2]  }
0x2d: {  	s3 =	simm.s32 $0x108;
	s8 =	sld [smem:$0x3FB3]  }
0x2e: {  	s3 =	simm.s32 @!p0 $0x1082;
	s9 =	sld [smem:$0x3FB4]  }
0x2f: {  	lr =	sadd.s32 s0, s3;
	s0 =	sld [smem:$0x3FAB]  }
0x30: {  	s3 =	sld [smem:$0x3FAE]  }
0x31: {  	[smem:$0x3FB7] =	sst s10  }
0x32: {  	s10 =	sld [smem:$0x3FB5];
	_ =	sdelay $0x3  }
0x33: {  	p0 =	seq.s32 s10, $0x1;
	s10 =	sld [smem:$0x3FB7];
	_ =	sdelay $0x3  }
0x34: {  	[smem:$0x3FB7] =	sst s10  }
0x35: {  	s10 =	sld [smem:$0x3FB6];
	_ =	sdelay $0x3  }
0x36: {  	p1 =	seq.s32 s10, $0x1;
	s10 =	sld [smem:$0x3FB7];
	_ =	sdelay $0x3  }
0x37: {  	[smem:$0x3FB7] =	sst s10  }
0x38: {  	s10 =	sld [smem:$0x3FB8]  }
0x39: {  	_ = 	snop;
	(pc) =	sbr.ind lr, $3  }
0x3a: {  	_ = 	snop  }
0x3b: {  	_ = 	snop  }
0x3c: {  	p2 =	seq.s32 s10, $0x1;
	s10 =	sld [smem:$0x3FB7]  }
0x3d: {  	_ =	shalt  }
0x3e: {  	_ =	shalt  }
0x3f: {  	_ =	shalt  }
0x40: {  	_ =	shalt  }
0x41: {  	_ =	shalt  }
0x42: {  	_ =	shalt  }
0x43: {  	_ =	shalt  }
0x44: {  	_ =	shalt  }
0x45: {  	_ =	shalt  }
0x46: {  	_ =	shalt  }
0x47: {  	_ =	shalt  }
0x48: {  	_ =	shalt  }
0x49: {  	_ =	shalt  }
0x4a: {  	_ =	shalt  }
0x4b: {  	_ =	shalt  }
0x4c: {  	_ =	shalt  }
0x4d: {  	_ =	shalt  }
0x4e: {  	_ =	shalt  }
0x4f: {  	_ =	shalt  }
0x50: {  	_ =	shalt  }
0x51: {  	_ =	shalt  }
0x52: {  	_ =	shalt  }
0x53: {  	_ =	shalt  }
0x54: {  	_ =	shalt  }
0x55: {  	_ =	shalt  }
0x56: {  	_ =	shalt  }
0x57: {  	_ =	shalt  }
0x58: {  	_ =	shalt  }
0x59: {  	_ =	shalt  }
0x5a: {  	_ =	shalt  }
0x5b: {  	_ =	shalt  }
0x5c: {  	_ =	shalt  }
0x5d: {  	_ =	shalt  }
0x5e: {  	_ =	shalt  }
0x5f: {  	_ =	shalt  }
0x60: {  	_ =	shalt  }
0x61: {  	_ =	shalt  }
0x62: {  	_ =	shalt  }
0x63: {  	_ =	shalt  }
0x64: {  	_ =	shalt  }
0x65: {  	_ =	shalt  }
0x66: {  	_ =	shalt  }
0x67: {  	_ =	shalt  }
0x68: {  	_ =	shalt  }
0x69: {  	_ =	shalt  }
0x6a: {  	_ =	shalt  }
0x6b: {  	_ =	shalt  }
0x6c: {  	_ =	shalt  }
0x6d: {  	_ =	shalt  }
0x6e: {  	_ =	shalt  }
0x6f: {  	_ =	shalt  }
0x70: {  	_ =	shalt  }
0x71: {  	_ =	shalt  }
0x72: {  	_ =	shalt  }
0x73: {  	_ =	shalt  }
0x74: {  	_ =	shalt  }
0x75: {  	_ =	shalt  }
0x76: {  	_ =	shalt  }
0x77: {  	_ =	shalt  }
0x78: {  	_ =	shalt  }
0x79: {  	_ =	shalt  }
0x7a: {  	_ =	shalt  }
0x7b: {  	_ =	shalt  }
0x7c: {  	_ =	shalt  }
0x7d: {  	_ =	shalt  }
0x7e: {  	_ =	shalt  }
0x7f: {  	_ =	shalt  }
0x80: {  	_ =	shalt  }
0x81: {  	_ =	shalt  }
0x82: {  	_ =	shalt  }
0x83: {  	_ =	shalt  }
0x84: {  	_ =	shalt  }
0x85: {  	_ =	shalt  }
0x86: {  	_ =	shalt  }
0x87: {  	_ =	shalt  }
.Lfunc_end0:
.L_simem_size_0:
called_computation.1_lowered:
.L_overlay_start_0:
0x88: {  	s2 =	sld [smem:$0x3FD9]  }
0x89: {  	s3 =	sld [smem:$0x3FFE];
	_ =	sdelay $0x1  }
0x8a: {  	s1 =	srdreg.scid  }
0x8b: {  	s0 =	sand.u32 $0x1, s1  }
0x8c: {  	s17 =	sshll.u32 s0, $0xA;
	s2 =	sadd.s32 s3, s2  }
0x8d: {  	s2 =	sadd.s32 s2, s17  }
0x8e: {  	[smem:$0x3FC3] =	sst s2  }
0x8f: {  	_ = 	snop  }
0x90: {  	s2 =	sld [smem:$0x3FC8]  }
0x91: {  	s18 =	sld [smem:$0x3FC7]  }
0x92: {  	s4 =	sld [smem:$0x3FD0];
	(tm) =	ssettm $0x1  }
0x93: {  	s5 =	sld [smem:$0x3FFB];
	_ =	sdelay $0x3  }
0x94: {  	_ =	strace s5  }
0x95: {  	s5 =	sld [smem:$0x3FFC];
	_ =	sdelay $0x3  }
0x96: {  	_ =	strace s5  }
0x97: {  	s5 =	sld [smem:$0x3FFD];
	_ =	sdelay $0x3  }
0x98: {  	_ =	strace s5  }
0x99: {  	_ =	strace $0x8FFFFFFF  }
0x9a: {  	s19 =	sld [smem:$0x3FDB];
	_ =	sdelay $0x1  }
0x9b: {  	s6 =	simm.s32 $_scs_section_size  }
0x9c: {  	s7 =	simm.s32 $_size__tile_overlayer_lowered;
	s8 =	simm.s32 $_tile_overlayer_lowered  }
0x9d: {  	s22 =	simm.s32 $0x1BFF;
	s21 =	sshll.u32 s8, $0x1;
	s5 =	sadd.s32 s6, s19  }
0x9e: {  	s9 =	simm.s32 $0x0;
	s20 =	sshll.u32 s7, $0x1;
	s7 =	sadd.s32 s21, s5  }
0x9f: {  	[timem:s9], [sflag:s22] =	dma.local [hbm:s7], s20  }
0xa0: {  	_ =	swait.ge [sflag:s22], s20  }
0xa1: {  	s6 =	ssub.s32 $0x0, s20;
	[sflag:s22] =	ssyncset.done $0x0  }
0xa2: {  	[sflag:s22] =	ssyncadd.s32 s6;
	_ =	sdelay $0x1  }
0xa3: {  	s23 =	simm.s32 $0x1B8B  }
0xa4: {  	_ =	swait.ge [sflag:s23], $0x1  }
0xa5: {  	[sflag:s23] =	ssyncset.done $0x0  }
0xa6: {  	s25 =	simm.s32 $0x1B8E;
	s24 =	sld [smem:$0x3FFE];
	[sflag:s23] =	ssyncadd.s32 $0xFFFFFFFF  }
0xa7: {  	s26 =	simm.s32 $execute0_lowered;
	[smem:$0x3FD2] =	sst s25  }
0xa8: {  	s7 =	sshll.u32 s26, $0x1;
	_ =	strace $0x80000046;
	[dreg:$0x1] =	wrdreg $0xFFFFFFFF  }
0xa9: {  	s28 =	simm.s32 $_size_execute0_lowered;
	s5 =	sadd.s32 s5, s7;
	[dreg:$0x0] =	wrdreg $0x0  }
0xaa: {  	s7 =	sshll.u32 s28, $0x1;
	[dreg:$0x2] =	wrdreg s5  }
0xab: {  	[dreg:$0x3] =	wrdreg s7  }
0xac: {  	[dreg:$0x4] =	wrdreg $0xC0  }
0xad: {  	_ =	task [dreg:s9], $0x5FFFF  }
0xae: {  	[dreg:$0x1] =	wrdreg $0xFFFFFFFF  }
0xaf: {  	[dreg:$0x0] =	wrdreg $0x60  }
0xb0: {  	[dreg:$0x2] =	wrdreg s4  }
0xb1: {  	[dreg:$0x3] =	wrdreg s2  }
0xb2: {  	[dreg:$0x4] =	wrdreg s18  }
0xb3: {  	[dreg:$0x5] =	wrdreg s24  }
0xb4: {  	[dreg:$0x6] =	wrdreg $0x9  }
0xb5: {  	_ =	task.clear_ibuf [dreg:s9], $0x7FFFF;
	_ =	strace $0x90000046  }
0xb6: {  	s29 =	simm.s32 $0x9;
	_ =	strace $0x80000048  }
0xb7: {  	_ =	swait.ge [sflag:s29], $0x1  }
0xb8: {  	[sflag:s29] =	ssyncadd.s32 $0xFFFFFFFF  }
0xb9: {  	_ =	strace $0x90000048  }
0xba: {  	_ =	sfence  }
0xbb: {  	s30 =	sld [smem:$0x0];
	_ =	sdelay $0x2  }
0xbc: {  	s31 =	sshll.u32 s1, $0xD;
	s1 =	sshrl.u32 s1, $0x2  }
0xbd: {  	s3 =	sand.u32 $0x4000, s31;
	s1 =	sadd.s32 s1, s30  }
0xbe: {  	s0 =	sor.u32 s3, s0;
	s1 =	sshll.u32 s1, $0x11  }
0xbf: {  	s0 =	sor.u32 s1, s0  }
0xc0: {  	s0 =	sadd.s32 $0x8F2B, s0  }
0xc1: {  	[sflag:s0] =	ssyncadd.remote.s32 $0x1  }
0xc2: {  	_ =	sfence.sel $0xFFFF  }
0xc3: {  	[dreg:$0x0] =	wrdreg $0xFFFFFFFF;
	(pc) =	sbr.abs _section_cstart, $3  }
0xc4: {  	[dreg:$0x1] =	wrdreg $0xFFFFFFFF  }
0xc5: {  	_ =	task.clear_ibuf [dreg:s9], $0x2FFFF;
	_ =	strace $0x9FFFFFFF  }
0xc6: {  	(tm) =	ssettm $0x7FFFFFFF  }
0xc7: {  	_ =	shalt  }
tec
execute0_lowered:
.L_overlay_start_1:
0x0: {  	(tag) =	ssettag $0x1  }
0x1: {  	s1 =	rddreg [dreg:$0x0]  }
0x2: {  	s2 =	rddreg [dreg:$0x1]  }
0x3: {  	s3 =	rddreg [dreg:$0x2]  }
0x4: {  	s9 =	rddreg [dreg:$0x3]  }
0x5: {  	s0 =	rddreg [dreg:$0x4];
	s4 =	simm.s32 $0x0  }
0x6: {  	s5 =	srdreg.scid;
	s12 =	simm.s32 $0x2;
	s13 =	simm.s32 $0x80  }
0x7: {  	s14 =	simm.s32 $0x100;
	s15 =	simm.s32 $0x1;
	s16 =	simm.s32 $0x1100  }
0x8: {  	s17 =	simm.s32 $0x2100;
	s18 =	simm.s32 $0x3100;
	s19 =	simm.s32 $0x0  }
0x9: {  	[smem:$0x7FF] =	sst s4;
	s8 =	sand.u32 $0x1, s5;
	s6 =	sadd.s32 $0xE00, s9  }
0xa: {  	s7 =	sadd.s32 $0x1000, s9;
	s5 =	stileid.u32;
	s10 =	ssub.s32 $0x2, s8  }
0xb: {  	s9 =	sadd.s32 $0x81000, s9;
	_ =	strace $0x80000047;
	s11 =	sshrl.u32 s10, $0x1  }
0xc: {  	s31 =	sshll.u32 s5, $0xD;
	s8 =	sshll.u32 s8, $0xC;
	s10 =	ssub.s32 s10, s11  }
0xd: {  	s8 =	sor.u32 s8, s31;
	s11 =	simm.s32 $0x4100;
	s10 =	smax.u32 s10, $0x1  }
.LBB2_1:
0xe: {  	[tilespmem:s11], [sflag:$0x2] =	stream.linear.gather [hbm4b:s6+s4], $0x4D0, $0x38;
	[tilespmem:$0x45D0] =	vst v63  }
0xf: {  	_ =	swait.ge [sflag:s12], $0x4D0  }
0x10: {  	[sflag:s12] =	ssyncset.done $0x0  }
0x11: {  	s20 =	simm.s32 $0x0;
	[sflag:s12] =	ssyncadd.s32 $0xFFFFFB30  }
.LBB2_2:
0x12: {  	s21 =	sshll.u32 s20, $0x7  }
0x13: {  	s21 =	sadd.s32 s8, s21  }
0x14: {  	s22 =	sshrl.u32 s21, $0x3  }
0x15: {  	s24 =	simm.s32 $0x0;
	s23 =	sadd.s32 s2, s22  }
0x16: {  	[tilespmem:s24], [sflag:$0x2] =	stream.linear.gather [hbm4b:s23+s24], $0x80, $0x38;
	[tilespmem:$0x45D0] =	vst v63  }
0x17: {  	_ =	swait.ge [sflag:s12], $0x80  }
0x18: {  	[sflag:s12] =	ssyncset.done $0x0  }
0x19: {  	s22 =	sadd.s32 s3, s22;
	[sflag:s12] =	ssyncadd.s32 $0xFFFFFF80  }
0x1a: {  	[tilespmem:s13], [sflag:$0x2] =	stream.linear.gather [hbm4b:s22+s24], $0x80, $0x38;
	[tilespmem:$0x45D0] =	vst v63  }
0x1b: {  	_ =	swait.ge [sflag:s12], $0x80  }
0x1c: {  	[sflag:s12] =	ssyncset.done $0x0  }
0x1d: {  	[sflag:s12] =	ssyncadd.s32 $0xFFFFFF80  }
0x1e: {  	[tilespmem:s14], [sflag:$0x1] =	stream.indirect.gather [hbm4b:s1+s13], $0x20, s24, s13, $0xb8;
	[tilespmem:$0x45D0] =	vst v63  }
0x1f: {  	_ =	swait.ge [sflag:s15], $0x1000  }
0x20: {  	[sflag:s15] =	ssyncset.done $0x0  }
0x21: {  	[sflag:s15] =	ssyncadd.s32 $0xFFFFF000  }
0x22: {  	[tilespmem:s16], [sflag:$0x1] =	stream.indirect.gather [hbm4b:s1+s13], $0x20, s13, s13, $0xb8;
	[tilespmem:$0x45D0] =	vst v63  }
0x23: {  	_ =	swait.ge [sflag:s15], $0x1000  }
0x24: {  	[sflag:s15] =	ssyncset.done $0x0  }
0x25: {  	s23 =	simm.s32 $0x0;
	[sflag:s15] =	ssyncadd.s32 $0xFFFFF000  }
0x26: {  	v4 =	vld [tilespmem:s23+$0x100]  }
0x27: {  	v5 =	vld [tilespmem:s23+$0x110]  }
0x28: {  	v7 =	vld [tilespmem:s23+$0x1100]  }
0x29: {  	v6 =	vld [tilespmem:s23+$0x1110];
	_ =	sdelay $0x4  }
0x2a: {  	v0 =	vmul.f32 v7, v4;
	v1 =	vmul.f32 v6, v5;
	_ =	sdelay $0x1  }
0x2b: {  	v0 =	vadd.f32 v1, v0;
	_ =	sdelay $0x1  }
0x2c: {  	(xrf2) =	vadd.scan.msk.f32 $0xffff, v0;
	_ =	sdelay $0x9  }
0x2d: {  	v0, _, _ =	vpop (xrf2)  }
0x2e: {  	(v2sf) =	vpush v0, $0xF;
	_ =	sdelay $0x6  }
0x2f: {  	s22 =	simm.s32 $0x20  }
0x30: {  	v3 =	vld [tilespmem:s22+$0x1100]  }
0x31: {  	v2 =	vld [tilespmem:s22+$0x1110]  }
0x32: {  	v1 =	vld [tilespmem:s22+$0x110]  }
0x33: {  	v0 =	vld [tilespmem:s22+$0x100];
	_ =	sdelay $0x3  }
0x34: {  	s31 =	spop (v2sf)  }
0x35: {  	v9 =	vmul.f32 v2, v1;
	v8 =	vmul.f32 v3, v0;
	s24 =	sadd.f32 $-1.381551070e+01, s31;
	_ =	sdelay $0x1  }
0x36: {  	v8 =	vadd.f32 v9, v8;
	s24 =	smax.f32 s24, $-6.000000000e+00  }
0x37: {  	s24 =	smin.f32 s24, $6.000000000e+00  }
0x38: {  	(xrf2) =	vadd.scan.msk.f32 $0xffff, v8;
	s24 =	sadd.f32 $6.010000230e+00, s24;
	_ =	sdelay $0x1  }
0x39: {  	s24 =	smul.f32 $1.000000000e+02, s24;
	_ =	sdelay $0x1  }
0x3a: {  	s24 =	scvt.f32.s32 s24;
	_ =	sdelay $0x1  }
0x3b: {  	p0 =	sgt.s32 s24, $0x0  }
0x3c: {  	s24 =	simm.s32 @!p0 $0x0  }
0x3d: {  	s24 =	smin.u32 s24, $0x4B1  }
0x3e: {  	v10 =	vld [tilespmem:s24+$0x4100]  }
0x3f: {  	v8, _, _ =	vpop (xrf2)  }
0x40: {  	(v2sf) =	vpush v8, $0xF;
	_ =	sdelay $0x2  }
0x41: {  	(v2sf) =	vpush v10, $0x0;
	_ =	sdelay $0x3  }
0x42: {  	s24 =	simm.s32 $0x40  }
0x43: {  	v9 =	vld [tilespmem:s24+$0x100]  }
0x44: {  	v8 =	vld [tilespmem:s24+$0x110]  }
0x45: {  	s25 =	simm.s32 $0x180;
	v10 =	vld [tilespmem:s24+$0x1100]  }
.LBB2_3:
0x46: {  	p0 =	sne.s32 s25, $0x3F80;
	v11 =	vld [tilespmem:s24+$0x1110];
	_ =	sdelay $0x3  }
0x47: {  	s26 =	spop (v2sf)  }
0x48: {  	v12 =	vmul.f32 v10, v9;
	v13 =	vmul.f32 v11, v8;
	s26 =	sadd.f32 $-1.381551070e+01, s26;
	_ =	sdelay $0x1  }
0x49: {  	v12 =	vadd.f32 v13, v12;
	s26 =	smax.f32 s26, $-6.000000000e+00;
	s28 =	spop (v2sf)  }
0x4a: {  	s26 =	smin.f32 s26, $6.000000000e+00;
	s28 =	ssub.f32 $1.000000000e+00, s28  }
0x4b: {  	(xrf2) =	vadd.scan.msk.f32 $0xffff, v12;
	s26 =	sadd.f32 $6.010000230e+00, s26  }
0x4c: {  	s28 =	smul.f32 $2.500000040e-02, s28  }
0x4d: {  	s26 =	smul.f32 $1.000000000e+02, s26  }
0x4e: {  	v12 =	vmul.f32 s28, v7;
	v13 =	vmul.f32 s28, v6;
	v6 =	vmovc v2;
	v2 =	vmovc v11;
	v7 =	vmov v3  }
0x4f: {  	v11 =	vmul.f32 s28, v4;
	v14 =	vmul.f32 s28, v5;
	v4 =	vmovc v0;
	v0 =	vmovc v9;
	v5 =	vmov v1;
	s26 =	scvt.f32.s32 s26  }
0x50: {  	v1 =	vmov v8;
	v3 =	vmov v10;
	[tilespmem:s23+$0x2100] =	vst v12  }
0x51: {  	p1 =	sgt.s32 s26, $0x0;
	[tilespmem:s23+$0x2110] =	vst v13  }
0x52: {  	s26 =	simm.s32 @!p1 $0x0;
	[tilespmem:s23+$0x3100] =	vst v11  }
0x53: {  	s26 =	smin.u32 s26, $0x4B1;
	[tilespmem:s23+$0x3110] =	vst v14;
	s23 =	smov.u32 s22;
	s22 =	smov.u32 s24  }
0x54: {  	v8 =	vld [tilespmem:s26+$0x4100]  }
0x55: {  	v9, _, _ =	vpop (xrf2)  }
0x56: {  	(v2sf) =	vpush v9, $0xF;
	_ =	sdelay $0x2  }
0x57: {  	(v2sf) =	vpush v8, $0x0;
	_ =	sdelay $0x2  }
.Ltmp0:
0x58: {  	(pc) =	sbr.rel @p0 .LBB2_3-.Ltmp0, $4  }
0x59: {  	s24 =	sshra.s32 s25, $0x2  }
0x5a: {  	v9 =	vld [tilespmem:s24+$0x100]  }
0x5b: {  	v8 =	vld [tilespmem:s24+$0x110]  }
0x5c: {  	s25 =	sadd.s32 $0x80, s25;
	v10 =	vld [tilespmem:s24+$0x1100]  }
0x5d: {  	v11 =	vld [tilespmem:s24+$0x1110];
	_ =	sdelay $0x3  }
0x5e: {  	s25 =	spop (v2sf)  }
0x5f: {  	v12 =	vmul.f32 v10, v9;
	v13 =	vmul.f32 v11, v8;
	s25 =	sadd.f32 $-1.381551070e+01, s25;
	_ =	sdelay $0x1  }
0x60: {  	v12 =	vadd.f32 v13, v12;
	s25 =	smax.f32 s25, $-6.000000000e+00;
	s26 =	spop (v2sf)  }
0x61: {  	s25 =	smin.f32 s25, $6.000000000e+00;
	s26 =	ssub.f32 $1.000000000e+00, s26  }
0x62: {  	(xrf2) =	vadd.scan.msk.f32 $0xffff, v12;
	s25 =	sadd.f32 $6.010000230e+00, s25  }
0x63: {  	s26 =	smul.f32 $2.500000040e-02, s26  }
0x64: {  	s25 =	smul.f32 $1.000000000e+02, s25  }
0x65: {  	v7 =	vmul.f32 s26, v7  }
0x66: {  	v6 =	vmul.f32 s26, v6;
	s25 =	scvt.f32.s32 s25  }
0x67: {  	v4 =	vmul.f32 s26, v4;
	[tilespmem:s23+$0x2100] =	vst v7  }
0x68: {  	v5 =	vmul.f32 s26, v5;
	[tilespmem:s23+$0x2110] =	vst v6;
	p0 =	sgt.s32 s25, $0x0  }
0x69: {  	[tilespmem:s23+$0x3100] =	vst v4;
	s25 =	simm.s32 @!p0 $0x0  }
0x6a: {  	[tilespmem:s23+$0x3110] =	vst v5;
	s25 =	smin.u32 s25, $0x4B1  }
0x6b: {  	v4 =	vld [tilespmem:s25+$0x4100]  }
0x6c: {  	v59, _, _ =	vpop (xrf2)  }
0x6d: {  	(v2sf) =	vpush v59, $0xF;
	_ =	sdelay $0x2  }
0x6e: {  	(v2sf) =	vpush v4, $0x0;
	_ =	sdelay $0xb  }
0x6f: {  	s28 =	spop (v2sf)  }
0x70: {  	s23 =	sadd.f32 $-1.381551070e+01, s28;
	_ =	sdelay $0x1  }
0x71: {  	s23 =	smax.f32 s23, $-6.000000000e+00;
	s29 =	spop (v2sf)  }
0x72: {  	s23 =	smin.f32 s23, $6.000000000e+00;
	s25 =	ssub.f32 $1.000000000e+00, s29  }
0x73: {  	s23 =	sadd.f32 $6.010000230e+00, s23  }
0x74: {  	s25 =	smul.f32 $2.500000040e-02, s25  }
0x75: {  	s23 =	smul.f32 $1.000000000e+02, s23  }
0x76: {  	v3 =	vmul.f32 s25, v3  }
0x77: {  	v2 =	vmul.f32 s25, v2;
	s23 =	scvt.f32.s32 s23  }
0x78: {  	v0 =	vmul.f32 s25, v0;
	[tilespmem:s22+$0x2100] =	vst v3  }
0x79: {  	v1 =	vmul.f32 s25, v1;
	[tilespmem:s22+$0x2110] =	vst v2;
	p0 =	sgt.s32 s23, $0x0  }
0x7a: {  	[tilespmem:s22+$0x3100] =	vst v0;
	s23 =	simm.s32 @!p0 $0x0  }
0x7b: {  	[tilespmem:s22+$0x3110] =	vst v1;
	s23 =	smin.u32 s23, $0x4B1  }
0x7c: {  	v0 =	vld [tilespmem:s23+$0x4100];
	_ =	sdelay $0x4  }
0x7d: {  	(v2sf) =	vpush v0, $0x0;
	_ =	sdelay $0xe  }
0x7e: {  	s30 =	spop (v2sf)  }
0x7f: {  	s22 =	ssub.f32 $1.000000000e+00, s30;
	_ =	sdelay $0x1  }
0x80: {  	s22 =	smul.f32 $2.500000040e-02, s22;
	_ =	sdelay $0x1  }
0x81: {  	v60 =	vmul.f32 s22, v10  }
0x82: {  	v61 =	vmul.f32 s22, v11  }
0x83: {  	v62 =	vmul.f32 s22, v9;
	[tilespmem:s24+$0x2100] =	vst v60  }
0x84: {  	v63 =	vmul.f32 s22, v8;
	[tilespmem:s24+$0x2110] =	vst v61  }
0x85: {  	s21 =	sshll.u32 s21, $0x2;
	[tilespmem:s24+$0x3100] =	vst v62  }
0x86: {  	s31 =	sadd.s32 s7, s21;
	[tilespmem:s24+$0x3110] =	vst v63  }
0x87: {  	[hbm4b:s31+s4] =	stream.linear.scatter [tilespmem:s17], [sflag:$0x2], $0x1000, $0x38;
	[tilespmem:$0x45D0] =	vst v63  }
0x88: {  	s20 =	sadd.s32 $0x1, s20;
	_ =	swait.ge [sflag:s12], $0x1000  }
0x89: {  	p0 =	sne.s32 s20, $0x20;
	[sflag:s12] =	ssyncset.done $0x0  }
.Ltmp1:
0x8a: {  	s21 =	sadd.s32 s21, s9;
	[sflag:s12] =	ssyncadd.s32 $0xFFFFF000;
	(pc) =	sbr.rel @p0 .LBB2_2-.Ltmp1, $4  }
0x8b: {  	[hbm4b:s21+s4] =	stream.linear.scatter [tilespmem:s18], [sflag:$0x2], $0x1000, $0x38;
	[tilespmem:$0x45D0] =	vst v63  }
0x8c: {  	_ =	swait.ge [sflag:s12], $0x1000  }
0x8d: {  	[sflag:s12] =	ssyncset.done $0x0  }
0x8e: {  	[sflag:s12] =	ssyncadd.s32 $0xFFFFF000  }
0x8f: {  	s19 =	sadd.s32 $0x1, s19  }
0x90: {  	p0 =	sne.s32 s19, s10  }
.Ltmp2:
0x91: {  	_ = 	snop;
	(pc) =	sbr.rel @p0 .LBB2_1-.Ltmp2, $1  }
0x92: {  	_ =	sdelay $0x3  }
0x93: {  	_ =	sfence.sel $0x180000  }
0x94: {  	[bflag:$0x0] =	sbarrier.arrive $0xFFFF  }
0x95: {  	p0 =	sne.s32 s5, $0x0;
	_ =	strace $0x90000047  }
0x96: {  	s0 =	sadd.s32 @!p0 $0x100000, s0;
	[bflag:$0x2] =	sbarrier.arrive $0xFFFF  }
0x97: {  	[sflag:s0] =	ssyncadd.tile.s32 @!p0 $0x1;
	_ =	shalt  }
.Lfunc_end2:
_tile_overlayer_lowered:
.L_overlay_start_2:
0x98: {  	(tag) =	ssettag $0x2  }
0x99: {  	s0 =	rddreg [dreg:$0x0];
	s2 =	stileid.u32  }
0x9a: {  	s1 =	rddreg [dreg:$0x1];
	p0 =	sne.s32 s2, $0x0  }
0x9b: {  	s3 =	rddreg [dreg:$0x2];
	[bflag:$0x3] =	sbarrier.arrive $0xFFFF;
	s2 =	simm.s32 @!p0 $0x1C02  }
0x9c: {  	[timem:s3], [sflag:s2] =	dma.local @!p0 [hbm:s0], s1  }
0x9d: {  	s0 =	simm.s32 @!p0 $0x2  }
0x9e: {  	_ =	swait.ge @!p0 [sflag:s0], s1  }
0x9f: {  	s1 =	ssub.s32 @!p0 $0x0, s1;
	[sflag:s0] =	ssyncset.done @!p0 $0x0  }
0xa0: {  	[sflag:s0] =	ssyncadd.s32 @!p0 s1  }
0xa1: {  	[bflag:$0x3] =	sbarrier.arrive $0xFFFF  }
0xa2: {  	_ =	shalt  }

// kernel: kernel.9.cloned.1.call-start
scs
__scs_entry_jumppad:
0x0: {  	(pc) =	sbr.rel $0x88, $3  }
0x1: {  	(tag) =	ssettag $0x0;
	lr =	simm.s32 $0x1  }
0x2: {  	[smem:$0x3F9C] =	sst lr;
	_ =	strace $0xD0000000  }
0x3: {  	_ = 	snop  }
0x4: {  	_ = 	snop  }
0x5: {  	_ = 	snop  }
0x6: {  	_ = 	snop  }
0x7: {  	_ = 	snop  }
__scs_overlays_trampoline_lowered:
0x8: {  	[smem:$0x3FAB] =	sst s0  }
0x9: {  	[smem:$0x3FAC] =	sst s1  }
0xa: {  	[smem:$0x3FAD] =	sst s2  }
0xb: {  	[smem:$0x3FAE] =	sst s3  }
0xc: {  	[smem:$0x3FAF] =	sst s4  }
0xd: {  	[smem:$0x3FB0] =	sst s5  }
0xe: {  	[smem:$0x3FB1] =	sst s6  }
0xf: {  	[smem:$0x3FB2] =	sst s7  }
0x10: {  	[smem:$0x3FB3] =	sst s8  }
0x11: {  	[smem:$0x3FB4] =	sst s9;
	s0 =	simm.s32 @!p0 $0x0  }
0x12: {  	s1 =	sld [smem:$0x3F9A];
	s0 =	simm.s32 @p0 $0x1  }
0x13: {  	[smem:$0x3FB5] =	sst s0;
	s0 =	simm.s32 @!p1 $0x0  }
0x14: {  	s2 =	sld [smem:$0x3F99];
	s0 =	simm.s32 @p1 $0x1  }
0x15: {  	[smem:$0x3FB6] =	sst s0;
	s0 =	simm.s32 @!p2 $0x0  }
0x16: {  	s3 =	sld [smem:$0x3FDB];
	s0 =	simm.s32 @p2 $0x1  }
0x17: {  	s4 =	simm.s32 $0x1BF5;
	[smem:$0x3FB8] =	sst s0  }
0x18: {  	s0 =	sld [smem:$0x3F9B];
	_ =	swait.ge [sflag:s4], $0x0  }
0x19: {  	s7 =	sld [smem:$0x3F9C]  }
0x1a: {  	s8 =	sadd.s32 $0xFFFFE003, lr  }
0x1b: {  	s9 =	sadd.s32 $0xFFFFFEF7, lr;
	s5 =	simm.s32 $0xFFFFFFFF;
	p2 =	slt.u32 s8, $0xFFFFF086  }
0x1c: {  	p1 =	slt.u32 s9, $0xF7A;
	s5 =	simm.s32 @!p2 $0x0  }
0x1d: {  	s5 =	simm.s32 @p1 $0x1;
	p0 =	seq.s32 s7, s2  }
0x1e: {  	s7 =	smul.u32 @!p0 $0xF7A, s2;
	p2 =	seq.s32 @!p0 s5, $0x0  }
0x1f: {  	s9 =	smul.u32 $0xF7A, s1;
	s8 =	simm.s32 @!p0 $0x1BF5;
	p2 =	por !p2, p0  }
0x20: {  	[sflag:s8] =	ssyncset.s32 @!p0 $0xFFFFF086;
	s6 =	sadd.s32 @!p0 s3, s7;
	s7 =	simm.s32 @!p0 $0x108  }
0x21: {  	s3 =	sadd.s32 s3, s9;
	s6 =	sadd.s32 @!p0 $0x88, s6;
	s7 =	simm.s32 @p2 $0x1082  }
0x22: {  	[simem:s7], [sflag:s8] =	dma.local @!p0 [hbm:s6], $0xF7A  }
0x23: {  	s9 =	sor.u32 $0xD0000000, s2;
	s6 =	simm.s32 $0x108;
	_ =	swait.ge @!p0 [sflag:s8], $0x0  }
0x24: {  	s3 =	sadd.s32 $0x88, s3;
	s6 =	simm.s32 @!p1 $0x1082;
	[sflag:s4] =	ssyncset.s32 $0xFFFFF086  }
0x25: {  	[simem:s6], [sflag:s4] =	dma.local [hbm:s3], $0xF7A  }
0x26: {  	[smem:$0x3F9C] =	sst s1;
	(tag) =	ssettag s2;
	_ =	strace s9  }
0x27: {  	s1 =	sld [smem:$0x3FAC]  }
0x28: {  	s2 =	sld [smem:$0x3FAD]  }
0x29: {  	s4 =	sld [smem:$0x3FAF]  }
0x2a: {  	p0 =	seq.s32 s5, $0x0;
	s5 =	sld [smem:$0x3FB0]  }
0x2b: {  	s6 =	sld [smem:$0x3FB1]  }
0x2c: {  	s7 =	sld [smem:$0x3FB2]  }
0x2d: {  	s3 =	simm.s32 $0x108;
	s8 =	sld [smem:$0x3FB3]  }
0x2e: {  	s3 =	simm.s32 @!p0 $0x1082;
	s9 =	sld [smem:$0x3FB4]  }
0x2f: {  	lr =	sadd.s32 s0, s3;
	s0 =	sld [smem:$0x3FAB]  }
0x30: {  	s3 =	sld [smem:$0x3FAE]  }
0x31: {  	[smem:$0x3FB7] =	sst s10  }
0x32: {  	s10 =	sld [smem:$0x3FB5];
	_ =	sdelay $0x3  }
0x33: {  	p0 =	seq.s32 s10, $0x1;
	s10 =	sld [smem:$0x3FB7];
	_ =	sdelay $0x3  }
0x34: {  	[smem:$0x3FB7] =	sst s10  }
0x35: {  	s10 =	sld [smem:$0x3FB6];
	_ =	sdelay $0x3  }
0x36: {  	p1 =	seq.s32 s10, $0x1;
	s10 =	sld [smem:$0x3FB7];
	_ =	sdelay $0x3  }
0x37: {  	[smem:$0x3FB7] =	sst s10  }
0x38: {  	s10 =	sld [smem:$0x3FB8]  }
0x39: {  	_ = 	snop;
	(pc) =	sbr.ind lr, $3  }
0x3a: {  	_ = 	snop  }
0x3b: {  	_ = 	snop  }
0x3c: {  	p2 =	seq.s32 s10, $0x1;
	s10 =	sld [smem:$0x3FB7]  }
0x3d: {  	_ =	shalt  }
0x3e: {  	_ =	shalt  }
0x3f: {  	_ =	shalt  }
0x40: {  	_ =	shalt  }
0x41: {  	_ =	shalt  }
0x42: {  	_ =	shalt  }
0x43: {  	_ =	shalt  }
0x44: {  	_ =	shalt  }
0x45: {  	_ =	shalt  }
0x46: {  	_ =	shalt  }
0x47: {  	_ =	shalt  }
0x48: {  	_ =	shalt  }
0x49: {  	_ =	shalt  }
0x4a: {  	_ =	shalt  }
0x4b: {  	_ =	shalt  }
0x4c: {  	_ =	shalt  }
0x4d: {  	_ =	shalt  }
0x4e: {  	_ =	shalt  }
0x4f: {  	_ =	shalt  }
0x50: {  	_ =	shalt  }
0x51: {  	_ =	shalt  }
0x52: {  	_ =	shalt  }
0x53: {  	_ =	shalt  }
0x54: {  	_ =	shalt  }
0x55: {  	_ =	shalt  }
0x56: {  	_ =	shalt  }
0x57: {  	_ =	shalt  }
0x58: {  	_ =	shalt  }
0x59: {  	_ =	shalt  }
0x5a: {  	_ =	shalt  }
0x5b: {  	_ =	shalt  }
0x5c: {  	_ =	shalt  }
0x5d: {  	_ =	shalt  }
0x5e: {  	_ =	shalt  }
0x5f: {  	_ =	shalt  }
0x60: {  	_ =	shalt  }
0x61: {  	_ =	shalt  }
0x62: {  	_ =	shalt  }
0x63: {  	_ =	shalt  }
0x64: {  	_ =	shalt  }
0x65: {  	_ =	shalt  }
0x66: {  	_ =	shalt  }
0x67: {  	_ =	shalt  }
0x68: {  	_ =	shalt  }
0x69: {  	_ =	shalt  }
0x6a: {  	_ =	shalt  }
0x6b: {  	_ =	shalt  }
0x6c: {  	_ =	shalt  }
0x6d: {  	_ =	shalt  }
0x6e: {  	_ =	shalt  }
0x6f: {  	_ =	shalt  }
0x70: {  	_ =	shalt  }
0x71: {  	_ =	shalt  }
0x72: {  	_ =	shalt  }
0x73: {  	_ =	shalt  }
0x74: {  	_ =	shalt  }
0x75: {  	_ =	shalt  }
0x76: {  	_ =	shalt  }
0x77: {  	_ =	shalt  }
0x78: {  	_ =	shalt  }
0x79: {  	_ =	shalt  }
0x7a: {  	_ =	shalt  }
0x7b: {  	_ =	shalt  }
0x7c: {  	_ =	shalt  }
0x7d: {  	_ =	shalt  }
0x7e: {  	_ =	shalt  }
0x7f: {  	_ =	shalt  }
0x80: {  	_ =	shalt  }
0x81: {  	_ =	shalt  }
0x82: {  	_ =	shalt  }
0x83: {  	_ =	shalt  }
0x84: {  	_ =	shalt  }
0x85: {  	_ =	shalt  }
0x86: {  	_ =	shalt  }
0x87: {  	_ =	shalt  }
.Lfunc_end0:
.L_simem_size_0:
called_computation.2_lowered:
.L_overlay_start_0:
0x88: {  	s2 =	sld [smem:$0x3FD9]  }
0x89: {  	s3 =	sld [smem:$0x3FFE];
	_ =	sdelay $0x1  }
0x8a: {  	s1 =	srdreg.scid  }
0x8b: {  	s0 =	sand.u32 $0x1, s1  }
0x8c: {  	s17 =	sshll.u32 s0, $0xA;
	s2 =	sadd.s32 s3, s2  }
0x8d: {  	s2 =	sadd.s32 s2, s17  }
0x8e: {  	[smem:$0x3FC3] =	sst s2  }
0x8f: {  	_ = 	snop  }
0x90: {  	s2 =	sld [smem:$0x3FD0];
	(tm) =	ssettm $0x1  }
0x91: {  	s18 =	sld [smem:$0x3FFB];
	_ =	sdelay $0x3  }
0x92: {  	_ =	strace s18  }
0x93: {  	s3 =	sld [smem:$0x3FFC];
	_ =	sdelay $0x3  }
0x94: {  	_ =	strace s3  }
0x95: {  	s3 =	sld [smem:$0x3FFD];
	_ =	sdelay $0x3  }
0x96: {  	_ =	strace s3  }
0x97: {  	_ =	strace $0x8FFFFFFF  }
0x98: {  	s19 =	sld [smem:$0x3FDB];
	_ =	sdelay $0x1  }
0x99: {  	s4 =	simm.s32 $_scs_section_size  }
0x9a: {  	s5 =	simm.s32 $_size__tile_overlayer_lowered;
	s6 =	simm.s32 $_tile_overlayer_lowered  }
0x9b: {  	s22 =	simm.s32 $0x1BFF;
	s21 =	sshll.u32 s6, $0x1;
	s3 =	sadd.s32 s4, s19  }
0x9c: {  	s7 =	simm.s32 $0x0;
	s20 =	sshll.u32 s5, $0x1;
	s5 =	sadd.s32 s21, s3  }
0x9d: {  	[timem:s7], [sflag:s22] =	dma.local [hbm:s5], s20  }
0x9e: {  	_ =	swait.ge [sflag:s22], s20  }
0x9f: {  	s4 =	ssub.s32 $0x0, s20;
	[sflag:s22] =	ssyncset.done $0x0  }
0xa0: {  	[sflag:s22] =	ssyncadd.s32 s4;
	_ =	sdelay $0x1  }
0xa1: {  	s23 =	simm.s32 $0x1B8B  }
0xa2: {  	_ =	swait.ge [sflag:s23], $0x1  }
0xa3: {  	[sflag:s23] =	ssyncset.done $0x0  }
0xa4: {  	s25 =	simm.s32 $0x1B8E;
	s24 =	sld [smem:$0x3FFE];
	[sflag:s23] =	ssyncadd.s32 $0xFFFFFFFF  }
0xa5: {  	s26 =	simm.s32 $execute0_lowered;
	[smem:$0x3FD2] =	sst s25  }
0xa6: {  	s5 =	sshll.u32 s26, $0x1;
	_ =	strace $0x80000049;
	[dreg:$0x1] =	wrdreg $0xFFFFFFFF  }
0xa7: {  	s28 =	simm.s32 $_size_execute0_lowered;
	s3 =	sadd.s32 s3, s5;
	[dreg:$0x0] =	wrdreg $0x0  }
0xa8: {  	s5 =	sshll.u32 s28, $0x1;
	[dreg:$0x2] =	wrdreg s3  }
0xa9: {  	[dreg:$0x3] =	wrdreg s5  }
0xaa: {  	[dreg:$0x4] =	wrdreg $0xC0  }
0xab: {  	_ =	task [dreg:s7], $0x5FFFF  }
0xac: {  	[dreg:$0x1] =	wrdreg $0xFFFFFFFF  }
0xad: {  	[dreg:$0x0] =	wrdreg $0x60  }
0xae: {  	[dreg:$0x2] =	wrdreg s2  }
0xaf: {  	[dreg:$0x3] =	wrdreg s24  }
0xb0: {  	[dreg:$0x4] =	wrdreg $0x9  }
0xb1: {  	_ =	task.clear_ibuf [dreg:s7], $0x5FFFF;
	_ =	strace $0x90000049  }
0xb2: {  	s29 =	simm.s32 $0x9;
	_ =	strace $0x8000004B  }
0xb3: {  	_ =	swait.ge [sflag:s29], $0x1  }
0xb4: {  	[sflag:s29] =	ssyncadd.s32 $0xFFFFFFFF  }
0xb5: {  	_ =	strace $0x9000004B  }
0xb6: {  	_ =	sfence  }
0xb7: {  	s30 =	sld [smem:$0x0];
	_ =	sdelay $0x2  }
0xb8: {  	s31 =	sshll.u32 s1, $0xD;
	s1 =	sshrl.u32 s1, $0x2  }
0xb9: {  	s3 =	sand.u32 $0x4000, s31;
	s1 =	sadd.s32 s1, s30  }
0xba: {  	s0 =	sor.u32 s3, s0;
	s1 =	sshll.u32 s1, $0x11  }
0xbb: {  	s0 =	sor.u32 s1, s0  }
0xbc: {  	s0 =	sadd.s32 $0x8F2B, s0  }
0xbd: {  	[sflag:s0] =	ssyncadd.remote.s32 $0x1  }
0xbe: {  	_ =	sfence.sel $0xFFFF  }
0xbf: {  	[dreg:$0x0] =	wrdreg $0xFFFFFFFF;
	(pc) =	sbr.abs _section_cstart, $3  }
0xc0: {  	[dreg:$0x1] =	wrdreg $0xFFFFFFFF  }
0xc1: {  	_ =	task.clear_ibuf [dreg:s7], $0x2FFFF;
	_ =	strace $0x9FFFFFFF  }
0xc2: {  	(tm) =	ssettm $0x7FFFFFFF  }
0xc3: {  	_ =	shalt  }
tec
execute0_lowered:
.L_overlay_start_1:
0x0: {  	(tag) =	ssettag $0x1  }
0x1: {  	s1 =	rddreg [dreg:$0x0]  }
0x2: {  	s0 =	rddreg [dreg:$0x1]  }
0x3: {  	s2 =	simm.s32 $0x0;
	s4 =	srdreg.scid;
	s8 =	stileid.u32  }
0x4: {  	s15 =	simm.s32 $0x2;
	s18 =	simm.s32 $0xFA00;
	s19 =	simm.s32 $0xFA90  }
0x5: {  	s20 =	simm.s32 $0x80;
	s21 =	simm.s32 $0xFB10;
	s22 =	simm.s32 $0x1  }
0x6: {  	s23 =	simm.s32 $0x0;
	[smem:$0x7FF] =	sst s2;
	s3 =	sadd.s32 $0x1000, s0  }
0x7: {  	s26 =	simm.s32 $0x0;
	s5 =	sadd.s32 $0x109200, s0;
	s6 =	sadd.s32 $0x101200, s0  }
0x8: {  	s7 =	sadd.s32 $0x111200, s0;
	s4 =	sand.u32 $0x1, s4;
	s29 =	sadd.s32 $0x111400, s0  }
.Ltmp0:
0x9: {  	s8 =	sshll.u32 s8, $0x1;
	s9 =	sadd.s32 $0x111600, s0;
	(pc) =	sbr.rel .LBB2_1-.Ltmp0, $4  }
0xa: {  	s11 =	sadd.s32 $0x111800, s0;
	_ =	strace $0x8000004A;
	s30 =	ssub.s32 $0x2, s4  }
0xb: {  	[dreg:$0x3] =	wrdreg s7;
	s10 =	sor.u32 s8, s4;
	s12 =	sshrl.u32 s30, $0x1  }
0xc: {  	[dreg:$0x4] =	wrdreg s29;
	s4 =	ssub.s32 $0x1F3, s10;
	s31 =	ssub.s32 s30, s12  }
0xd: {  	[dreg:$0x5] =	wrdreg s9;
	s12 =	sshrl.u32 s4, $0x5;
	s13 =	smax.u32 s31, $0x1  }
.LBB2_8:
0xe: {  	s23 =	sadd.s32 $0x1, s23  }
0xf: {  	p0 =	sne.s32 s23, s13  }
.Ltmp1:
0x10: {  	_ = 	snop;
	(pc) =	sbr.rel @!p0 .LBB2_9-.Ltmp1, $1  }
0x11: {  	_ =	sdelay $0x3  }
.LBB2_1:
0x12: {  	s0 =	rddreg [dreg:$0x3];
	s4 =	simm.s32 $0x10B10  }
0x13: {  	[tilespmem:s4], [sflag:$0x2] =	stream.linear.gather [hbm4b:s0+s2], $0x200, $0x38;
	[tilespmem:$0x11140] =	vst v63  }
0x14: {  	_ =	swait.ge [sflag:s15], $0x200  }
0x15: {  	[sflag:s15] =	ssyncset.done $0x0  }
0x16: {  	s29 =	simm.s32 $0x10D20;
	s28 =	rddreg [dreg:$0x4];
	[sflag:s15] =	ssyncadd.s32 $0xFFFFFE00  }
0x17: {  	[tilespmem:s29], [sflag:$0x2] =	stream.linear.gather [hbm4b:s28+s2], $0x200, $0x38;
	[tilespmem:$0x11140] =	vst v63  }
0x18: {  	_ =	swait.ge [sflag:s15], $0x200  }
0x19: {  	s31 =	simm.s32 $0x10F30;
	[sflag:s15] =	ssyncset.done $0x0  }
.Ltmp2:
0x1a: {  	s30 =	rddreg [dreg:$0x5];
	[sflag:s15] =	ssyncadd.s32 $0xFFFFFE00;
	(pc) =	sbr.rel .LBB2_2-.Ltmp2, $4  }
0x1b: {  	[tilespmem:s31], [sflag:$0x2] =	stream.linear.gather [hbm4b:s30+s2], $0x200, $0x38;
	[tilespmem:$0x11140] =	vst v63  }
0x1c: {  	_ =	swait.ge [sflag:s15], $0x200  }
0x1d: {  	[sflag:s15] =	ssyncset.done $0x0  }
0x1e: {  	s24 =	simm.s32 $0x0;
	[sflag:s15] =	ssyncadd.s32 $0xFFFFFE00  }
.LBB2_7:
0x1f: {  	p0 =	sne.s32 s24, s12  }
.Ltmp3:
0x20: {  	s0 =	sadd.s32 s11, s25;
	(pc) =	sbr.rel @!p0 .LBB2_8-.Ltmp3, $4  }
0x21: {  	[hbm4b:s0+s2] =	stream.linear.scatter [tilespmem:s2], [sflag:$0x2], $0xFA00, $0x38;
	[tilespmem:$0x11140] =	vst v63  }
0x22: {  	_ =	swait.ge [sflag:s15], $0xFA00  }
0x23: {  	s31 =	sadd.s32 $0x1, s24;
	[sflag:s15] =	ssyncset.done $0x0  }
0x24: {  	s24 =	smov.u32 s31;
	[sflag:s15] =	ssyncadd.s32 $0xFFFF0600  }
.LBB2_2:
0x25: {  	s0 =	sshll.u32 s24, $0x5  }
0x26: {  	s0 =	sor.u32 s10, s0  }
0x27: {  	s4 =	smul.u32 $0xFA00, s0;
	_ =	sdelay $0x1  }
0x28: {  	s25 =	sshrl.u32 s4, $0x3  }
0x29: {  	s4 =	sadd.s32 s1, s25  }
0x2a: {  	[tilespmem:s26], [sflag:$0x2] =	stream.linear.gather [hbm4b:s4+s26], $0xFA00, $0x38;
	[tilespmem:$0x11140] =	vst v63  }
0x2b: {  	_ =	swait.ge [sflag:s15], $0xFA00  }
0x2c: {  	[sflag:s15] =	ssyncset.done $0x0  }
0x2d: {  	[sflag:s15] =	ssyncadd.s32 $0xFFFF0600  }
0x2e: {  	v0 =	vld [tilespmem:s0+$0x10B10]  }
0x2f: {  	v1 =	vld [tilespmem:s0+$0x10B11]  }
0x30: {  	v2 =	vld [tilespmem:s0+$0x10D20]  }
0x31: {  	v3 =	vld [tilespmem:s0+$0x10F30];
	_ =	sdelay $0x1  }
0x32: {  	(v2sf) =	vpush v0, $0x0  }
0x33: {  	(v2sf) =	vpush v1, $0x0  }
0x34: {  	(v2sf) =	vpush v2, $0x0  }
0x35: {  	(v2sf) =	vpush v3, $0x0;
	_ =	sdelay $0xb  }
0x36: {  	s28 =	spop (v2sf)  }
0x37: {  	s29 =	spop (v2sf)  }
0x38: {  	s7 =	spop (v2sf)  }
0x39: {  	s31 =	spop (v2sf)  }
0x3a: {  	p0 =	slt.s32 s31, $0x1  }
.Ltmp4:
0x3b: {  	_ = 	snop;
	(pc) =	sbr.rel @p0 .LBB2_7-.Ltmp4, $1  }
0x3c: {  	_ =	sdelay $0x3  }
0x3d: {  	s0 =	smul.u32 $0xFFFFF830, s0;
	s4 =	smov.u32 s7;
	s14 =	simm.s32 $0x0  }
.LBB2_4:
0x3e: {  	s8 =	sshll.u32 s14, $0x7  }
0x3f: {  	s8 =	sadd.s32 s7, s8  }
0x40: {  	s8 =	sshrl.u32 s8, $0x3  }
0x41: {  	s16 =	sadd.s32 s5, s8  }
0x42: {  	[tilespmem:s18], [sflag:$0x2] =	stream.linear.gather [hbm4b:s16+s26], $0x80, $0x38;
	[tilespmem:$0x11140] =	vst v63  }
0x43: {  	_ =	swait.ge [sflag:s15], $0x80  }
0x44: {  	[sflag:s15] =	ssyncset.done $0x0  }
0x45: {  	s8 =	sadd.s32 s6, s8;
	[sflag:s15] =	ssyncadd.s32 $0xFFFFFF80  }
0x46: {  	[tilespmem:s19], [sflag:$0x2] =	stream.linear.gather [hbm4b:s8+s26], $0x80, $0x38;
	[tilespmem:$0x11140] =	vst v63  }
0x47: {  	_ =	swait.ge [sflag:s15], $0x80  }
0x48: {  	[sflag:s15] =	ssyncset.done $0x0  }
0x49: {  	[sflag:s15] =	ssyncadd.s32 $0xFFFFFF80  }
0x4a: {  	[tilespmem:s21], [sflag:$0x1] =	stream.indirect.gather [hbm4b:s3+s20], $0x20, s19, s20, $0xb8;
	[tilespmem:$0x11140] =	vst v63  }
0x4b: {  	_ =	swait.ge [sflag:s22], $0x1000  }
0x4c: {  	[sflag:s22] =	ssyncset.done $0x0  }
0x4d: {  	s16 =	simm.s32 $0x0;
	[sflag:s22] =	ssyncadd.s32 $0xFFFFF000  }
0x4e: {  	v0 =	vld [tilespmem:s16+$0xFA00];
	_ =	sdelay $0x4  }
0x4f: {  	(v2sf) =	vpush v0, $0x0;
	_ =	sdelay $0xe  }
0x50: {  	s17 =	spop (v2sf)  }
0x51: {  	s8 =	sadd.s32 s0, s17  }
0x52: {  	p0 =	sgt.s32 s8, $0x0  }
0x53: {  	s16 =	simm.s32 $0xFB20;
	s8 =	simm.s32 @!p0 $0x0  }
0x54: {  	v1 =	vld [tilespmem:s16+$0xFFFFFFF0];
	s8 =	smin.u32 s8, $0x7CF  }
0x55: {  	v0 =	vld [tilespmem:s16+$0x0];
	s8 =	sshll.u32 s8, $0x5  }
0x56: {  	v2 =	vld [tilespmem:s8+$0x0]  }
0x57: {  	p6 =	sge.s32 s4, s28;
	p1 =	slt.s32 s4, s29;
	v3 =	vld [tilespmem:s8+$0x10]  }
0x58: {  	p0 =	por !p6, !p1  }
0x59: {  	p0 =	por !p0, !p0  }
0x5a: {  	v1 =	vpsel !p0, $0x0, v1  }
0x5b: {  	v0 =	vpsel !p0, $0x0, v0;
	v1 =	vadd.f32 v2, v1  }
0x5c: {  	s30 =	smov.u32 s4;
	s17 =	simm.s32 $0x4;
	v0 =	vadd.f32 v3, v0  }
.LBB2_5:
0x5d: {  	p0 =	sne.s32 s17, $0x1FC;
	[tilespmem:s8+$0x0] =	vst v1;
	s30 =	sadd.s32 $0x1, s30;
	s16 =	sadd.s32 $0x20, s16  }
0x5e: {  	s9 =	sshra.s32 s17, $0x2;
	s17 =	sadd.s32 $0x4, s17;
	[tilespmem:s8+$0x10] =	vst v0  }
0x5f: {  	v0 =	vld [tilespmem:s9+$0xFA00];
	_ =	sdelay $0x4  }
0x60: {  	(v2sf) =	vpush v0, $0x0;
	_ =	sdelay $0xe  }
0x61: {  	s8 =	spop (v2sf)  }
0x62: {  	s8 =	sadd.s32 s0, s8  }
0x63: {  	p1 =	sgt.s32 s8, $0x0  }
0x64: {  	s8 =	simm.s32 @!p1 $0x0  }
0x65: {  	s8 =	smin.u32 s8, $0x7CF;
	v0 =	vld [tilespmem:s16+$0x0]  }
0x66: {  	v1 =	vld [tilespmem:s16+$0xFFFFFFF0];
	s8 =	sshll.u32 s8, $0x5  }
0x67: {  	v2 =	vld [tilespmem:s8+$0x0]  }
0x68: {  	p2 =	slt.s32 s30, s29;
	p1 =	sge.s32 s30, s28;
	v3 =	vld [tilespmem:s8+$0x10]  }
.Ltmp5:
0x69: {  	p1 =	por !p1, !p2;
	(pc) =	sbr.rel @p0 .LBB2_5-.Ltmp5, $4  }
0x6a: {  	p1 =	por !p1, !p1  }
0x6b: {  	v0 =	vpsel !p1, $0x0, v0;
	v1 =	vpsel !p1, $0x0, v1  }
0x6c: {  	v1 =	vadd.f32 v2, v1  }
0x6d: {  	v0 =	vadd.f32 v3, v0  }
0x6e: {  	s14 =	sadd.s32 $0x1, s14  }
0x6f: {  	p0 =	sne.s32 s14, s31  }
.Ltmp6:
0x70: {  	_ = 	snop;
	(pc) =	sbr.rel @p0 .LBB2_4-.Ltmp6, $4  }
.Ltmp7:
0x71: {  	_ = 	snop;
	(pc) =	sbr.rel @!p0 .LBB2_7-.Ltmp7, $4  }
0x72: {  	_ = 	snop  }
0x73: {  	[tilespmem:s8+$0x0] =	vst v1  }
0x74: {  	s4 =	sadd.s32 $0x80, s4;
	[tilespmem:s8+$0x10] =	vst v0  }
0x75: {  	_ = 	snop  }
.LBB2_9:
0x76: {  	_ =	sfence.sel $0x180000  }
0x77: {  	[bflag:$0x0] =	sbarrier.arrive $0xFFFF  }
0x78: {  	_ =	strace $0x9000004A  }
0x79: {  	s0 =	stileid.u32;
	[bflag:$0x2] =	sbarrier.arrive $0xFFFF  }
0x7a: {  	p0 =	sne.s32 s0, $0x0;
	s0 =	rddreg [dreg:$0x2]  }
0x7b: {  	s0 =	sadd.s32 @!p0 $0x100000, s0  }
0x7c: {  	[sflag:s0] =	ssyncadd.tile.s32 @!p0 $0x1;
	_ =	shalt  }
.Lfunc_end2:
_tile_overlayer_lowered:
.L_overlay_start_2:
0x7d: {  	(tag) =	ssettag $0x2  }
0x7e: {  	s0 =	rddreg [dreg:$0x0];
	s2 =	stileid.u32  }
0x7f: {  	s1 =	rddreg [dreg:$0x1];
	p0 =	sne.s32 s2, $0x0  }
0x80: {  	s3 =	rddreg [dreg:$0x2];
	[bflag:$0x3] =	sbarrier.arrive $0xFFFF;
	s2 =	simm.s32 @!p0 $0x1C02  }
0x81: {  	[timem:s3], [sflag:s2] =	dma.local @!p0 [hbm:s0], s1  }
0x82: {  	s0 =	simm.s32 @!p0 $0x2  }
0x83: {  	_ =	swait.ge @!p0 [sflag:s0], s1  }
0x84: {  	s1 =	ssub.s32 @!p0 $0x0, s1;
	[sflag:s0] =	ssyncset.done @!p0 $0x0  }
0x85: {  	[sflag:s0] =	ssyncadd.s32 @!p0 s1  }
0x86: {  	[bflag:$0x3] =	sbarrier.arrive $0xFFFF  }
0x87: {  	_ =	shalt  }

// kernel: sparse-core-data-format-call.cloned.1.call-start
scs
called_computation_lowered:
.L_overlay_start_0:
0x0: {  	s2 =	sld [smem:$0x3FD9]  }
0x1: {  	s3 =	sld [smem:$0x3FFE];
	_ =	sdelay $0x1  }
0x2: {  	s1 =	srdreg.scid  }
0x3: {  	s0 =	sand.u32 $0x1, s1  }
0x4: {  	s18 =	sshll.u32 s0, $0xA;
	s2 =	sadd.s32 s3, s2  }
0x5: {  	s2 =	sadd.s32 s2, s18  }
0x6: {  	[smem:$0x3FC3] =	sst s2  }
0x7: {  	_ = 	snop  }
0x8: {  	s2 =	sld [smem:$0x3FD0];
	(tm) =	ssettm $0x1  }
0x9: {  	s19 =	sld [smem:$0x3FFB];
	_ =	sdelay $0x3  }
0xa: {  	_ =	strace s19  }
0xb: {  	s3 =	sld [smem:$0x3FFC];
	_ =	sdelay $0x3  }
0xc: {  	_ =	strace s3  }
0xd: {  	s3 =	sld [smem:$0x3FFD];
	_ =	sdelay $0x3  }
0xe: {  	_ =	strace s3  }
0xf: {  	_ =	strace $0x8FFFFFFF  }
0x10: {  	s20 =	sld [smem:$0x3FDB];
	_ =	sdelay $0x1  }
0x11: {  	s4 =	simm.s32 $_scs_section_size  }
0x12: {  	s5 =	simm.s32 $_size__tile_overlayer_lowered;
	s6 =	simm.s32 $_tile_overlayer_lowered  }
0x13: {  	s23 =	simm.s32 $0x1BFF;
	s22 =	sshll.u32 s6, $0x1;
	s3 =	sadd.s32 s4, s20  }
0x14: {  	s7 =	simm.s32 $0x0;
	s21 =	sshll.u32 s5, $0x1;
	s5 =	sadd.s32 s22, s3  }
0x15: {  	[timem:s7], [sflag:s23] =	dma.local [hbm:s5], s21  }
0x16: {  	_ =	swait.ge [sflag:s23], s21  }
0x17: {  	s4 =	ssub.s32 $0x0, s21;
	[sflag:s23] =	ssyncset.done $0x0  }
0x18: {  	[sflag:s23] =	ssyncadd.s32 s4;
	_ =	sdelay $0x1  }
0x19: {  	s24 =	simm.s32 $0x1B8B  }
0x1a: {  	_ =	swait.ge [sflag:s24], $0x1  }
0x1b: {  	[sflag:s24] =	ssyncset.done $0x0  }
0x1c: {  	s26 =	simm.s32 $0x1B8E;
	s25 =	sld [smem:$0x3FFE];
	[sflag:s24] =	ssyncadd.s32 $0xFFFFFFFF  }
0x1d: {  	s27 =	simm.s32 $execute0_lowered;
	[smem:$0x3FD2] =	sst s26  }
0x1e: {  	s5 =	sshll.u32 s27, $0x1;
	_ =	strace $0x80000052;
	[dreg:$0x1] =	wrdreg $0xFFFFFFFF  }
0x1f: {  	s28 =	simm.s32 $_size_execute0_lowered;
	s3 =	sadd.s32 s3, s5;
	[dreg:$0x0] =	wrdreg $0x0  }
0x20: {  	s5 =	sshll.u32 s28, $0x1;
	[dreg:$0x2] =	wrdreg s3  }
0x21: {  	[dreg:$0x3] =	wrdreg s5  }
0x22: {  	[dreg:$0x4] =	wrdreg $0xC0  }
0x23: {  	_ =	task [dreg:s7], $0x5FFFF  }
0x24: {  	[dreg:$0x1] =	wrdreg $0xFFFFFFFF  }
0x25: {  	[dreg:$0x0] =	wrdreg $0x60  }
0x26: {  	[dreg:$0x2] =	wrdreg s25  }
0x27: {  	[dreg:$0x3] =	wrdreg s2  }
0x28: {  	[dreg:$0x4] =	wrdreg $0x9  }
0x29: {  	_ =	task.clear_ibuf [dreg:s7], $0x5FFFF;
	_ =	strace $0x90000052  }
0x2a: {  	s29 =	simm.s32 $0x9;
	_ =	strace $0x80000054  }
0x2b: {  	_ =	swait.ge [sflag:s29], $0x1  }
0x2c: {  	[sflag:s29] =	ssyncadd.s32 $0xFFFFFFFF  }
0x2d: {  	_ =	strace $0x90000054  }
0x2e: {  	_ =	sfence  }
0x2f: {  	s30 =	sld [smem:$0x0];
	_ =	sdelay $0x2  }
0x30: {  	s31 =	sshll.u32 s1, $0xD;
	s1 =	sshrl.u32 s1, $0x2  }
0x31: {  	s3 =	sand.u32 $0x4000, s31;
	s1 =	sadd.s32 s1, s30  }
0x32: {  	s0 =	sor.u32 s3, s0;
	s1 =	sshll.u32 s1, $0x11  }
0x33: {  	s0 =	sor.u32 s1, s0  }
0x34: {  	s0 =	sadd.s32 $0x8F2B, s0  }
0x35: {  	[sflag:s0] =	ssyncadd.remote.s32 $0x1  }
0x36: {  	_ =	sfence.sel $0xFFFF  }
0x37: {  	[dreg:$0x0] =	wrdreg $0xFFFFFFFF;
	(pc) =	sbr.abs _section_cstart, $3  }
0x38: {  	[dreg:$0x1] =	wrdreg $0xFFFFFFFF  }
0x39: {  	_ =	task.clear_ibuf [dreg:s7], $0x2FFFF;
	_ =	strace $0x9FFFFFFF  }
0x3a: {  	(tm) =	ssettm $0x7FFFFFFF  }
0x3b: {  	_ =	shalt  }
tec
execute0_lowered:
.L_overlay_start_1:
0x0: {  	(tag) =	ssettag $0x1  }
0x1: {  	s4 =	rddreg [dreg:$0x0]  }
0x2: {  	s0 =	srdreg.scid;
	s2 =	rddreg [dreg:$0x1]  }
0x3: {  	s1 =	stileid.u32;
	s5 =	simm.s32 $0x1;
	s0 =	sshll.u32 s0, $0x4  }
0x4: {  	s7 =	simm.s32 $0x2;
	s11 =	simm.s32 $0x0;
	s3 =	sand.u32 $0x10, s0  }
.Ltmp0:
0x5: {  	p0 =	por $0x0, $0x0;
	s3 =	sor.u32 s1, s3;
	(pc) =	sbr.rel .LBB1_1-.Ltmp0, $4  }
0x6: {  	s8 =	simm.s32 $0x7A1400;
	s10 =	simm.s32 $0x0;
	s3 =	sshll.u32 s3, $0x7  }
0x7: {  	s0 =	rddreg [dreg:$0x2];
	_ =	strace $0x80000053;
	s6 =	ssub.s32 $0xF4200, s3  }
0x8: {  	s4 =	sadd.s32 $0xE00, s4;
	[sflag:s5] =	ssyncpa.u1 $0x0;
	s6 =	sshrl.u32 s6, $0xC  }
0x9: {  	[sflag:s7] =	ssyncpa.u1 $0x0;
	s9 =	smov.u32 s3;
	s7 =	sadd.s32 $0x2, s6  }
.LBB1_5:
0xa: {  	s13 =	sadd.s32 $0x1000, s9  }
0xb: {  	p2 =	sgt.s32 s13, $0xF423F  }
0xc: {  	s13 =	smov.u32 @p2 s3;
	p2 =	sne.s32 s10, s7  }
.Ltmp1:
0xd: {  	p1 =	slt.u32 s10, $0x2;
	(pc) =	sbr.rel @!p2 .LBB1_6-.Ltmp1, $4  }
0xe: {  	s12 =	simm.s32 @!p1 $0x2  }
0xf: {  	s14 =	sadd.s32 $0x1, s10;
	_ =	swait.ge @!p1 [sflag:s12], $0x1000  }
0x10: {  	s11 =	smov.u32 s9;
	p0 =	por !p0, !p0;
	[sflag:s12] =	ssyncset.done @!p1 $0x0  }
0x11: {  	s10 =	smov.u32 s14;
	s9 =	smov.u32 s13;
	[sflag:s12] =	ssyncadd.s32 @!p1 $0xFFFFF000  }
.LBB1_1:
0x12: {  	p1 =	sgt.u32 s10, s6  }
0x13: {  	s13 =	smov.u32 s9;
	p2 =	sgt.s32 @!p1 s9, $0xF41C0  }
0x14: {  	s12 =	sand.u32 @!p1 $0x1FFFFFF, s9;
	s14 =	sshra.s32 @!p1 s9, $0x1F;
	p2 =	por !p2, p1  }
0x15: {  	s15 =	smulhi.u32 @!p1 $0x218DEF5, s12;
	s14 =	sand.u32 @!p1 s14, s9;
	s13 =	simm.s32 @p2 $0xF41C0  }
0x16: {  	s13 =	ssub.s32 @!p1 s13, s14  }
0x17: {  	s14 =	sshrl.u32 @!p1 s15, $0xD;
	s13 =	sadd.s32 @!p1 $0xFFF0BE40, s13  }
0x18: {  	s15 =	sxor.u32 @!p1 $0xFFFFFFFF, s10;
	s14 =	smul.u32 @!p1 $0xF4240, s14;
	s16 =	sshll.u32 @!p1 s13, $0x7  }
0x19: {  	s15 =	sshll.u32 @!p1 s15, $0xC;
	p2 =	sgt.s32 @!p1 s13, $0x7F;
	s13 =	ssub.s32 @!p1 $0x4000, s16  }
0x1a: {  	s12 =	ssub.s32 @!p1 s12, s14;
	p2 =	por !p2, p1;
	s14 =	sand.u32 @!p1 $0x1000, s15  }
0x1b: {  	s15 =	simm.s32 @!p1 $0x20;
	s13 =	sshrl.u32 @!p1 s13, $0x2;
	s12 =	sshll.u32 @!p1 s12, $0x4  }
0x1c: {  	s16 =	simm.s32 @!p1 $0x80;
	s13 =	simm.s32 @!p2 $0x0;
	s12 =	sadd.s32 @!p1 s4, s12  }
0x1d: {  	[tilespmem:s14], [sflag:$0x1] =	stream.strided.gather @!p1 [hbm4b:s12+s15], s13, s16, s15, $0x38;
	[tilespmem:$0x4040] =	vst v63  }
0x1e: {  	p1 =	seq.s32 s10, $0x0  }
0x1f: {  	p2 =	sge.u32 @!p1 s10, s7  }
0x20: {  	p1 =	por p1, p2  }
.Ltmp2:
0x21: {  	_ = 	snop;
	(pc) =	sbr.rel @p1 .LBB1_5-.Ltmp2, $1  }
0x22: {  	_ =	sdelay $0x3  }
0x23: {  	p1 =	sgt.s32 s11, $0xF41C0;
	s12 =	smov.u32 s11;
	s13 =	sshra.s32 s11, $0x1F  }
0x24: {  	s12 =	simm.s32 @!p1 $0xF41C0;
	s13 =	sand.u32 s13, s11  }
0x25: {  	s12 =	ssub.s32 s12, s13  }
0x26: {  	s12 =	sadd.s32 $0xFFF0BE40, s12  }
0x27: {  	s28 =	sshll.u32 s12, $0x7  }
0x28: {  	s13 =	ssub.s32 $0x4000, s28  }
0x29: {  	p1 =	sgt.s32 s12, $0x7F;
	s12 =	sshrl.u32 s13, $0x2  }
0x2a: {  	s13 =	simm.s32 $0x1;
	s12 =	simm.s32 @p1 $0x0  }
0x2b: {  	s13 =	simm.s32 @!p0 $0x0;
	_ =	swait.ge [sflag:s5], s12  }
0x2c: {  	s14 =	sshll.u32 s13, $0xC;
	s12 =	ssub.s32 $0x0, s12;
	[sflag:s5] =	ssyncset.done $0x0  }
0x2d: {  	s16 =	sor.u32 $0x10, s14;
	[sflag:s5] =	ssyncadd.s32 s12  }
0x2e: {  	s29 =	smul.u32 $0x4080, s13;
	v1 =	vld [tilespmem:s16+$0x0]  }
0x2f: {  	s30 =	sand.u32 $0x1, s10;
	v0 =	vld [tilespmem:s16+$0xFFFFFFF0]  }
0x30: {  	s13 =	smul.u32 $0x4080, s30;
	s12 =	sshrl.u32 s29, $0x2  }
0x31: {  	s14 =	sor.u32 $0x2000, s12  }
0x32: {  	s31 =	sshrl.u32 s13, $0x2;
	s13 =	sadd.s32 $0x0, s14  }
0x33: {  	s15 =	simm.s32 $0x4;
	s12 =	sor.u32 $0x2000, s31;
	s16 =	sadd.s32 $0x20, s16;
	[tilespmem:s13+$0x810 ss:$0x81] =	vst.msk $0xffff, v1  }
.LBB1_3:
0x34: {  	v1 =	vld [tilespmem:s16+$0x0];
	p1 =	sne.s32 s15, $0x1FC;
	[tilespmem:s13+$0x0 ss:$0x81] =	vst.msk $0xffff, v0;
	s13 =	smov.u32 s15;
	s15 =	sadd.s32 $0x4, s15  }
.Ltmp3:
0x35: {  	v0 =	vld [tilespmem:s16+$0xFFFFFFF0];
	(pc) =	sbr.rel @p1 .LBB1_3-.Ltmp3, $4  }
0x36: {  	_ = 	snop  }
0x37: {  	s13 =	sshra.s32 s13, $0x2  }
0x38: {  	s13 =	sadd.s32 s13, s14  }
0x39: {  	s16 =	sadd.s32 $0x20, s16;
	[tilespmem:s13+$0x810 ss:$0x81] =	vst.msk $0xffff, v1  }
0x3a: {  	s14 =	sshll.u32 s11, $0x3  }
0x3b: {  	s30 =	sand.u32 $0x7F, s11;
	s14 =	sand.u32 $0xFFFFFC00, s14  }
0x3c: {  	s11 =	sor.u32 s30, s14  }
0x3d: {  	s15 =	smulhi.u32 $0x218D6287, s11;
	_ =	sdelay $0x1  }
0x3e: {  	s14 =	smulhi.u32 $0x218D6287, s14;
	s15 =	sshrl.u32 s15, $0x11  }
0x3f: {  	s15 =	smul.u32 $0xF4280, s15  }
0x40: {  	s14 =	sshrl.u32 s14, $0x11  }
.Ltmp4:
0x41: {  	s14 =	sand.u32 $0x1F, s14;
	s11 =	ssub.s32 s11, s15;
	(pc) =	sbr.rel .LBB1_5-.Ltmp4, $4  }
0x42: {  	s14 =	smul.u32 $0x1E850, s14;
	s15 =	sshrl.u32 s11, $0x3;
	s11 =	sand.u32 $0x7, s11  }
0x43: {  	s15 =	sadd.s32 s2, s15;
	s11 =	sshll.u32 s11, $0x12  }
0x44: {  	[tilespmem:s13+$0x0 ss:$0x81] =	vst.msk $0xffff, v0;
	s31 =	sadd.s32 s14, s15;
	s11 =	sor.u32 $0x400, s11  }
0x45: {  	[hbm4b:s31+s11] =	stream.strided.scatter [tilespmem:s12], [sflag:$0x2], $0x1000, s8, s11, $0x20;
	[tilespmem:$0x4040] =	vst v63  }
.LBB1_6:
0x46: {  	_ =	sfence.sel $0x180000  }
0x47: {  	s2 =	simm.s32 $0x1;
	[bflag:$0x0] =	sbarrier.arrive $0xFFFF  }
0x48: {  	s31 =	simm.s32 $0x2;
	[sflag:s2] =	ssyncpa.u1 $0x1  }
0x49: {  	[sflag:s31] =	ssyncpa.u1 $0x1  }
0x4a: {  	p0 =	sne.s32 s1, $0x0;
	_ =	strace $0x90000053  }
0x4b: {  	s0 =	sadd.s32 @!p0 $0x100000, s0;
	[bflag:$0x2] =	sbarrier.arrive $0xFFFF  }
0x4c: {  	[sflag:s0] =	ssyncadd.tile.s32 @!p0 $0x1;
	_ =	shalt  }
.Lfunc_end1:
_tile_overlayer_lowered:
.L_overlay_start_2:
0x4d: {  	(tag) =	ssettag $0x2  }
0x4e: {  	s0 =	rddreg [dreg:$0x0];
	s2 =	stileid.u32  }
0x4f: {  	s1 =	rddreg [dreg:$0x1];
	p0 =	sne.s32 s2, $0x0  }
0x50: {  	s3 =	rddreg [dreg:$0x2];
	[bflag:$0x3] =	sbarrier.arrive $0xFFFF;
	s2 =	simm.s32 @!p0 $0x1C01  }
0x51: {  	[timem:s3], [sflag:s2] =	dma.local @!p0 [hbm:s0], s1  }
0x52: {  	s0 =	simm.s32 @!p0 $0x1  }
0x53: {  	_ =	swait.ge @!p0 [sflag:s0], s1  }
0x54: {  	s1 =	ssub.s32 @!p0 $0x0, s1;
	[sflag:s0] =	ssyncset.done @!p0 $0x0  }
0x55: {  	[sflag:s0] =	ssyncadd.s32 @!p0 s1  }
0x56: {  	[bflag:$0x3] =	sbarrier.arrive $0xFFFF  }
0x57: {  	_ =	shalt  }

</sc_bundles>
